<compile_context>
chip_gen: v7x
topology: tpu7x:2x2x1
jax: 0.10.2.dev20260603
libtpu: 0.0.44.dev20260713+nightly
codegen_flags: <defaults>
</compile_context>

<pallas_src>
import functools

import jax
import jax.numpy as jnp
from jax import lax
from jax.experimental import pallas as pl
from jax.experimental.pallas import tpu as pltpu
from jax.experimental.pallas import tpu_sc as plsc

N = 10000
D = 128
E = 320000

NC = 2
NS = 16
NW = NC * NS

NPAD = 10240
PADROW = NPAD - 1
EPT = E // NW
CHUNK = 128
NCH = -(-EPT // CHUNK)
NCH = NCH + (NCH % 2)
EPT_PAD = NCH * CHUNK
IB = 4
NBLK = NCH // IB
RPT = NPAD // NS
DEGW = 16

BLK = 1024
GRID = NPAD // BLK


def _mesh():
    return plsc.VectorSubcoreMesh(core_axis_name="c", subcore_axis_name="s")


def _deg_call(src, dst):

    @functools.partial(
        pl.kernel,
        mesh=_mesh(),
        out_type=jax.ShapeDtypeStruct((NC, 2, NPAD), jnp.float32),
        scratch_types=[
            pltpu.VMEM_SHARED((NPAD,), jnp.float32),
            pltpu.VMEM_SHARED((NPAD,), jnp.float32),
            pltpu.VMEM((NCH, CHUNK), jnp.int32),
            pltpu.VMEM((NCH, CHUNK), jnp.int32),
            pltpu.VMEM((CHUNK,), jnp.float32),
            pltpu.VMEM((RPT,), jnp.float32),
            pltpu.SemaphoreType.DMA,
        ],
    )
    def k(src_hbm, dst_hbm, out_hbm, acc_s, acc_d, isrc, idst, ones, zbuf,
          sem_sc):
        c = lax.axis_index("c")
        s = lax.axis_index("s")
        wid = s * NC + c
        off = s * RPT

        def fill_ones(r, _):
            ones[pl.ds(r * 16, 16)] = jnp.ones((16,), jnp.float32)
            return 0

        lax.fori_loop(0, CHUNK // 16, fill_ones, 0)

        def fill_zero(r, _):
            zbuf[pl.ds(r * 16, 16)] = jnp.zeros((16,), jnp.float32)
            return 0

        lax.fori_loop(0, RPT // 16, fill_zero, 0)

        pltpu.sync_copy(zbuf, acc_s.at[pl.ds(off, RPT)])
        pltpu.sync_copy(zbuf, acc_d.at[pl.ds(off, RPT)])
        pltpu.sync_copy(src_hbm.at[wid], isrc)
        pltpu.sync_copy(dst_hbm.at[wid], idst)
        plsc.subcore_barrier()

        def body(j, _):
            pltpu.async_copy(ones, acc_s.at[isrc.at[j]], sem_sc, add=True)
            pltpu.async_copy(ones, acc_d.at[idst.at[j]], sem_sc, add=True)
            return 0

        lax.fori_loop(0, NCH, body, 0)

        def drain(j, _):
            pltpu.make_async_copy(ones, acc_s.at[isrc.at[j]], sem_sc).wait()
            pltpu.make_async_copy(ones, acc_d.at[idst.at[j]], sem_sc).wait()
            return 0

        lax.fori_loop(0, NCH, drain, 0)
        plsc.subcore_barrier()
        pltpu.sync_copy(acc_s.at[pl.ds(off, RPT)], zbuf)
        pltpu.sync_copy(zbuf, out_hbm.at[c, 0, pl.ds(off, RPT)])
        pltpu.sync_copy(acc_d.at[pl.ds(off, RPT)], zbuf)
        pltpu.sync_copy(zbuf, out_hbm.at[c, 1, pl.ds(off, RPT)])

    return k(src, dst)


def _agg_call(h, src, dst):

    @functools.partial(
        pl.kernel,
        mesh=_mesh(),
        out_type=jax.ShapeDtypeStruct((NC, NPAD, D), jnp.float32),
        scratch_types=[
            pltpu.VMEM_SHARED((NPAD, D), jnp.float32),
            pltpu.VMEM((2, IB, CHUNK), jnp.int32),
            pltpu.VMEM((NCH, CHUNK), jnp.int32),
            pltpu.VMEM((CHUNK, D), jnp.float32),
            pltpu.VMEM((CHUNK, D), jnp.float32),
            pltpu.SemaphoreType.DMA((2,)),
            pltpu.SemaphoreType.DMA((2,)),
        ],
    )
    def k(h_hbm, src_hbm, dst_hbm, out_hbm, acc, isrc, idst, b0, b1,
          sem_g, sem_is):
        c = lax.axis_index("c")
        s = lax.axis_index("s")
        wid = s * NC + c
        off = s * RPT
        bufs01 = (b0, b1)

        def fill_zero(i, _):
            r = i // (D // 16)
            col = (i % (D // 16)) * 16
            b0[r, pl.ds(col, 16)] = jnp.zeros((16,), jnp.float32)
            return 0

        lax.fori_loop(0, CHUNK * (D // 16), fill_zero, 0)
        for t in range(RPT // CHUNK):
            pltpu.sync_copy(b0, acc.at[pl.ds(off + t * CHUNK, CHUNK)])
        pltpu.sync_copy(dst_hbm.at[wid], idst)
        pltpu.sync_copy(src_hbm.at[wid, pl.ds(0, IB)], isrc.at[0])
        pltpu.async_copy(src_hbm.at[wid, pl.ds(IB, IB)], isrc.at[1],
                         sem_is.at[1])
        plsc.subcore_barrier()
        pltpu.async_copy(h_hbm.at[isrc.at[0, 0]], b0, sem_g.at[0])
        pltpu.async_copy(h_hbm.at[isrc.at[0, 1]], b1, sem_g.at[1])

        def body(b, _):
            hb = lax.rem(b, 2)
            hb1 = 1 - hb
            jbase = b * IB
            for r in range(IB):
                buf = bufs01[r % 2]
                gsem = sem_g.at[r % 2]
                pltpu.make_async_copy(h_hbm.at[isrc.at[hb, r]], buf,
                                      gsem).wait()
                pltpu.sync_copy(buf, acc.at[idst.at[jbase + r]], add=True)
                if r == IB - 2:
                    pltpu.make_async_copy(
                        src_hbm.at[wid, pl.ds((b + 1) * IB, IB)],
                        isrc.at[hb1], sem_is.at[hb1]).wait()
                if r < IB - 2:
                    pltpu.async_copy(h_hbm.at[isrc.at[hb, r + 2]], buf, gsem)
                else:
                    pltpu.async_copy(h_hbm.at[isrc.at[hb1, r - (IB - 2)]],
                                     buf, gsem)

            @pl.when(b + 2 < NBLK)
            def _():
                pltpu.async_copy(src_hbm.at[wid, pl.ds((b + 2) * IB, IB)],
                                 isrc.at[hb], sem_is.at[hb])

            return 0

        lax.fori_loop(0, NBLK - 1, body, 0)
        lastslot = (NBLK - 1) % 2
        for r in range(IB):
            buf = bufs01[r % 2]
            gsem = sem_g.at[r % 2]
            pltpu.make_async_copy(h_hbm.at[isrc.at[lastslot, r]], buf,
                                  gsem).wait()
            pltpu.sync_copy(buf, acc.at[idst.at[(NBLK - 1) * IB + r]],
                            add=True)
            if r < IB - 2:
                pltpu.async_copy(h_hbm.at[isrc.at[lastslot, r + 2]], buf,
                                 gsem)
        plsc.subcore_barrier()

        def copy_out(t, _):
            pltpu.sync_copy(acc.at[pl.ds(off + t * CHUNK, CHUNK)], b0)
            pltpu.sync_copy(b0, out_hbm.at[c, pl.ds(off + t * CHUNK, CHUNK)])
            return 0

        lax.fori_loop(0, RPT // CHUNK, copy_out, 0)

    return k(h, src, dst)


def _matmul_call(x, W):

    def body(x_ref, w_ref, o_ref):
        o_ref[...] = jnp.dot(x_ref[...], w_ref[...],
                             preferred_element_type=jnp.float32)

    return pl.pallas_call(
        body,
        grid=(GRID,),
        in_specs=[
            pl.BlockSpec((BLK, D), lambda i: (i, 0)),
            pl.BlockSpec((D, D), lambda i: (0, 0)),
        ],
        out_specs=pl.BlockSpec((BLK, D), lambda i: (i, 0)),
        out_shape=jax.ShapeDtypeStruct((NPAD, D), jnp.float32),
    )(x, W)


def _norms_scale_call(degp, xw):

    def body(degp_ref, xw_ref, h_ref, ns_ref, nd_ref):
        x = degp_ref[...]
        d_o = x[0, 0, :, 0:1] + x[1, 0, :, 0:1]
        d_i = x[0, 1, :, 0:1] + x[1, 1, :, 0:1]
        ns = lax.rsqrt(jnp.where(d_o > 0, d_o, 1.0))
        nd = lax.rsqrt(jnp.where(d_i > 0, d_i, 1.0))
        ns_ref[...] = ns
        nd_ref[...] = nd
        h_ref[...] = xw_ref[...] * ns

    return pl.pallas_call(
        body,
        grid=(GRID,),
        in_specs=[
            pl.BlockSpec((NC, 2, BLK, 1), lambda i: (0, 0, i, 0)),
            pl.BlockSpec((BLK, D), lambda i: (i, 0)),
        ],
        out_specs=[
            pl.BlockSpec((BLK, D), lambda i: (i, 0)),
            pl.BlockSpec((BLK, 1), lambda i: (i, 0)),
            pl.BlockSpec((BLK, 1), lambda i: (i, 0)),
        ],
        out_shape=[
            jax.ShapeDtypeStruct((NPAD, D), jnp.float32),
            jax.ShapeDtypeStruct((NPAD, 1), jnp.float32),
            jax.ShapeDtypeStruct((NPAD, 1), jnp.float32),
        ],
    )(degp, xw)


def _mid_call(p, nd, ns, b1, W2):

    def body(p_ref, nd_ref, ns_ref, b_ref, w_ref, h_ref):
        agg = p_ref[0] + p_ref[1]
        o = jnp.maximum(agg * nd_ref[...] + b_ref[...], 0.0)
        h_ref[...] = jnp.dot(o * ns_ref[...], w_ref[...],
                             preferred_element_type=jnp.float32)

    return pl.pallas_call(
        body,
        grid=(GRID,),
        in_specs=[
            pl.BlockSpec((NC, BLK, D), lambda i: (0, i, 0)),
            pl.BlockSpec((BLK, 1), lambda i: (i, 0)),
            pl.BlockSpec((BLK, 1), lambda i: (i, 0)),
            pl.BlockSpec((1, D), lambda i: (0, 0)),
            pl.BlockSpec((D, D), lambda i: (0, 0)),
        ],
        out_specs=pl.BlockSpec((BLK, D), lambda i: (i, 0)),
        out_shape=jax.ShapeDtypeStruct((NPAD, D), jnp.float32),
    )(p, nd, ns, b1, W2)


def _final_call(p, nd, b2):

    def body(p_ref, nd_ref, b_ref, o_ref):
        o_ref[...] = (p_ref[0] + p_ref[1]) * nd_ref[...] + b_ref[...]

    return pl.pallas_call(
        body,
        grid=(GRID,),
        in_specs=[
            pl.BlockSpec((NC, BLK, D), lambda i: (0, i, 0)),
            pl.BlockSpec((BLK, 1), lambda i: (i, 0)),
            pl.BlockSpec((1, D), lambda i: (0, 0)),
        ],
        out_specs=pl.BlockSpec((BLK, D), lambda i: (i, 0)),
        out_shape=jax.ShapeDtypeStruct((NPAD, D), jnp.float32),
    )(p, nd, b2)


def kernel(feat, edge_index, W1, b1, W2, b2):
    feat_p = jnp.pad(feat, ((0, NPAD - N), (0, 0)))
    er = edge_index.reshape(2, NW, EPT)
    ramp = N + (jnp.arange(EPT_PAD - EPT, dtype=jnp.int32) % (NPAD - N))
    er = jnp.concatenate(
        [er, jnp.broadcast_to(ramp, (2, NW, EPT_PAD - EPT))], axis=2)
    er = er.reshape(2, NW, NCH, CHUNK)
    src = er[0]
    dst = er[1]

    xw = _matmul_call(feat_p, W1)
    degp = _deg_call(src, dst).reshape(NC, 2, NPAD, 1)
    h1, ns, nd = _norms_scale_call(degp, xw)
    p1 = _agg_call(h1, src, dst)
    h2 = _mid_call(p1, nd, ns, b1.reshape(1, D), W2)
    p2 = _agg_call(h2, src, dst)
    out = _final_call(p2, nd, b2.reshape(1, D))
    return out[:N]

# --- scband reference (transcript-rebuilt; emitter-appended) ---
"""Pipeline reference for scband-gcn-10101763080379 (READ-ONLY COPY).

The authoritative reference and input builder live on the scoring server;
editing this copy changes nothing except your own understanding.
"""

import jax, jax.numpy as jnp
import numpy as np

N = 10000
E = 320000
D_IN = 128
D_HID = 128
D_OUT = 128


def setup_inputs(seed: int = 0) -> dict:
    key = jax.random.key(seed)
    k1, k2, k3, k4, k5, k6 = jax.random.split(key, 6)
    feat = jax.random.normal(k1, (N, D_IN), dtype=jnp.float32)
    edge_index = jax.random.randint(k2, (2, E), 0, N, dtype=jnp.int32)
    W1 = jax.random.normal(k3, (D_IN, D_HID), dtype=jnp.float32) * (2.0 / (D_IN + D_HID)) ** 0.5
    b1 = jnp.zeros((D_HID,), dtype=jnp.float32)
    W2 = jax.random.normal(k4, (D_HID, D_OUT), dtype=jnp.float32) * (2.0 / (D_HID + D_OUT)) ** 0.5
    b2 = jnp.zeros((D_OUT,), dtype=jnp.float32)
    return {"feat": feat, "edge_index": edge_index, "W1": W1, "b1": b1, "W2": W2, "b2": b2}


def _gcn_conv(feat, src, dst, W, b, n_nodes):
    # DGL GraphConv with norm='both':
    # h = D_in^{-1/2} A D_out^{-1/2} X W + b   (degrees clamped to >= 1)
    ones = jnp.ones((src.shape[0],), dtype=jnp.float32)
    deg_out = jax.ops.segment_sum(ones, src, num_segments=n_nodes)
    deg_in = jax.ops.segment_sum(ones, dst, num_segments=n_nodes)
    norm_src = jnp.where(deg_out > 0, deg_out, 1.0) ** -0.5
    norm_dst = jnp.where(deg_in > 0, deg_in, 1.0) ** -0.5
    h = feat * norm_src[:, None]
    h = h @ W
    agg = jax.ops.segment_sum(h[src], dst, num_segments=n_nodes)
    return agg * norm_dst[:, None] + b


def reference(feat, edge_index, W1, b1, W2, b2):
    src = edge_index[0]
    dst = edge_index[1]
    # dropout p=0 -> identity
    h = _gcn_conv(feat, src, dst, W1, b1, N)
    h = jax.nn.relu(h)  # norm=None, activation between layers
    h = _gcn_conv(h, src, dst, W2, b2, N)
    return h

if __name__ == "__main__":
    import jax
    _d = setup_inputs()
    print(jax.jit(kernel)(*tuple(_d.values())))

</pallas_src>

<mosaic_0001>
#map = affine_map<(d0, d1) -> (0, 0)>
#map1 = affine_map<(d0, d1) -> (0, 0, 0)>
module attributes {stable_mosaic.version = 14 : i64} {
  func.func @k(%arg0: i32, %arg1: i32, %arg2: memref<10240x128xf32, #tpu.memory_space<hbm>>, %arg3: memref<32x80x128xi32, #tpu.memory_space<hbm>>, %arg4: memref<32x80x128xi32, #tpu.memory_space<hbm>>, %arg5: memref<2x10240x128xf32, #tpu.memory_space<hbm>>, %arg6: memref<10240x128xf32, #tpu.memory_space<vmem_shared>>, %arg7: memref<2x4x128xi32, #tpu.memory_space<vmem>>, %arg8: memref<80x128xi32, #tpu.memory_space<vmem>>, %arg9: memref<128x128xf32, #tpu.memory_space<vmem>>, %arg10: memref<128x128xf32, #tpu.memory_space<vmem>>, %arg11: memref<2x!tpu.dma_semaphore, #tpu.memory_space<semaphore_mem>>, %arg12: memref<2x!tpu.dma_semaphore, #tpu.memory_space<semaphore_mem>>) attributes {dimension_semantics = [#tpu.dimension_semantics<core_parallel>, #tpu.dimension_semantics<subcore_parallel>], iteration_bounds = array<i64: 2, 16>, scalar_prefetch = 0 : i64, scratch_operands = 7 : i64, tpu.core_type = #tpu.core_type<sc_vector_subcore>, window_params = [{transform_indices = #map}, {transform_indices = #map1}, {transform_indices = #map1}, {transform_indices = #map1}]} {
    %mul3A = arith.constant 2 : i32
    %mul3A_0 = arith.muli %arg1, %mul3A : i32
    %add3A = arith.addi %mul3A_0, %arg0 : i32
    %mul3A_1 = arith.constant 640 : i32
    %mul3A_2 = arith.muli %arg1, %mul3A_1 : i32
    %scan3A = arith.constant 0 : i32
    %scan3A_3 = arith.constant 0 : i32
    %scan3A_4 = arith.constant 1024 : i32
    %scan3A_5 = arith.addi %scan3A_3, %scan3A_4 : i32
    %scan3A_6 = arith.constant 1 : i32
    %scan3A_7 = scf.for %scan3A_144 = %scan3A_3 to %scan3A_5 step %scan3A_6 iter_args(%scan3A_145 = %scan3A) -> (i32)  : i32 {
      %jit3A = arith.constant 8 : i32
      %div3A = arith.divsi %scan3A_144, %jit3A : i32
      %sign3A = arith.constant 0 : i32
      %sign3A_146 = arith.cmpi sgt, %scan3A_144, %sign3A : i32
      %sign3A_147 = arith.extui %sign3A_146 : i1 to i32
      %sign3A_148 = arith.constant 0 : i32
      %sign3A_149 = arith.cmpi slt, %scan3A_144, %sign3A_148 : i32
      %sign3A_150 = arith.extui %sign3A_149 : i1 to i32
      %sign3A_151 = arith.subi %sign3A_147, %sign3A_150 : i32
      %sign3A_152 = arith.constant 0 : i32
      %sign3A_153 = arith.cmpi sgt, %jit3A, %sign3A_152 : i32
      %sign3A_154 = arith.extui %sign3A_153 : i1 to i32
      %sign3A_155 = arith.constant 0 : i32
      %sign3A_156 = arith.cmpi slt, %jit3A, %sign3A_155 : i32
      %sign3A_157 = arith.extui %sign3A_156 : i1 to i32
      %sign3A_158 = arith.subi %sign3A_154, %sign3A_157 : i32
      %ne3A = arith.cmpi ne, %sign3A_151, %sign3A_158 : i32
      %rem3A = arith.remsi %scan3A_144, %jit3A : i32
      %ne3A_159 = arith.constant 0 : i32
      %ne3A_160 = arith.cmpi ne, %rem3A, %ne3A_159 : i32
      %and3A = arith.andi %ne3A, %ne3A_160 : i1
      %sub3A = arith.constant 1 : i32
      %sub3A_161 = arith.subi %div3A, %sub3A : i32
      %select_n3A = arith.select %and3A, %sub3A_161, %div3A : i32
      %jit3A_162 = arith.constant 8 : i32
      %eq3A = arith.constant 0 : i32
      %eq3A_163 = arith.cmpi eq, %jit3A_162, %eq3A : i32
      %jit3A_164 = arith.constant 1 : i32
      %select_n3A_165 = arith.select %eq3A_163, %jit3A_164, %jit3A_162 : i32
      %rem3A_166 = arith.remsi %scan3A_144, %select_n3A_165 : i32
      %ne3A_167 = arith.constant 0 : i32
      %ne3A_168 = arith.cmpi ne, %rem3A_166, %ne3A_167 : i32
      %lt3A = arith.constant 0 : i32
      %lt3A_169 = arith.cmpi slt, %rem3A_166, %lt3A : i32
      %lt3A_170 = arith.constant 0 : i32
      %lt3A_171 = arith.cmpi slt, %select_n3A_165, %lt3A_170 : i32
      %ne3A_172 = arith.xori %lt3A_169, %lt3A_171 : i1
      %and3A_173 = arith.andi %ne3A_172, %ne3A_168 : i1
      %add3A_174 = arith.addi %rem3A_166, %select_n3A_165 : i32
      %select_n3A_175 = arith.select %and3A_173, %add3A_174, %rem3A_166 : i32
      %mul3A_176 = arith.constant 16 : i32
      %mul3A_177 = arith.muli %select_n3A_175, %mul3A_176 : i32
      %broadcast_in_dim3A = arith.constant 0.000000e+00 : f32
      %broadcast_in_dim3A_178 = vector.broadcast %broadcast_in_dim3A : f32 to vector<16xf32>
      %swap3A = arith.index_cast %select_n3A : i32 to index
      %swap3A_179 = arith.index_cast %mul3A_177 : i32 to index
      %swap3A_180 = tpu.vector_load %arg9[%swap3A, %swap3A_179] {strides = array<i32>} : memref<128x128xf32, #tpu.memory_space<vmem>>, vector<1x16xf32>,
      %swap3A_181 = vector.shape_cast %swap3A_180 : vector<1x16xf32> to vector<16xf32>
      %swap3A_182 = vector.shape_cast %broadcast_in_dim3A_178 : vector<16xf32> to vector<1x16xf32>
      tpu.vector_store %arg9[%swap3A, %swap3A_179], %swap3A_182 {strides = array<i32>} : memref<128x128xf32, #tpu.memory_space<vmem>>, vector<1x16xf32>,
      %scan3A_183 = arith.constant 0 : i32
      scf.yield %scan3A_183 : i32
    }
    %scan3A_8 = arith.constant 1024 : i32
    %add3A_9 = arith.constant 0 : i32
    %add3A_10 = arith.addi %mul3A_2, %add3A_9 : i32
    "tpu.region"() ({
      %run_scoped3A_144 = tpu.sem_alloc : memref<!tpu.dma_semaphore, #tpu.memory_space<semaphore_mem>>
      %dma_start3A_145 = arith.constant 0 : i32
      %dma_start3A_146 = tpu.memref_slice %arg6[%add3A_10, %dma_start3A_145] : memref<10240x128xf32, #tpu.memory_space<vmem_shared>> -> memref<128x128xf32, #tpu.memory_space<vmem_shared>>
      %dma_start3A_147 = arith.constant 0 : i32
      %dma_start3A_148 = tpu.memref_slice %arg6[%add3A_10, %dma_start3A_147] : memref<10240x128xf32, #tpu.memory_space<vmem_shared>> -> memref<128x128xf32, #tpu.memory_space<vmem_shared>>
      tpu.enqueue_dma source(%arg9 : memref<128x128xf32, #tpu.memory_space<vmem>>) target(%dma_start3A_148 : memref<128x128xf32, #tpu.memory_space<vmem_shared>>) target_semaphore(%run_scoped3A_144 : memref<!tpu.dma_semaphore, #tpu.memory_space<semaphore_mem>>)
      %dma_wait3A_149 = arith.constant 0 : i32
      %dma_wait3A_150 = tpu.memref_slice %arg6[%add3A_10, %dma_wait3A_149] : memref<10240x128xf32, #tpu.memory_space<vmem_shared>> -> memref<128x128xf32, #tpu.memory_space<vmem_shared>>
      %dma_wait3A_151 = arith.constant 0 : i32
      %dma_wait3A_152 = tpu.memref_slice %arg6[%add3A_10, %dma_wait3A_151] : memref<10240x128xf32, #tpu.memory_space<vmem_shared>> -> memref<128x128xf32, #tpu.memory_space<vmem_shared>>
      tpu.wait_dma2 semaphore(%run_scoped3A_144 : memref<!tpu.dma_semaphore, #tpu.memory_space<semaphore_mem>>) src(%arg9 : memref<128x128xf32, #tpu.memory_space<vmem>>) dst(%dma_wait3A_152 : memref<128x128xf32, #tpu.memory_space<vmem_shared>>)
      tpu.yield
    }) : () -> ()
    %add3A_11 = arith.constant 128 : i32
    %add3A_12 = arith.addi %mul3A_2, %add3A_11 : i32
    "tpu.region"() ({
      %run_scoped3A_144 = tpu.sem_alloc : memref<!tpu.dma_semaphore, #tpu.memory_space<semaphore_mem>>
      %dma_start3A_145 = arith.constant 0 : i32
      %dma_start3A_146 = tpu.memref_slice %arg6[%add3A_12, %dma_start3A_145] : memref<10240x128xf32, #tpu.memory_space<vmem_shared>> -> memref<128x128xf32, #tpu.memory_space<vmem_shared>>
      %dma_start3A_147 = arith.constant 0 : i32
      %dma_start3A_148 = tpu.memref_slice %arg6[%add3A_12, %dma_start3A_147] : memref<10240x128xf32, #tpu.memory_space<vmem_shared>> -> memref<128x128xf32, #tpu.memory_space<vmem_shared>>
      tpu.enqueue_dma source(%arg9 : memref<128x128xf32, #tpu.memory_space<vmem>>) target(%dma_start3A_148 : memref<128x128xf32, #tpu.memory_space<vmem_shared>>) target_semaphore(%run_scoped3A_144 : memref<!tpu.dma_semaphore, #tpu.memory_space<semaphore_mem>>)
      %dma_wait3A_149 = arith.constant 0 : i32
      %dma_wait3A_150 = tpu.memref_slice %arg6[%add3A_12, %dma_wait3A_149] : memref<10240x128xf32, #tpu.memory_space<vmem_shared>> -> memref<128x128xf32, #tpu.memory_space<vmem_shared>>
      %dma_wait3A_151 = arith.constant 0 : i32
      %dma_wait3A_152 = tpu.memref_slice %arg6[%add3A_12, %dma_wait3A_151] : memref<10240x128xf32, #tpu.memory_space<vmem_shared>> -> memref<128x128xf32, #tpu.memory_space<vmem_shared>>
      tpu.wait_dma2 semaphore(%run_scoped3A_144 : memref<!tpu.dma_semaphore, #tpu.memory_space<semaphore_mem>>) src(%arg9 : memref<128x128xf32, #tpu.memory_space<vmem>>) dst(%dma_wait3A_152 : memref<128x128xf32, #tpu.memory_space<vmem_shared>>)
      tpu.yield
    }) : () -> ()
    %add3A_13 = arith.constant 256 : i32
    %add3A_14 = arith.addi %mul3A_2, %add3A_13 : i32
    "tpu.region"() ({
      %run_scoped3A_144 = tpu.sem_alloc : memref<!tpu.dma_semaphore, #tpu.memory_space<semaphore_mem>>
      %dma_start3A_145 = arith.constant 0 : i32
      %dma_start3A_146 = tpu.memref_slice %arg6[%add3A_14, %dma_start3A_145] : memref<10240x128xf32, #tpu.memory_space<vmem_shared>> -> memref<128x128xf32, #tpu.memory_space<vmem_shared>>
      %dma_start3A_147 = arith.constant 0 : i32
      %dma_start3A_148 = tpu.memref_slice %arg6[%add3A_14, %dma_start3A_147] : memref<10240x128xf32, #tpu.memory_space<vmem_shared>> -> memref<128x128xf32, #tpu.memory_space<vmem_shared>>
      tpu.enqueue_dma source(%arg9 : memref<128x128xf32, #tpu.memory_space<vmem>>) target(%dma_start3A_148 : memref<128x128xf32, #tpu.memory_space<vmem_shared>>) target_semaphore(%run_scoped3A_144 : memref<!tpu.dma_semaphore, #tpu.memory_space<semaphore_mem>>)
      %dma_wait3A_149 = arith.constant 0 : i32
      %dma_wait3A_150 = tpu.memref_slice %arg6[%add3A_14, %dma_wait3A_149] : memref<10240x128xf32, #tpu.memory_space<vmem_shared>> -> memref<128x128xf32, #tpu.memory_space<vmem_shared>>
      %dma_wait3A_151 = arith.constant 0 : i32
      %dma_wait3A_152 = tpu.memref_slice %arg6[%add3A_14, %dma_wait3A_151] : memref<10240x128xf32, #tpu.memory_space<vmem_shared>> -> memref<128x128xf32, #tpu.memory_space<vmem_shared>>
      tpu.wait_dma2 semaphore(%run_scoped3A_144 : memref<!tpu.dma_semaphore, #tpu.memory_space<semaphore_mem>>) src(%arg9 : memref<128x128xf32, #tpu.memory_space<vmem>>) dst(%dma_wait3A_152 : memref<128x128xf32, #tpu.memory_space<vmem_shared>>)
      tpu.yield
    }) : () -> ()
    %add3A_15 = arith.constant 384 : i32
    %add3A_16 = arith.addi %mul3A_2, %add3A_15 : i32
    "tpu.region"() ({
      %run_scoped3A_144 = tpu.sem_alloc : memref<!tpu.dma_semaphore, #tpu.memory_space<semaphore_mem>>
      %dma_start3A_145 = arith.constant 0 : i32
      %dma_start3A_146 = tpu.memref_slice %arg6[%add3A_16, %dma_start3A_145] : memref<10240x128xf32, #tpu.memory_space<vmem_shared>> -> memref<128x128xf32, #tpu.memory_space<vmem_shared>>
      %dma_start3A_147 = arith.constant 0 : i32
      %dma_start3A_148 = tpu.memref_slice %arg6[%add3A_16, %dma_start3A_147] : memref<10240x128xf32, #tpu.memory_space<vmem_shared>> -> memref<128x128xf32, #tpu.memory_space<vmem_shared>>
      tpu.enqueue_dma source(%arg9 : memref<128x128xf32, #tpu.memory_space<vmem>>) target(%dma_start3A_148 : memref<128x128xf32, #tpu.memory_space<vmem_shared>>) target_semaphore(%run_scoped3A_144 : memref<!tpu.dma_semaphore, #tpu.memory_space<semaphore_mem>>)
      %dma_wait3A_149 = arith.constant 0 : i32
      %dma_wait3A_150 = tpu.memref_slice %arg6[%add3A_16, %dma_wait3A_149] : memref<10240x128xf32, #tpu.memory_space<vmem_shared>> -> memref<128x128xf32, #tpu.memory_space<vmem_shared>>
      %dma_wait3A_151 = arith.constant 0 : i32
      %dma_wait3A_152 = tpu.memref_slice %arg6[%add3A_16, %dma_wait3A_151] : memref<10240x128xf32, #tpu.memory_space<vmem_shared>> -> memref<128x128xf32, #tpu.memory_space<vmem_shared>>
      tpu.wait_dma2 semaphore(%run_scoped3A_144 : memref<!tpu.dma_semaphore, #tpu.memory_space<semaphore_mem>>) src(%arg9 : memref<128x128xf32, #tpu.memory_space<vmem>>) dst(%dma_wait3A_152 : memref<128x128xf32, #tpu.memory_space<vmem_shared>>)
      tpu.yield
    }) : () -> ()
    %add3A_17 = arith.constant 512 : i32
    %add3A_18 = arith.addi %mul3A_2, %add3A_17 : i32
    "tpu.region"() ({
      %run_scoped3A_144 = tpu.sem_alloc : memref<!tpu.dma_semaphore, #tpu.memory_space<semaphore_mem>>
      %dma_start3A_145 = arith.constant 0 : i32
      %dma_start3A_146 = tpu.memref_slice %arg6[%add3A_18, %dma_start3A_145] : memref<10240x128xf32, #tpu.memory_space<vmem_shared>> -> memref<128x128xf32, #tpu.memory_space<vmem_shared>>
      %dma_start3A_147 = arith.constant 0 : i32
      %dma_start3A_148 = tpu.memref_slice %arg6[%add3A_18, %dma_start3A_147] : memref<10240x128xf32, #tpu.memory_space<vmem_shared>> -> memref<128x128xf32, #tpu.memory_space<vmem_shared>>
      tpu.enqueue_dma source(%arg9 : memref<128x128xf32, #tpu.memory_space<vmem>>) target(%dma_start3A_148 : memref<128x128xf32, #tpu.memory_space<vmem_shared>>) target_semaphore(%run_scoped3A_144 : memref<!tpu.dma_semaphore, #tpu.memory_space<semaphore_mem>>)
      %dma_wait3A_149 = arith.constant 0 : i32
      %dma_wait3A_150 = tpu.memref_slice %arg6[%add3A_18, %dma_wait3A_149] : memref<10240x128xf32, #tpu.memory_space<vmem_shared>> -> memref<128x128xf32, #tpu.memory_space<vmem_shared>>
      %dma_wait3A_151 = arith.constant 0 : i32
      %dma_wait3A_152 = tpu.memref_slice %arg6[%add3A_18, %dma_wait3A_151] : memref<10240x128xf32, #tpu.memory_space<vmem_shared>> -> memref<128x128xf32, #tpu.memory_space<vmem_shared>>
      tpu.wait_dma2 semaphore(%run_scoped3A_144 : memref<!tpu.dma_semaphore, #tpu.memory_space<semaphore_mem>>) src(%arg9 : memref<128x128xf32, #tpu.memory_space<vmem>>) dst(%dma_wait3A_152 : memref<128x128xf32, #tpu.memory_space<vmem_shared>>)
      tpu.yield
    }) : () -> ()
    "tpu.region"() ({
      %run_scoped3A_144 = tpu.sem_alloc : memref<!tpu.dma_semaphore, #tpu.memory_space<semaphore_mem>>
      %dma_start3A_145 = arith.constant 0 : i32
      %dma_start3A_146 = arith.constant 0 : i32
      %dma_start3A_147 = tpu.memref_slice %arg4[%add3A, %dma_start3A_145, %dma_start3A_146] : memref<32x80x128xi32, #tpu.memory_space<hbm>> -> memref<1x80x128xi32, #tpu.memory_space<hbm>>
      %dma_start3A_148 = tpu.memref_squeeze %dma_start3A_147 : memref<1x80x128xi32, #tpu.memory_space<hbm>> -> memref<80x128xi32, #tpu.memory_space<hbm>>
      %dma_start3A_149 = arith.constant 0 : i32
      %dma_start3A_150 = arith.constant 0 : i32
      %dma_start3A_151 = tpu.memref_slice %arg4[%add3A, %dma_start3A_149, %dma_start3A_150] : memref<32x80x128xi32, #tpu.memory_space<hbm>> -> memref<1x80x128xi32, #tpu.memory_space<hbm>>
      %dma_start3A_152 = tpu.memref_squeeze %dma_start3A_151 : memref<1x80x128xi32, #tpu.memory_space<hbm>> -> memref<80x128xi32, #tpu.memory_space<hbm>>
      tpu.enqueue_dma source(%dma_start3A_152 : memref<80x128xi32, #tpu.memory_space<hbm>>) target(%arg8 : memref<80x128xi32, #tpu.memory_space<vmem>>) target_semaphore(%run_scoped3A_144 : memref<!tpu.dma_semaphore, #tpu.memory_space<semaphore_mem>>)
      %dma_wait3A_153 = arith.constant 0 : i32
      %dma_wait3A_154 = arith.constant 0 : i32
      %dma_wait3A_155 = tpu.memref_slice %arg4[%add3A, %dma_wait3A_153, %dma_wait3A_154] : memref<32x80x128xi32, #tpu.memory_space<hbm>> -> memref<1x80x128xi32, #tpu.memory_space<hbm>>
      %dma_wait3A_156 = tpu.memref_squeeze %dma_wait3A_155 : memref<1x80x128xi32, #tpu.memory_space<hbm>> -> memref<80x128xi32, #tpu.memory_space<hbm>>
      %dma_wait3A_157 = arith.constant 0 : i32
      %dma_wait3A_158 = arith.constant 0 : i32
      %dma_wait3A_159 = tpu.memref_slice %arg4[%add3A, %dma_wait3A_157, %dma_wait3A_158] : memref<32x80x128xi32, #tpu.memory_space<hbm>> -> memref<1x80x128xi32, #tpu.memory_space<hbm>>
      %dma_wait3A_160 = tpu.memref_squeeze %dma_wait3A_159 : memref<1x80x128xi32, #tpu.memory_space<hbm>> -> memref<80x128xi32, #tpu.memory_space<hbm>>
      tpu.wait_dma2 semaphore(%run_scoped3A_144 : memref<!tpu.dma_semaphore, #tpu.memory_space<semaphore_mem>>) src(%dma_wait3A_160 : memref<80x128xi32, #tpu.memory_space<hbm>>) dst(%arg8 : memref<80x128xi32, #tpu.memory_space<vmem>>)
      tpu.yield
    }) : () -> ()
    %run_scoped3A = arith.constant 0 : i32
    "tpu.region"() ({
      %run_scoped3A_144 = tpu.sem_alloc : memref<!tpu.dma_semaphore, #tpu.memory_space<semaphore_mem>>
      %dma_start3A_145 = arith.constant 0 : i32
      %dma_start3A_146 = arith.constant 0 : i32
      %dma_start3A_147 = tpu.memref_slice %arg7[%run_scoped3A, %dma_start3A_145, %dma_start3A_146] : memref<2x4x128xi32, #tpu.memory_space<vmem>> -> memref<1x4x128xi32, #tpu.memory_space<vmem>>
      %dma_start3A_148 = tpu.memref_squeeze %dma_start3A_147 : memref<1x4x128xi32, #tpu.memory_space<vmem>> -> memref<4x128xi32, #tpu.memory_space<vmem>>
      %dma_start3A_149 = arith.constant 0 : i32
      %dma_start3A_150 = arith.constant 0 : i32
      %dma_start3A_151 = tpu.memref_slice %arg3[%add3A, %dma_start3A_149, %dma_start3A_150] : memref<32x80x128xi32, #tpu.memory_space<hbm>> -> memref<1x4x128xi32, #tpu.memory_space<hbm>>
      %dma_start3A_152 = tpu.memref_squeeze %dma_start3A_151 : memref<1x4x128xi32, #tpu.memory_space<hbm>> -> memref<4x128xi32, #tpu.memory_space<hbm>>
      %dma_start3A_153 = arith.constant 0 : i32
      %dma_start3A_154 = arith.constant 0 : i32
      %dma_start3A_155 = tpu.memref_slice %arg7[%run_scoped3A, %dma_start3A_153, %dma_start3A_154] : memref<2x4x128xi32, #tpu.memory_space<vmem>> -> memref<1x4x128xi32, #tpu.memory_space<vmem>>
      %dma_start3A_156 = tpu.memref_squeeze %dma_start3A_155 : memref<1x4x128xi32, #tpu.memory_space<vmem>> -> memref<4x128xi32, #tpu.memory_space<vmem>>
      %dma_start3A_157 = arith.constant 0 : i32
      %dma_start3A_158 = arith.constant 0 : i32
      %dma_start3A_159 = tpu.memref_slice %arg3[%add3A, %dma_start3A_157, %dma_start3A_158] : memref<32x80x128xi32, #tpu.memory_space<hbm>> -> memref<1x4x128xi32, #tpu.memory_space<hbm>>
      %dma_start3A_160 = tpu.memref_squeeze %dma_start3A_159 : memref<1x4x128xi32, #tpu.memory_space<hbm>> -> memref<4x128xi32, #tpu.memory_space<hbm>>
      tpu.enqueue_dma source(%dma_start3A_160 : memref<4x128xi32, #tpu.memory_space<hbm>>) target(%dma_start3A_156 : memref<4x128xi32, #tpu.memory_space<vmem>>) target_semaphore(%run_scoped3A_144 : memref<!tpu.dma_semaphore, #tpu.memory_space<semaphore_mem>>)
      %dma_wait3A_161 = arith.constant 0 : i32
      %dma_wait3A_162 = arith.constant 0 : i32
      %dma_wait3A_163 = tpu.memref_slice %arg7[%run_scoped3A, %dma_wait3A_161, %dma_wait3A_162] : memref<2x4x128xi32, #tpu.memory_space<vmem>> -> memref<1x4x128xi32, #tpu.memory_space<vmem>>
      %dma_wait3A_164 = tpu.memref_squeeze %dma_wait3A_163 : memref<1x4x128xi32, #tpu.memory_space<vmem>> -> memref<4x128xi32, #tpu.memory_space<vmem>>
      %dma_wait3A_165 = arith.constant 0 : i32
      %dma_wait3A_166 = arith.constant 0 : i32
      %dma_wait3A_167 = tpu.memref_slice %arg3[%add3A, %dma_wait3A_165, %dma_wait3A_166] : memref<32x80x128xi32, #tpu.memory_space<hbm>> -> memref<1x4x128xi32, #tpu.memory_space<hbm>>
      %dma_wait3A_168 = tpu.memref_squeeze %dma_wait3A_167 : memref<1x4x128xi32, #tpu.memory_space<hbm>> -> memref<4x128xi32, #tpu.memory_space<hbm>>
      %dma_wait3A_169 = arith.constant 0 : i32
      %dma_wait3A_170 = arith.constant 0 : i32
      %dma_wait3A_171 = tpu.memref_slice %arg7[%run_scoped3A, %dma_wait3A_169, %dma_wait3A_170] : memref<2x4x128xi32, #tpu.memory_space<vmem>> -> memref<1x4x128xi32, #tpu.memory_space<vmem>>
      %dma_wait3A_172 = tpu.memref_squeeze %dma_wait3A_171 : memref<1x4x128xi32, #tpu.memory_space<vmem>> -> memref<4x128xi32, #tpu.memory_space<vmem>>
      %dma_wait3A_173 = arith.constant 0 : i32
      %dma_wait3A_174 = arith.constant 0 : i32
      %dma_wait3A_175 = tpu.memref_slice %arg3[%add3A, %dma_wait3A_173, %dma_wait3A_174] : memref<32x80x128xi32, #tpu.memory_space<hbm>> -> memref<1x4x128xi32, #tpu.memory_space<hbm>>
      %dma_wait3A_176 = tpu.memref_squeeze %dma_wait3A_175 : memref<1x4x128xi32, #tpu.memory_space<hbm>> -> memref<4x128xi32, #tpu.memory_space<hbm>>
      tpu.wait_dma2 semaphore(%run_scoped3A_144 : memref<!tpu.dma_semaphore, #tpu.memory_space<semaphore_mem>>) src(%dma_wait3A_176 : memref<4x128xi32, #tpu.memory_space<hbm>>) dst(%dma_wait3A_172 : memref<4x128xi32, #tpu.memory_space<vmem>>)
      tpu.yield
    }) : () -> ()
    %dma_start3A = arith.constant 1 : i32
    %dma_start3A_19 = arith.constant 1 : i32
    %dma_start3A_20 = arith.constant 0 : i32
    %dma_start3A_21 = arith.constant 0 : i32
    %dma_start3A_22 = tpu.memref_slice %arg7[%dma_start3A, %dma_start3A_20, %dma_start3A_21] : memref<2x4x128xi32, #tpu.memory_space<vmem>> -> memref<1x4x128xi32, #tpu.memory_space<vmem>>
    %dma_start3A_23 = tpu.memref_squeeze %dma_start3A_22 : memref<1x4x128xi32, #tpu.memory_space<vmem>> -> memref<4x128xi32, #tpu.memory_space<vmem>>
    %dma_start3A_24 = arith.constant 4 : i32
    %dma_start3A_25 = arith.constant 0 : i32
    %dma_start3A_26 = tpu.memref_slice %arg3[%add3A, %dma_start3A_24, %dma_start3A_25] : memref<32x80x128xi32, #tpu.memory_space<hbm>> -> memref<1x4x128xi32, #tpu.memory_space<hbm>>
    %dma_start3A_27 = tpu.memref_squeeze %dma_start3A_26 : memref<1x4x128xi32, #tpu.memory_space<hbm>> -> memref<4x128xi32, #tpu.memory_space<hbm>>
    %dma_start3A_28 = tpu.memref_slice %arg12[%dma_start3A_19] : memref<2x!tpu.dma_semaphore, #tpu.memory_space<semaphore_mem>> -> memref<1x!tpu.dma_semaphore, #tpu.memory_space<semaphore_mem>>
    %dma_start3A_29 = tpu.memref_squeeze %dma_start3A_28 : memref<1x!tpu.dma_semaphore, #tpu.memory_space<semaphore_mem>> -> memref<!tpu.dma_semaphore, #tpu.memory_space<semaphore_mem>>
    %dma_start3A_30 = arith.constant 0 : i32
    %dma_start3A_31 = arith.constant 0 : i32
    %dma_start3A_32 = tpu.memref_slice %arg7[%dma_start3A, %dma_start3A_30, %dma_start3A_31] : memref<2x4x128xi32, #tpu.memory_space<vmem>> -> memref<1x4x128xi32, #tpu.memory_space<vmem>>
    %dma_start3A_33 = tpu.memref_squeeze %dma_start3A_32 : memref<1x4x128xi32, #tpu.memory_space<vmem>> -> memref<4x128xi32, #tpu.memory_space<vmem>>
    %dma_start3A_34 = arith.constant 4 : i32
    %dma_start3A_35 = arith.constant 0 : i32
    %dma_start3A_36 = tpu.memref_slice %arg3[%add3A, %dma_start3A_34, %dma_start3A_35] : memref<32x80x128xi32, #tpu.memory_space<hbm>> -> memref<1x4x128xi32, #tpu.memory_space<hbm>>
    %dma_start3A_37 = tpu.memref_squeeze %dma_start3A_36 : memref<1x4x128xi32, #tpu.memory_space<hbm>> -> memref<4x128xi32, #tpu.memory_space<hbm>>
    tpu.enqueue_dma source(%dma_start3A_37 : memref<4x128xi32, #tpu.memory_space<hbm>>) target(%dma_start3A_33 : memref<4x128xi32, #tpu.memory_space<vmem>>) target_semaphore(%dma_start3A_29 : memref<!tpu.dma_semaphore, #tpu.memory_space<semaphore_mem>>)
    %barrier3A = arith.constant 0 : index
    tpu.barrier barrier_id(%barrier3A)
    %dma_start3A_38 = arith.constant 0 : i32
    %dma_start3A_39 = arith.constant 0 : i32
    %dma_start3A_40 = arith.constant 0 : i32
    %dma_start3A_41 = arith.constant 0 : i32
    %dma_start3A_42 = tpu.memref_slice %arg7[%dma_start3A_38, %dma_start3A_39, %dma_start3A_41] : memref<2x4x128xi32, #tpu.memory_space<vmem>> -> memref<1x1x128xi32, #tpu.memory_space<vmem>>
    %dma_start3A_43 = tpu.memref_squeeze %dma_start3A_42 : memref<1x1x128xi32, #tpu.memory_space<vmem>> -> memref<128xi32, #tpu.memory_space<vmem>>
    %dma_start3A_44 = arith.constant 0 : i32
    %dma_start3A_45 = arith.constant 0 : i32
    %dma_start3A_46 = tpu.memref_slice %arg2[%dma_start3A_44, %dma_start3A_45] : memref<10240x128xf32, #tpu.memory_space<hbm>> -> memref<10240x128xf32, #tpu.memory_space<hbm>>
    %dma_start3A_47 = tpu.memref_slice %arg11[%dma_start3A_40] : memref<2x!tpu.dma_semaphore, #tpu.memory_space<semaphore_mem>> -> memref<1x!tpu.dma_semaphore, #tpu.memory_space<semaphore_mem>>
    %dma_start3A_48 = tpu.memref_squeeze %dma_start3A_47 : memref<1x!tpu.dma_semaphore, #tpu.memory_space<semaphore_mem>> -> memref<!tpu.dma_semaphore, #tpu.memory_space<semaphore_mem>>
    tpu.enqueue_indirect_dma source(%dma_start3A_46 : memref<10240x128xf32, #tpu.memory_space<hbm>>) target(%arg9 : memref<128x128xf32, #tpu.memory_space<vmem>>) offsets(%dma_start3A_43 : memref<128xi32, #tpu.memory_space<vmem>>) semaphore(%dma_start3A_48 : memref<!tpu.dma_semaphore, #tpu.memory_space<semaphore_mem>>)
    %dma_start3A_49 = arith.constant 0 : i32
    %dma_start3A_50 = arith.constant 1 : i32
    %dma_start3A_51 = arith.constant 1 : i32
    %dma_start3A_52 = arith.constant 0 : i32
    %dma_start3A_53 = tpu.memref_slice %arg7[%dma_start3A_49, %dma_start3A_50, %dma_start3A_52] : memref<2x4x128xi32, #tpu.memory_space<vmem>> -> memref<1x1x128xi32, #tpu.memory_space<vmem>>
    %dma_start3A_54 = tpu.memref_squeeze %dma_start3A_53 : memref<1x1x128xi32, #tpu.memory_space<vmem>> -> memref<128xi32, #tpu.memory_space<vmem>>
    %dma_start3A_55 = arith.constant 0 : i32
    %dma_start3A_56 = arith.constant 0 : i32
    %dma_start3A_57 = tpu.memref_slice %arg2[%dma_start3A_55, %dma_start3A_56] : memref<10240x128xf32, #tpu.memory_space<hbm>> -> memref<10240x128xf32, #tpu.memory_space<hbm>>
    %dma_start3A_58 = tpu.memref_slice %arg11[%dma_start3A_51] : memref<2x!tpu.dma_semaphore, #tpu.memory_space<semaphore_mem>> -> memref<1x!tpu.dma_semaphore, #tpu.memory_space<semaphore_mem>>
    %dma_start3A_59 = tpu.memref_squeeze %dma_start3A_58 : memref<1x!tpu.dma_semaphore, #tpu.memory_space<semaphore_mem>> -> memref<!tpu.dma_semaphore, #tpu.memory_space<semaphore_mem>>
    tpu.enqueue_indirect_dma source(%dma_start3A_57 : memref<10240x128xf32, #tpu.memory_space<hbm>>) target(%arg10 : memref<128x128xf32, #tpu.memory_space<vmem>>) offsets(%dma_start3A_54 : memref<128xi32, #tpu.memory_space<vmem>>) semaphore(%dma_start3A_59 : memref<!tpu.dma_semaphore, #tpu.memory_space<semaphore_mem>>)
    %scan3A_60 = arith.constant 0 : i32
    %scan3A_61 = arith.constant 0 : i32
    %scan3A_62 = arith.constant 19 : i32
    %scan3A_63 = arith.addi %scan3A_61, %scan3A_62 : i32
    %scan3A_64 = arith.constant 1 : i32
    %scan3A_65 = scf.for %scan3A_144 = %scan3A_61 to %scan3A_63 step %scan3A_64 iter_args(%scan3A_145 = %scan3A_60) -> (i32)  : i32 {
      %rem3A = arith.constant 2 : i32
      %rem3A_146 = arith.remsi %scan3A_144, %rem3A : i32
      %sub3A = arith.constant 1 : i32
      %sub3A_147 = arith.subi %sub3A, %rem3A_146 : i32
      %mul3A_148 = arith.constant 4 : i32
      %mul3A_149 = arith.muli %scan3A_144, %mul3A_148 : i32
      %dma_wait3A_150 = arith.constant 0 : i32
      %dma_wait3A_151 = arith.constant 0 : i32
      %dma_wait3A_152 = arith.constant 0 : i32
      %dma_wait3A_153 = tpu.memref_slice %arg7[%rem3A_146, %dma_wait3A_150, %dma_wait3A_152] : memref<2x4x128xi32, #tpu.memory_space<vmem>> -> memref<1x1x128xi32, #tpu.memory_space<vmem>>
      %dma_wait3A_154 = tpu.memref_squeeze %dma_wait3A_153 : memref<1x1x128xi32, #tpu.memory_space<vmem>> -> memref<128xi32, #tpu.memory_space<vmem>>
      %dma_wait3A_155 = arith.constant 0 : i32
      %dma_wait3A_156 = arith.constant 0 : i32
      %dma_wait3A_157 = tpu.memref_slice %arg2[%dma_wait3A_155, %dma_wait3A_156] : memref<10240x128xf32, #tpu.memory_space<hbm>> -> memref<10240x128xf32, #tpu.memory_space<hbm>>
      %dma_wait3A_158 = tpu.memref_slice %arg11[%dma_wait3A_151] : memref<2x!tpu.dma_semaphore, #tpu.memory_space<semaphore_mem>> -> memref<1x!tpu.dma_semaphore, #tpu.memory_space<semaphore_mem>>
      %dma_wait3A_159 = tpu.memref_squeeze %dma_wait3A_158 : memref<1x!tpu.dma_semaphore, #tpu.memory_space<semaphore_mem>> -> memref<!tpu.dma_semaphore, #tpu.memory_space<semaphore_mem>>
      tpu.wait_indirect_dma semaphore(%dma_wait3A_159 : memref<!tpu.dma_semaphore, #tpu.memory_space<semaphore_mem>>) src(%dma_wait3A_157 : memref<10240x128xf32, #tpu.memory_space<hbm>>) dst(%arg9 : memref<128x128xf32, #tpu.memory_space<vmem>>)
      %add3A_160 = arith.constant 0 : i32
      %add3A_161 = arith.addi %mul3A_149, %add3A_160 : i32
      "tpu.region"() ({
        %run_scoped3A_263 = tpu.sem_alloc : memref<!tpu.dma_semaphore, #tpu.memory_space<semaphore_mem>>
        %dma_start3A_264 = arith.constant 0 : i32
        %dma_start3A_265 = tpu.memref_slice %arg8[%add3A_161, %dma_start3A_264] : memref<80x128xi32, #tpu.memory_space<vmem>> -> memref<1x128xi32, #tpu.memory_space<vmem>>
        %dma_start3A_266 = tpu.memref_squeeze %dma_start3A_265 : memref<1x128xi32, #tpu.memory_space<vmem>> -> memref<128xi32, #tpu.memory_space<vmem>>
        %dma_start3A_267 = arith.constant 0 : i32
        %dma_start3A_268 = arith.constant 0 : i32
        %dma_start3A_269 = tpu.memref_slice %arg6[%dma_start3A_267, %dma_start3A_268] : memref<10240x128xf32, #tpu.memory_space<vmem_shared>> -> memref<10240x128xf32, #tpu.memory_space<vmem_shared>>
        tpu.enqueue_indirect_dma source(%arg9 : memref<128x128xf32, #tpu.memory_space<vmem>>) target(%dma_start3A_269 : memref<10240x128xf32, #tpu.memory_space<vmem_shared>>) offsets(%dma_start3A_266 : memref<128xi32, #tpu.memory_space<vmem>>) semaphore(%run_scoped3A_263 : memref<!tpu.dma_semaphore, #tpu.memory_space<semaphore_mem>>) {add = true}
        %dma_wait3A_270 = arith.constant 0 : i32
        %dma_wait3A_271 = tpu.memref_slice %arg8[%add3A_161, %dma_wait3A_270] : memref<80x128xi32, #tpu.memory_space<vmem>> -> memref<1x128xi32, #tpu.memory_space<vmem>>
        %dma_wait3A_272 = tpu.memref_squeeze %dma_wait3A_271 : memref<1x128xi32, #tpu.memory_space<vmem>> -> memref<128xi32, #tpu.memory_space<vmem>>
        %dma_wait3A_273 = arith.constant 0 : i32
        %dma_wait3A_274 = arith.constant 0 : i32
        %dma_wait3A_275 = tpu.memref_slice %arg6[%dma_wait3A_273, %dma_wait3A_274] : memref<10240x128xf32, #tpu.memory_space<vmem_shared>> -> memref<10240x128xf32, #tpu.memory_space<vmem_shared>>
        tpu.wait_indirect_dma semaphore(%run_scoped3A_263 : memref<!tpu.dma_semaphore, #tpu.memory_space<semaphore_mem>>) src(%arg9 : memref<128x128xf32, #tpu.memory_space<vmem>>) dst(%dma_wait3A_275 : memref<10240x128xf32, #tpu.memory_space<vmem_shared>>)
        tpu.yield
      }) : () -> ()
      %dma_start3A_162 = arith.constant 2 : i32
      %dma_start3A_163 = arith.constant 0 : i32
      %dma_start3A_164 = arith.constant 0 : i32
      %dma_start3A_165 = tpu.memref_slice %arg7[%rem3A_146, %dma_start3A_162, %dma_start3A_164] : memref<2x4x128xi32, #tpu.memory_space<vmem>> -> memref<1x1x128xi32, #tpu.memory_space<vmem>>
      %dma_start3A_166 = tpu.memref_squeeze %dma_start3A_165 : memref<1x1x128xi32, #tpu.memory_space<vmem>> -> memref<128xi32, #tpu.memory_space<vmem>>
      %dma_start3A_167 = arith.constant 0 : i32
      %dma_start3A_168 = arith.constant 0 : i32
      %dma_start3A_169 = tpu.memref_slice %arg2[%dma_start3A_167, %dma_start3A_168] : memref<10240x128xf32, #tpu.memory_space<hbm>> -> memref<10240x128xf32, #tpu.memory_space<hbm>>
      %dma_start3A_170 = tpu.memref_slice %arg11[%dma_start3A_163] : memref<2x!tpu.dma_semaphore, #tpu.memory_space<semaphore_mem>> -> memref<1x!tpu.dma_semaphore, #tpu.memory_space<semaphore_mem>>
      %dma_start3A_171 = tpu.memref_squeeze %dma_start3A_170 : memref<1x!tpu.dma_semaphore, #tpu.memory_space<semaphore_mem>> -> memref<!tpu.dma_semaphore, #tpu.memory_space<semaphore_mem>>
      tpu.enqueue_indirect_dma source(%dma_start3A_169 : memref<10240x128xf32, #tpu.memory_space<hbm>>) target(%arg9 : memref<128x128xf32, #tpu.memory_space<vmem>>) offsets(%dma_start3A_166 : memref<128xi32, #tpu.memory_space<vmem>>) semaphore(%dma_start3A_171 : memref<!tpu.dma_semaphore, #tpu.memory_space<semaphore_mem>>)
      %dma_wait3A_172 = arith.constant 1 : i32
      %dma_wait3A_173 = arith.constant 1 : i32
      %dma_wait3A_174 = arith.constant 0 : i32
      %dma_wait3A_175 = tpu.memref_slice %arg7[%rem3A_146, %dma_wait3A_172, %dma_wait3A_174] : memref<2x4x128xi32, #tpu.memory_space<vmem>> -> memref<1x1x128xi32, #tpu.memory_space<vmem>>
      %dma_wait3A_176 = tpu.memref_squeeze %dma_wait3A_175 : memref<1x1x128xi32, #tpu.memory_space<vmem>> -> memref<128xi32, #tpu.memory_space<vmem>>
      %dma_wait3A_177 = arith.constant 0 : i32
      %dma_wait3A_178 = arith.constant 0 : i32
      %dma_wait3A_179 = tpu.memref_slice %arg2[%dma_wait3A_177, %dma_wait3A_178] : memref<10240x128xf32, #tpu.memory_space<hbm>> -> memref<10240x128xf32, #tpu.memory_space<hbm>>
      %dma_wait3A_180 = tpu.memref_slice %arg11[%dma_wait3A_173] : memref<2x!tpu.dma_semaphore, #tpu.memory_space<semaphore_mem>> -> memref<1x!tpu.dma_semaphore, #tpu.memory_space<semaphore_mem>>
      %dma_wait3A_181 = tpu.memref_squeeze %dma_wait3A_180 : memref<1x!tpu.dma_semaphore, #tpu.memory_space<semaphore_mem>> -> memref<!tpu.dma_semaphore, #tpu.memory_space<semaphore_mem>>
      tpu.wait_indirect_dma semaphore(%dma_wait3A_181 : memref<!tpu.dma_semaphore, #tpu.memory_space<semaphore_mem>>) src(%dma_wait3A_179 : memref<10240x128xf32, #tpu.memory_space<hbm>>) dst(%arg10 : memref<128x128xf32, #tpu.memory_space<vmem>>)
      %add3A_182 = arith.constant 1 : i32
      %add3A_183 = arith.addi %mul3A_149, %add3A_182 : i32
      "tpu.region"() ({
        %run_scoped3A_263 = tpu.sem_alloc : memref<!tpu.dma_semaphore, #tpu.memory_space<semaphore_mem>>
        %dma_start3A_264 = arith.constant 0 : i32
        %dma_start3A_265 = tpu.memref_slice %arg8[%add3A_183, %dma_start3A_264] : memref<80x128xi32, #tpu.memory_space<vmem>> -> memref<1x128xi32, #tpu.memory_space<vmem>>
        %dma_start3A_266 = tpu.memref_squeeze %dma_start3A_265 : memref<1x128xi32, #tpu.memory_space<vmem>> -> memref<128xi32, #tpu.memory_space<vmem>>
        %dma_start3A_267 = arith.constant 0 : i32
        %dma_start3A_268 = arith.constant 0 : i32
        %dma_start3A_269 = tpu.memref_slice %arg6[%dma_start3A_267, %dma_start3A_268] : memref<10240x128xf32, #tpu.memory_space<vmem_shared>> -> memref<10240x128xf32, #tpu.memory_space<vmem_shared>>
        tpu.enqueue_indirect_dma source(%arg10 : memref<128x128xf32, #tpu.memory_space<vmem>>) target(%dma_start3A_269 : memref<10240x128xf32, #tpu.memory_space<vmem_shared>>) offsets(%dma_start3A_266 : memref<128xi32, #tpu.memory_space<vmem>>) semaphore(%run_scoped3A_263 : memref<!tpu.dma_semaphore, #tpu.memory_space<semaphore_mem>>) {add = true}
        %dma_wait3A_270 = arith.constant 0 : i32
        %dma_wait3A_271 = tpu.memref_slice %arg8[%add3A_183, %dma_wait3A_270] : memref<80x128xi32, #tpu.memory_space<vmem>> -> memref<1x128xi32, #tpu.memory_space<vmem>>
        %dma_wait3A_272 = tpu.memref_squeeze %dma_wait3A_271 : memref<1x128xi32, #tpu.memory_space<vmem>> -> memref<128xi32, #tpu.memory_space<vmem>>
        %dma_wait3A_273 = arith.constant 0 : i32
        %dma_wait3A_274 = arith.constant 0 : i32
        %dma_wait3A_275 = tpu.memref_slice %arg6[%dma_wait3A_273, %dma_wait3A_274] : memref<10240x128xf32, #tpu.memory_space<vmem_shared>> -> memref<10240x128xf32, #tpu.memory_space<vmem_shared>>
        tpu.wait_indirect_dma semaphore(%run_scoped3A_263 : memref<!tpu.dma_semaphore, #tpu.memory_space<semaphore_mem>>) src(%arg10 : memref<128x128xf32, #tpu.memory_space<vmem>>) dst(%dma_wait3A_275 : memref<10240x128xf32, #tpu.memory_space<vmem_shared>>)
        tpu.yield
      }) : () -> ()
      %dma_start3A_184 = arith.constant 3 : i32
      %dma_start3A_185 = arith.constant 1 : i32
      %dma_start3A_186 = arith.constant 0 : i32
      %dma_start3A_187 = tpu.memref_slice %arg7[%rem3A_146, %dma_start3A_184, %dma_start3A_186] : memref<2x4x128xi32, #tpu.memory_space<vmem>> -> memref<1x1x128xi32, #tpu.memory_space<vmem>>
      %dma_start3A_188 = tpu.memref_squeeze %dma_start3A_187 : memref<1x1x128xi32, #tpu.memory_space<vmem>> -> memref<128xi32, #tpu.memory_space<vmem>>
      %dma_start3A_189 = arith.constant 0 : i32
      %dma_start3A_190 = arith.constant 0 : i32
      %dma_start3A_191 = tpu.memref_slice %arg2[%dma_start3A_189, %dma_start3A_190] : memref<10240x128xf32, #tpu.memory_space<hbm>> -> memref<10240x128xf32, #tpu.memory_space<hbm>>
      %dma_start3A_192 = tpu.memref_slice %arg11[%dma_start3A_185] : memref<2x!tpu.dma_semaphore, #tpu.memory_space<semaphore_mem>> -> memref<1x!tpu.dma_semaphore, #tpu.memory_space<semaphore_mem>>
      %dma_start3A_193 = tpu.memref_squeeze %dma_start3A_192 : memref<1x!tpu.dma_semaphore, #tpu.memory_space<semaphore_mem>> -> memref<!tpu.dma_semaphore, #tpu.memory_space<semaphore_mem>>
      tpu.enqueue_indirect_dma source(%dma_start3A_191 : memref<10240x128xf32, #tpu.memory_space<hbm>>) target(%arg10 : memref<128x128xf32, #tpu.memory_space<vmem>>) offsets(%dma_start3A_188 : memref<128xi32, #tpu.memory_space<vmem>>) semaphore(%dma_start3A_193 : memref<!tpu.dma_semaphore, #tpu.memory_space<semaphore_mem>>)
      %dma_wait3A_194 = arith.constant 2 : i32
      %dma_wait3A_195 = arith.constant 0 : i32
      %dma_wait3A_196 = arith.constant 0 : i32
      %dma_wait3A_197 = tpu.memref_slice %arg7[%rem3A_146, %dma_wait3A_194, %dma_wait3A_196] : memref<2x4x128xi32, #tpu.memory_space<vmem>> -> memref<1x1x128xi32, #tpu.memory_space<vmem>>
      %dma_wait3A_198 = tpu.memref_squeeze %dma_wait3A_197 : memref<1x1x128xi32, #tpu.memory_space<vmem>> -> memref<128xi32, #tpu.memory_space<vmem>>
      %dma_wait3A_199 = arith.constant 0 : i32
      %dma_wait3A_200 = arith.constant 0 : i32
      %dma_wait3A_201 = tpu.memref_slice %arg2[%dma_wait3A_199, %dma_wait3A_200] : memref<10240x128xf32, #tpu.memory_space<hbm>> -> memref<10240x128xf32, #tpu.memory_space<hbm>>
      %dma_wait3A_202 = tpu.memref_slice %arg11[%dma_wait3A_195] : memref<2x!tpu.dma_semaphore, #tpu.memory_space<semaphore_mem>> -> memref<1x!tpu.dma_semaphore, #tpu.memory_space<semaphore_mem>>
      %dma_wait3A_203 = tpu.memref_squeeze %dma_wait3A_202 : memref<1x!tpu.dma_semaphore, #tpu.memory_space<semaphore_mem>> -> memref<!tpu.dma_semaphore, #tpu.memory_space<semaphore_mem>>
      tpu.wait_indirect_dma semaphore(%dma_wait3A_203 : memref<!tpu.dma_semaphore, #tpu.memory_space<semaphore_mem>>) src(%dma_wait3A_201 : memref<10240x128xf32, #tpu.memory_space<hbm>>) dst(%arg9 : memref<128x128xf32, #tpu.memory_space<vmem>>)
      %add3A_204 = arith.constant 2 : i32
      %add3A_205 = arith.addi %mul3A_149, %add3A_204 : i32
      "tpu.region"() ({
        %run_scoped3A_263 = tpu.sem_alloc : memref<!tpu.dma_semaphore, #tpu.memory_space<semaphore_mem>>
        %dma_start3A_264 = arith.constant 0 : i32
        %dma_start3A_265 = tpu.memref_slice %arg8[%add3A_205, %dma_start3A_264] : memref<80x128xi32, #tpu.memory_space<vmem>> -> memref<1x128xi32, #tpu.memory_space<vmem>>
        %dma_start3A_266 = tpu.memref_squeeze %dma_start3A_265 : memref<1x128xi32, #tpu.memory_space<vmem>> -> memref<128xi32, #tpu.memory_space<vmem>>
        %dma_start3A_267 = arith.constant 0 : i32
        %dma_start3A_268 = arith.constant 0 : i32
        %dma_start3A_269 = tpu.memref_slice %arg6[%dma_start3A_267, %dma_start3A_268] : memref<10240x128xf32, #tpu.memory_space<vmem_shared>> -> memref<10240x128xf32, #tpu.memory_space<vmem_shared>>
        tpu.enqueue_indirect_dma source(%arg9 : memref<128x128xf32, #tpu.memory_space<vmem>>) target(%dma_start3A_269 : memref<10240x128xf32, #tpu.memory_space<vmem_shared>>) offsets(%dma_start3A_266 : memref<128xi32, #tpu.memory_space<vmem>>) semaphore(%run_scoped3A_263 : memref<!tpu.dma_semaphore, #tpu.memory_space<semaphore_mem>>) {add = true}
        %dma_wait3A_270 = arith.constant 0 : i32
        %dma_wait3A_271 = tpu.memref_slice %arg8[%add3A_205, %dma_wait3A_270] : memref<80x128xi32, #tpu.memory_space<vmem>> -> memref<1x128xi32, #tpu.memory_space<vmem>>
        %dma_wait3A_272 = tpu.memref_squeeze %dma_wait3A_271 : memref<1x128xi32, #tpu.memory_space<vmem>> -> memref<128xi32, #tpu.memory_space<vmem>>
        %dma_wait3A_273 = arith.constant 0 : i32
        %dma_wait3A_274 = arith.constant 0 : i32
        %dma_wait3A_275 = tpu.memref_slice %arg6[%dma_wait3A_273, %dma_wait3A_274] : memref<10240x128xf32, #tpu.memory_space<vmem_shared>> -> memref<10240x128xf32, #tpu.memory_space<vmem_shared>>
        tpu.wait_indirect_dma semaphore(%run_scoped3A_263 : memref<!tpu.dma_semaphore, #tpu.memory_space<semaphore_mem>>) src(%arg9 : memref<128x128xf32, #tpu.memory_space<vmem>>) dst(%dma_wait3A_275 : memref<10240x128xf32, #tpu.memory_space<vmem_shared>>)
        tpu.yield
      }) : () -> ()
      %add3A_206 = arith.constant 1 : i32
      %add3A_207 = arith.addi %scan3A_144, %add3A_206 : i32
      %mul3A_208 = arith.constant 4 : i32
      %mul3A_209 = arith.muli %add3A_207, %mul3A_208 : i32
      %dma_wait3A_210 = arith.constant 0 : i32
      %dma_wait3A_211 = arith.constant 0 : i32
      %dma_wait3A_212 = tpu.memref_slice %arg7[%sub3A_147, %dma_wait3A_210, %dma_wait3A_211] : memref<2x4x128xi32, #tpu.memory_space<vmem>> -> memref<1x4x128xi32, #tpu.memory_space<vmem>>
      %dma_wait3A_213 = tpu.memref_squeeze %dma_wait3A_212 : memref<1x4x128xi32, #tpu.memory_space<vmem>> -> memref<4x128xi32, #tpu.memory_space<vmem>>
      %dma_wait3A_214 = arith.constant 0 : i32
      %dma_wait3A_215 = tpu.memref_slice %arg3[%add3A, %mul3A_209, %dma_wait3A_214] : memref<32x80x128xi32, #tpu.memory_space<hbm>> -> memref<1x4x128xi32, #tpu.memory_space<hbm>>
      %dma_wait3A_216 = tpu.memref_squeeze %dma_wait3A_215 : memref<1x4x128xi32, #tpu.memory_space<hbm>> -> memref<4x128xi32, #tpu.memory_space<hbm>>
      %dma_wait3A_217 = tpu.memref_slice %arg12[%sub3A_147] : memref<2x!tpu.dma_semaphore, #tpu.memory_space<semaphore_mem>> -> memref<1x!tpu.dma_semaphore, #tpu.memory_space<semaphore_mem>>
      %dma_wait3A_218 = tpu.memref_squeeze %dma_wait3A_217 : memref<1x!tpu.dma_semaphore, #tpu.memory_space<semaphore_mem>> -> memref<!tpu.dma_semaphore, #tpu.memory_space<semaphore_mem>>
      %dma_wait3A_219 = arith.constant 0 : i32
      %dma_wait3A_220 = arith.constant 0 : i32
      %dma_wait3A_221 = tpu.memref_slice %arg7[%sub3A_147, %dma_wait3A_219, %dma_wait3A_220] : memref<2x4x128xi32, #tpu.memory_space<vmem>> -> memref<1x4x128xi32, #tpu.memory_space<vmem>>
      %dma_wait3A_222 = tpu.memref_squeeze %dma_wait3A_221 : memref<1x4x128xi32, #tpu.memory_space<vmem>> -> memref<4x128xi32, #tpu.memory_space<vmem>>
      %dma_wait3A_223 = arith.constant 0 : i32
      %dma_wait3A_224 = tpu.memref_slice %arg3[%add3A, %mul3A_209, %dma_wait3A_223] : memref<32x80x128xi32, #tpu.memory_space<hbm>> -> memref<1x4x128xi32, #tpu.memory_space<hbm>>
      %dma_wait3A_225 = tpu.memref_squeeze %dma_wait3A_224 : memref<1x4x128xi32, #tpu.memory_space<hbm>> -> memref<4x128xi32, #tpu.memory_space<hbm>>
      tpu.wait_dma2 semaphore(%dma_wait3A_218 : memref<!tpu.dma_semaphore, #tpu.memory_space<semaphore_mem>>) src(%dma_wait3A_225 : memref<4x128xi32, #tpu.memory_space<hbm>>) dst(%dma_wait3A_222 : memref<4x128xi32, #tpu.memory_space<vmem>>)
      %dma_start3A_226 = arith.constant 0 : i32
      %dma_start3A_227 = arith.constant 0 : i32
      %dma_start3A_228 = arith.constant 0 : i32
      %dma_start3A_229 = tpu.memref_slice %arg7[%sub3A_147, %dma_start3A_226, %dma_start3A_228] : memref<2x4x128xi32, #tpu.memory_space<vmem>> -> memref<1x1x128xi32, #tpu.memory_space<vmem>>
      %dma_start3A_230 = tpu.memref_squeeze %dma_start3A_229 : memref<1x1x128xi32, #tpu.memory_space<vmem>> -> memref<128xi32, #tpu.memory_space<vmem>>
      %dma_start3A_231 = arith.constant 0 : i32
      %dma_start3A_232 = arith.constant 0 : i32
      %dma_start3A_233 = tpu.memref_slice %arg2[%dma_start3A_231, %dma_start3A_232] : memref<10240x128xf32, #tpu.memory_space<hbm>> -> memref<10240x128xf32, #tpu.memory_space<hbm>>
      %dma_start3A_234 = tpu.memref_slice %arg11[%dma_start3A_227] : memref<2x!tpu.dma_semaphore, #tpu.memory_space<semaphore_mem>> -> memref<1x!tpu.dma_semaphore, #tpu.memory_space<semaphore_mem>>
      %dma_start3A_235 = tpu.memref_squeeze %dma_start3A_234 : memref<1x!tpu.dma_semaphore, #tpu.memory_space<semaphore_mem>> -> memref<!tpu.dma_semaphore, #tpu.memory_space<semaphore_mem>>
      tpu.enqueue_indirect_dma source(%dma_start3A_233 : memref<10240x128xf32, #tpu.memory_space<hbm>>) target(%arg9 : memref<128x128xf32, #tpu.memory_space<vmem>>) offsets(%dma_start3A_230 : memref<128xi32, #tpu.memory_space<vmem>>) semaphore(%dma_start3A_235 : memref<!tpu.dma_semaphore, #tpu.memory_space<semaphore_mem>>)
      %dma_wait3A_236 = arith.constant 3 : i32
      %dma_wait3A_237 = arith.constant 1 : i32
      %dma_wait3A_238 = arith.constant 0 : i32
      %dma_wait3A_239 = tpu.memref_slice %arg7[%rem3A_146, %dma_wait3A_236, %dma_wait3A_238] : memref<2x4x128xi32, #tpu.memory_space<vmem>> -> memref<1x1x128xi32, #tpu.memory_space<vmem>>
      %dma_wait3A_240 = tpu.memref_squeeze %dma_wait3A_239 : memref<1x1x128xi32, #tpu.memory_space<vmem>> -> memref<128xi32, #tpu.memory_space<vmem>>
      %dma_wait3A_241 = arith.constant 0 : i32
      %dma_wait3A_242 = arith.constant 0 : i32
      %dma_wait3A_243 = tpu.memref_slice %arg2[%dma_wait3A_241, %dma_wait3A_242] : memref<10240x128xf32, #tpu.memory_space<hbm>> -> memref<10240x128xf32, #tpu.memory_space<hbm>>
      %dma_wait3A_244 = tpu.memref_slice %arg11[%dma_wait3A_237] : memref<2x!tpu.dma_semaphore, #tpu.memory_space<semaphore_mem>> -> memref<1x!tpu.dma_semaphore, #tpu.memory_space<semaphore_mem>>
      %dma_wait3A_245 = tpu.memref_squeeze %dma_wait3A_244 : memref<1x!tpu.dma_semaphore, #tpu.memory_space<semaphore_mem>> -> memref<!tpu.dma_semaphore, #tpu.memory_space<semaphore_mem>>
      tpu.wait_indirect_dma semaphore(%dma_wait3A_245 : memref<!tpu.dma_semaphore, #tpu.memory_space<semaphore_mem>>) src(%dma_wait3A_243 : memref<10240x128xf32, #tpu.memory_space<hbm>>) dst(%arg10 : memref<128x128xf32, #tpu.memory_space<vmem>>)
      %add3A_246 = arith.constant 3 : i32
      %add3A_247 = arith.addi %mul3A_149, %add3A_246 : i32
      "tpu.region"() ({
        %run_scoped3A_263 = tpu.sem_alloc : memref<!tpu.dma_semaphore, #tpu.memory_space<semaphore_mem>>
        %dma_start3A_264 = arith.constant 0 : i32
        %dma_start3A_265 = tpu.memref_slice %arg8[%add3A_247, %dma_start3A_264] : memref<80x128xi32, #tpu.memory_space<vmem>> -> memref<1x128xi32, #tpu.memory_space<vmem>>
        %dma_start3A_266 = tpu.memref_squeeze %dma_start3A_265 : memref<1x128xi32, #tpu.memory_space<vmem>> -> memref<128xi32, #tpu.memory_space<vmem>>
        %dma_start3A_267 = arith.constant 0 : i32
        %dma_start3A_268 = arith.constant 0 : i32
        %dma_start3A_269 = tpu.memref_slice %arg6[%dma_start3A_267, %dma_start3A_268] : memref<10240x128xf32, #tpu.memory_space<vmem_shared>> -> memref<10240x128xf32, #tpu.memory_space<vmem_shared>>
        tpu.enqueue_indirect_dma source(%arg10 : memref<128x128xf32, #tpu.memory_space<vmem>>) target(%dma_start3A_269 : memref<10240x128xf32, #tpu.memory_space<vmem_shared>>) offsets(%dma_start3A_266 : memref<128xi32, #tpu.memory_space<vmem>>) semaphore(%run_scoped3A_263 : memref<!tpu.dma_semaphore, #tpu.memory_space<semaphore_mem>>) {add = true}
        %dma_wait3A_270 = arith.constant 0 : i32
        %dma_wait3A_271 = tpu.memref_slice %arg8[%add3A_247, %dma_wait3A_270] : memref<80x128xi32, #tpu.memory_space<vmem>> -> memref<1x128xi32, #tpu.memory_space<vmem>>
        %dma_wait3A_272 = tpu.memref_squeeze %dma_wait3A_271 : memref<1x128xi32, #tpu.memory_space<vmem>> -> memref<128xi32, #tpu.memory_space<vmem>>
        %dma_wait3A_273 = arith.constant 0 : i32
        %dma_wait3A_274 = arith.constant 0 : i32
        %dma_wait3A_275 = tpu.memref_slice %arg6[%dma_wait3A_273, %dma_wait3A_274] : memref<10240x128xf32, #tpu.memory_space<vmem_shared>> -> memref<10240x128xf32, #tpu.memory_space<vmem_shared>>
        tpu.wait_indirect_dma semaphore(%run_scoped3A_263 : memref<!tpu.dma_semaphore, #tpu.memory_space<semaphore_mem>>) src(%arg10 : memref<128x128xf32, #tpu.memory_space<vmem>>) dst(%dma_wait3A_275 : memref<10240x128xf32, #tpu.memory_space<vmem_shared>>)
        tpu.yield
      }) : () -> ()
      %dma_start3A_248 = arith.constant 1 : i32
      %dma_start3A_249 = arith.constant 1 : i32
      %dma_start3A_250 = arith.constant 0 : i32
      %dma_start3A_251 = tpu.memref_slice %arg7[%sub3A_147, %dma_start3A_248, %dma_start3A_250] : memref<2x4x128xi32, #tpu.memory_space<vmem>> -> memref<1x1x128xi32, #tpu.memory_space<vmem>>
      %dma_start3A_252 = tpu.memref_squeeze %dma_start3A_251 : memref<1x1x128xi32, #tpu.memory_space<vmem>> -> memref<128xi32, #tpu.memory_space<vmem>>
      %dma_start3A_253 = arith.constant 0 : i32
      %dma_start3A_254 = arith.constant 0 : i32
      %dma_start3A_255 = tpu.memref_slice %arg2[%dma_start3A_253, %dma_start3A_254] : memref<10240x128xf32, #tpu.memory_space<hbm>> -> memref<10240x128xf32, #tpu.memory_space<hbm>>
      %dma_start3A_256 = tpu.memref_slice %arg11[%dma_start3A_249] : memref<2x!tpu.dma_semaphore, #tpu.memory_space<semaphore_mem>> -> memref<1x!tpu.dma_semaphore, #tpu.memory_space<semaphore_mem>>
      %dma_start3A_257 = tpu.memref_squeeze %dma_start3A_256 : memref<1x!tpu.dma_semaphore, #tpu.memory_space<semaphore_mem>> -> memref<!tpu.dma_semaphore, #tpu.memory_space<semaphore_mem>>
      tpu.enqueue_indirect_dma source(%dma_start3A_255 : memref<10240x128xf32, #tpu.memory_space<hbm>>) target(%arg10 : memref<128x128xf32, #tpu.memory_space<vmem>>) offsets(%dma_start3A_252 : memref<128xi32, #tpu.memory_space<vmem>>) semaphore(%dma_start3A_257 : memref<!tpu.dma_semaphore, #tpu.memory_space<semaphore_mem>>)
      %add3A_258 = arith.constant 2 : i32
      %add3A_259 = arith.addi %scan3A_144, %add3A_258 : i32
      %lt3A = arith.constant 20 : i32
      %lt3A_260 = arith.cmpi slt, %add3A_259, %lt3A : i32
      %convert_element_type3A = arith.extui %lt3A_260 : i1 to i32
      %cond3A = arith.constant 0 : i32
      %cond3A_261 = arith.cmpi ne, %convert_element_type3A, %cond3A : i32
      scf.if %cond3A_261 {
        %add3A_263 = arith.constant 2 : i32
        %add3A_264 = arith.addi %scan3A_144, %add3A_263 : i32
        %mul3A_265 = arith.constant 4 : i32
        %mul3A_266 = arith.muli %add3A_264, %mul3A_265 : i32
        %dma_start3A_267 = arith.constant 0 : i32
        %dma_start3A_268 = arith.constant 0 : i32
        %dma_start3A_269 = tpu.memref_slice %arg7[%rem3A_146, %dma_start3A_267, %dma_start3A_268] : memref<2x4x128xi32, #tpu.memory_space<vmem>> -> memref<1x4x128xi32, #tpu.memory_space<vmem>>
        %dma_start3A_270 = tpu.memref_squeeze %dma_start3A_269 : memref<1x4x128xi32, #tpu.memory_space<vmem>> -> memref<4x128xi32, #tpu.memory_space<vmem>>
        %dma_start3A_271 = arith.constant 0 : i32
        %dma_start3A_272 = tpu.memref_slice %arg3[%add3A, %mul3A_266, %dma_start3A_271] : memref<32x80x128xi32, #tpu.memory_space<hbm>> -> memref<1x4x128xi32, #tpu.memory_space<hbm>>
        %dma_start3A_273 = tpu.memref_squeeze %dma_start3A_272 : memref<1x4x128xi32, #tpu.memory_space<hbm>> -> memref<4x128xi32, #tpu.memory_space<hbm>>
        %dma_start3A_274 = tpu.memref_slice %arg12[%rem3A_146] : memref<2x!tpu.dma_semaphore, #tpu.memory_space<semaphore_mem>> -> memref<1x!tpu.dma_semaphore, #tpu.memory_space<semaphore_mem>>
        %dma_start3A_275 = tpu.memref_squeeze %dma_start3A_274 : memref<1x!tpu.dma_semaphore, #tpu.memory_space<semaphore_mem>> -> memref<!tpu.dma_semaphore, #tpu.memory_space<semaphore_mem>>
        %dma_start3A_276 = arith.constant 0 : i32
        %dma_start3A_277 = arith.constant 0 : i32
        %dma_start3A_278 = tpu.memref_slice %arg7[%rem3A_146, %dma_start3A_276, %dma_start3A_277] : memref<2x4x128xi32, #tpu.memory_space<vmem>> -> memref<1x4x128xi32, #tpu.memory_space<vmem>>
        %dma_start3A_279 = tpu.memref_squeeze %dma_start3A_278 : memref<1x4x128xi32, #tpu.memory_space<vmem>> -> memref<4x128xi32, #tpu.memory_space<vmem>>
        %dma_start3A_280 = arith.constant 0 : i32
        %dma_start3A_281 = tpu.memref_slice %arg3[%add3A, %mul3A_266, %dma_start3A_280] : memref<32x80x128xi32, #tpu.memory_space<hbm>> -> memref<1x4x128xi32, #tpu.memory_space<hbm>>
        %dma_start3A_282 = tpu.memref_squeeze %dma_start3A_281 : memref<1x4x128xi32, #tpu.memory_space<hbm>> -> memref<4x128xi32, #tpu.memory_space<hbm>>
        tpu.enqueue_dma source(%dma_start3A_282 : memref<4x128xi32, #tpu.memory_space<hbm>>) target(%dma_start3A_279 : memref<4x128xi32, #tpu.memory_space<vmem>>) target_semaphore(%dma_start3A_275 : memref<!tpu.dma_semaphore, #tpu.memory_space<semaphore_mem>>)
      } else {
      }
      %scan3A_262 = arith.constant 0 : i32
      scf.yield %scan3A_262 : i32
    }
    %scan3A_66 = arith.constant 19 : i32
    %dma_wait3A = arith.constant 1 : i32
    %dma_wait3A_67 = arith.constant 0 : i32
    %dma_wait3A_68 = arith.constant 0 : i32
    %dma_wait3A_69 = arith.constant 0 : i32
    %dma_wait3A_70 = tpu.memref_slice %arg7[%dma_wait3A, %dma_wait3A_67, %dma_wait3A_69] : memref<2x4x128xi32, #tpu.memory_space<vmem>> -> memref<1x1x128xi32, #tpu.memory_space<vmem>>
    %dma_wait3A_71 = tpu.memref_squeeze %dma_wait3A_70 : memref<1x1x128xi32, #tpu.memory_space<vmem>> -> memref<128xi32, #tpu.memory_space<vmem>>
    %dma_wait3A_72 = arith.constant 0 : i32
    %dma_wait3A_73 = arith.constant 0 : i32
    %dma_wait3A_74 = tpu.memref_slice %arg2[%dma_wait3A_72, %dma_wait3A_73] : memref<10240x128xf32, #tpu.memory_space<hbm>> -> memref<10240x128xf32, #tpu.memory_space<hbm>>
    %dma_wait3A_75 = tpu.memref_slice %arg11[%dma_wait3A_68] : memref<2x!tpu.dma_semaphore, #tpu.memory_space<semaphore_mem>> -> memref<1x!tpu.dma_semaphore, #tpu.memory_space<semaphore_mem>>
    %dma_wait3A_76 = tpu.memref_squeeze %dma_wait3A_75 : memref<1x!tpu.dma_semaphore, #tpu.memory_space<semaphore_mem>> -> memref<!tpu.dma_semaphore, #tpu.memory_space<semaphore_mem>>
    tpu.wait_indirect_dma semaphore(%dma_wait3A_76 : memref<!tpu.dma_semaphore, #tpu.memory_space<semaphore_mem>>) src(%dma_wait3A_74 : memref<10240x128xf32, #tpu.memory_space<hbm>>) dst(%arg9 : memref<128x128xf32, #tpu.memory_space<vmem>>)
    %run_scoped3A_77 = arith.constant 76 : i32
    "tpu.region"() ({
      %run_scoped3A_144 = tpu.sem_alloc : memref<!tpu.dma_semaphore, #tpu.memory_space<semaphore_mem>>
      %dma_start3A_145 = arith.constant 0 : i32
      %dma_start3A_146 = tpu.memref_slice %arg8[%run_scoped3A_77, %dma_start3A_145] : memref<80x128xi32, #tpu.memory_space<vmem>> -> memref<1x128xi32, #tpu.memory_space<vmem>>
      %dma_start3A_147 = tpu.memref_squeeze %dma_start3A_146 : memref<1x128xi32, #tpu.memory_space<vmem>> -> memref<128xi32, #tpu.memory_space<vmem>>
      %dma_start3A_148 = arith.constant 0 : i32
      %dma_start3A_149 = arith.constant 0 : i32
      %dma_start3A_150 = tpu.memref_slice %arg6[%dma_start3A_148, %dma_start3A_149] : memref<10240x128xf32, #tpu.memory_space<vmem_shared>> -> memref<10240x128xf32, #tpu.memory_space<vmem_shared>>
      tpu.enqueue_indirect_dma source(%arg9 : memref<128x128xf32, #tpu.memory_space<vmem>>) target(%dma_start3A_150 : memref<10240x128xf32, #tpu.memory_space<vmem_shared>>) offsets(%dma_start3A_147 : memref<128xi32, #tpu.memory_space<vmem>>) semaphore(%run_scoped3A_144 : memref<!tpu.dma_semaphore, #tpu.memory_space<semaphore_mem>>) {add = true}
      %dma_wait3A_151 = arith.constant 0 : i32
      %dma_wait3A_152 = tpu.memref_slice %arg8[%run_scoped3A_77, %dma_wait3A_151] : memref<80x128xi32, #tpu.memory_space<vmem>> -> memref<1x128xi32, #tpu.memory_space<vmem>>
      %dma_wait3A_153 = tpu.memref_squeeze %dma_wait3A_152 : memref<1x128xi32, #tpu.memory_space<vmem>> -> memref<128xi32, #tpu.memory_space<vmem>>
      %dma_wait3A_154 = arith.constant 0 : i32
      %dma_wait3A_155 = arith.constant 0 : i32
      %dma_wait3A_156 = tpu.memref_slice %arg6[%dma_wait3A_154, %dma_wait3A_155] : memref<10240x128xf32, #tpu.memory_space<vmem_shared>> -> memref<10240x128xf32, #tpu.memory_space<vmem_shared>>
      tpu.wait_indirect_dma semaphore(%run_scoped3A_144 : memref<!tpu.dma_semaphore, #tpu.memory_space<semaphore_mem>>) src(%arg9 : memref<128x128xf32, #tpu.memory_space<vmem>>) dst(%dma_wait3A_156 : memref<10240x128xf32, #tpu.memory_space<vmem_shared>>)
      tpu.yield
    }) : () -> ()
    %dma_start3A_78 = arith.constant 1 : i32
    %dma_start3A_79 = arith.constant 2 : i32
    %dma_start3A_80 = arith.constant 0 : i32
    %dma_start3A_81 = arith.constant 0 : i32
    %dma_start3A_82 = tpu.memref_slice %arg7[%dma_start3A_78, %dma_start3A_79, %dma_start3A_81] : memref<2x4x128xi32, #tpu.memory_space<vmem>> -> memref<1x1x128xi32, #tpu.memory_space<vmem>>
    %dma_start3A_83 = tpu.memref_squeeze %dma_start3A_82 : memref<1x1x128xi32, #tpu.memory_space<vmem>> -> memref<128xi32, #tpu.memory_space<vmem>>
    %dma_start3A_84 = arith.constant 0 : i32
    %dma_start3A_85 = arith.constant 0 : i32
    %dma_start3A_86 = tpu.memref_slice %arg2[%dma_start3A_84, %dma_start3A_85] : memref<10240x128xf32, #tpu.memory_space<hbm>> -> memref<10240x128xf32, #tpu.memory_space<hbm>>
    %dma_start3A_87 = tpu.memref_slice %arg11[%dma_start3A_80] : memref<2x!tpu.dma_semaphore, #tpu.memory_space<semaphore_mem>> -> memref<1x!tpu.dma_semaphore, #tpu.memory_space<semaphore_mem>>
    %dma_start3A_88 = tpu.memref_squeeze %dma_start3A_87 : memref<1x!tpu.dma_semaphore, #tpu.memory_space<semaphore_mem>> -> memref<!tpu.dma_semaphore, #tpu.memory_space<semaphore_mem>>
    tpu.enqueue_indirect_dma source(%dma_start3A_86 : memref<10240x128xf32, #tpu.memory_space<hbm>>) target(%arg9 : memref<128x128xf32, #tpu.memory_space<vmem>>) offsets(%dma_start3A_83 : memref<128xi32, #tpu.memory_space<vmem>>) semaphore(%dma_start3A_88 : memref<!tpu.dma_semaphore, #tpu.memory_space<semaphore_mem>>)
    %dma_wait3A_89 = arith.constant 1 : i32
    %dma_wait3A_90 = arith.constant 1 : i32
    %dma_wait3A_91 = arith.constant 1 : i32
    %dma_wait3A_92 = arith.constant 0 : i32
    %dma_wait3A_93 = tpu.memref_slice %arg7[%dma_wait3A_89, %dma_wait3A_90, %dma_wait3A_92] : memref<2x4x128xi32, #tpu.memory_space<vmem>> -> memref<1x1x128xi32, #tpu.memory_space<vmem>>
    %dma_wait3A_94 = tpu.memref_squeeze %dma_wait3A_93 : memref<1x1x128xi32, #tpu.memory_space<vmem>> -> memref<128xi32, #tpu.memory_space<vmem>>
    %dma_wait3A_95 = arith.constant 0 : i32
    %dma_wait3A_96 = arith.constant 0 : i32
    %dma_wait3A_97 = tpu.memref_slice %arg2[%dma_wait3A_95, %dma_wait3A_96] : memref<10240x128xf32, #tpu.memory_space<hbm>> -> memref<10240x128xf32, #tpu.memory_space<hbm>>
    %dma_wait3A_98 = tpu.memref_slice %arg11[%dma_wait3A_91] : memref<2x!tpu.dma_semaphore, #tpu.memory_space<semaphore_mem>> -> memref<1x!tpu.dma_semaphore, #tpu.memory_space<semaphore_mem>>
    %dma_wait3A_99 = tpu.memref_squeeze %dma_wait3A_98 : memref<1x!tpu.dma_semaphore, #tpu.memory_space<semaphore_mem>> -> memref<!tpu.dma_semaphore, #tpu.memory_space<semaphore_mem>>
    tpu.wait_indirect_dma semaphore(%dma_wait3A_99 : memref<!tpu.dma_semaphore, #tpu.memory_space<semaphore_mem>>) src(%dma_wait3A_97 : memref<10240x128xf32, #tpu.memory_space<hbm>>) dst(%arg10 : memref<128x128xf32, #tpu.memory_space<vmem>>)
    %run_scoped3A_100 = arith.constant 77 : i32
    "tpu.region"() ({
      %run_scoped3A_144 = tpu.sem_alloc : memref<!tpu.dma_semaphore, #tpu.memory_space<semaphore_mem>>
      %dma_start3A_145 = arith.constant 0 : i32
      %dma_start3A_146 = tpu.memref_slice %arg8[%run_scoped3A_100, %dma_start3A_145] : memref<80x128xi32, #tpu.memory_space<vmem>> -> memref<1x128xi32, #tpu.memory_space<vmem>>
      %dma_start3A_147 = tpu.memref_squeeze %dma_start3A_146 : memref<1x128xi32, #tpu.memory_space<vmem>> -> memref<128xi32, #tpu.memory_space<vmem>>
      %dma_start3A_148 = arith.constant 0 : i32
      %dma_start3A_149 = arith.constant 0 : i32
      %dma_start3A_150 = tpu.memref_slice %arg6[%dma_start3A_148, %dma_start3A_149] : memref<10240x128xf32, #tpu.memory_space<vmem_shared>> -> memref<10240x128xf32, #tpu.memory_space<vmem_shared>>
      tpu.enqueue_indirect_dma source(%arg10 : memref<128x128xf32, #tpu.memory_space<vmem>>) target(%dma_start3A_150 : memref<10240x128xf32, #tpu.memory_space<vmem_shared>>) offsets(%dma_start3A_147 : memref<128xi32, #tpu.memory_space<vmem>>) semaphore(%run_scoped3A_144 : memref<!tpu.dma_semaphore, #tpu.memory_space<semaphore_mem>>) {add = true}
      %dma_wait3A_151 = arith.constant 0 : i32
      %dma_wait3A_152 = tpu.memref_slice %arg8[%run_scoped3A_100, %dma_wait3A_151] : memref<80x128xi32, #tpu.memory_space<vmem>> -> memref<1x128xi32, #tpu.memory_space<vmem>>
      %dma_wait3A_153 = tpu.memref_squeeze %dma_wait3A_152 : memref<1x128xi32, #tpu.memory_space<vmem>> -> memref<128xi32, #tpu.memory_space<vmem>>
      %dma_wait3A_154 = arith.constant 0 : i32
      %dma_wait3A_155 = arith.constant 0 : i32
      %dma_wait3A_156 = tpu.memref_slice %arg6[%dma_wait3A_154, %dma_wait3A_155] : memref<10240x128xf32, #tpu.memory_space<vmem_shared>> -> memref<10240x128xf32, #tpu.memory_space<vmem_shared>>
      tpu.wait_indirect_dma semaphore(%run_scoped3A_144 : memref<!tpu.dma_semaphore, #tpu.memory_space<semaphore_mem>>) src(%arg10 : memref<128x128xf32, #tpu.memory_space<vmem>>) dst(%dma_wait3A_156 : memref<10240x128xf32, #tpu.memory_space<vmem_shared>>)
      tpu.yield
    }) : () -> ()
    %dma_start3A_101 = arith.constant 1 : i32
    %dma_start3A_102 = arith.constant 3 : i32
    %dma_start3A_103 = arith.constant 1 : i32
    %dma_start3A_104 = arith.constant 0 : i32
    %dma_start3A_105 = tpu.memref_slice %arg7[%dma_start3A_101, %dma_start3A_102, %dma_start3A_104] : memref<2x4x128xi32, #tpu.memory_space<vmem>> -> memref<1x1x128xi32, #tpu.memory_space<vmem>>
    %dma_start3A_106 = tpu.memref_squeeze %dma_start3A_105 : memref<1x1x128xi32, #tpu.memory_space<vmem>> -> memref<128xi32, #tpu.memory_space<vmem>>
    %dma_start3A_107 = arith.constant 0 : i32
    %dma_start3A_108 = arith.constant 0 : i32
    %dma_start3A_109 = tpu.memref_slice %arg2[%dma_start3A_107, %dma_start3A_108] : memref<10240x128xf32, #tpu.memory_space<hbm>> -> memref<10240x128xf32, #tpu.memory_space<hbm>>
    %dma_start3A_110 = tpu.memref_slice %arg11[%dma_start3A_103] : memref<2x!tpu.dma_semaphore, #tpu.memory_space<semaphore_mem>> -> memref<1x!tpu.dma_semaphore, #tpu.memory_space<semaphore_mem>>
    %dma_start3A_111 = tpu.memref_squeeze %dma_start3A_110 : memref<1x!tpu.dma_semaphore, #tpu.memory_space<semaphore_mem>> -> memref<!tpu.dma_semaphore, #tpu.memory_space<semaphore_mem>>
    tpu.enqueue_indirect_dma source(%dma_start3A_109 : memref<10240x128xf32, #tpu.memory_space<hbm>>) target(%arg10 : memref<128x128xf32, #tpu.memory_space<vmem>>) offsets(%dma_start3A_106 : memref<128xi32, #tpu.memory_space<vmem>>) semaphore(%dma_start3A_111 : memref<!tpu.dma_semaphore, #tpu.memory_space<semaphore_mem>>)
    %dma_wait3A_112 = arith.constant 1 : i32
    %dma_wait3A_113 = arith.constant 2 : i32
    %dma_wait3A_114 = arith.constant 0 : i32
    %dma_wait3A_115 = arith.constant 0 : i32
    %dma_wait3A_116 = tpu.memref_slice %arg7[%dma_wait3A_112, %dma_wait3A_113, %dma_wait3A_115] : memref<2x4x128xi32, #tpu.memory_space<vmem>> -> memref<1x1x128xi32, #tpu.memory_space<vmem>>
    %dma_wait3A_117 = tpu.memref_squeeze %dma_wait3A_116 : memref<1x1x128xi32, #tpu.memory_space<vmem>> -> memref<128xi32, #tpu.memory_space<vmem>>
    %dma_wait3A_118 = arith.constant 0 : i32
    %dma_wait3A_119 = arith.constant 0 : i32
    %dma_wait3A_120 = tpu.memref_slice %arg2[%dma_wait3A_118, %dma_wait3A_119] : memref<10240x128xf32, #tpu.memory_space<hbm>> -> memref<10240x128xf32, #tpu.memory_space<hbm>>
    %dma_wait3A_121 = tpu.memref_slice %arg11[%dma_wait3A_114] : memref<2x!tpu.dma_semaphore, #tpu.memory_space<semaphore_mem>> -> memref<1x!tpu.dma_semaphore, #tpu.memory_space<semaphore_mem>>
    %dma_wait3A_122 = tpu.memref_squeeze %dma_wait3A_121 : memref<1x!tpu.dma_semaphore, #tpu.memory_space<semaphore_mem>> -> memref<!tpu.dma_semaphore, #tpu.memory_space<semaphore_mem>>
    tpu.wait_indirect_dma semaphore(%dma_wait3A_122 : memref<!tpu.dma_semaphore, #tpu.memory_space<semaphore_mem>>) src(%dma_wait3A_120 : memref<10240x128xf32, #tpu.memory_space<hbm>>) dst(%arg9 : memref<128x128xf32, #tpu.memory_space<vmem>>)
    %run_scoped3A_123 = arith.constant 78 : i32
    "tpu.region"() ({
      %run_scoped3A_144 = tpu.sem_alloc : memref<!tpu.dma_semaphore, #tpu.memory_space<semaphore_mem>>
      %dma_start3A_145 = arith.constant 0 : i32
      %dma_start3A_146 = tpu.memref_slice %arg8[%run_scoped3A_123, %dma_start3A_145] : memref<80x128xi32, #tpu.memory_space<vmem>> -> memref<1x128xi32, #tpu.memory_space<vmem>>
      %dma_start3A_147 = tpu.memref_squeeze %dma_start3A_146 : memref<1x128xi32, #tpu.memory_space<vmem>> -> memref<128xi32, #tpu.memory_space<vmem>>
      %dma_start3A_148 = arith.constant 0 : i32
      %dma_start3A_149 = arith.constant 0 : i32
      %dma_start3A_150 = tpu.memref_slice %arg6[%dma_start3A_148, %dma_start3A_149] : memref<10240x128xf32, #tpu.memory_space<vmem_shared>> -> memref<10240x128xf32, #tpu.memory_space<vmem_shared>>
      tpu.enqueue_indirect_dma source(%arg9 : memref<128x128xf32, #tpu.memory_space<vmem>>) target(%dma_start3A_150 : memref<10240x128xf32, #tpu.memory_space<vmem_shared>>) offsets(%dma_start3A_147 : memref<128xi32, #tpu.memory_space<vmem>>) semaphore(%run_scoped3A_144 : memref<!tpu.dma_semaphore, #tpu.memory_space<semaphore_mem>>) {add = true}
      %dma_wait3A_151 = arith.constant 0 : i32
      %dma_wait3A_152 = tpu.memref_slice %arg8[%run_scoped3A_123, %dma_wait3A_151] : memref<80x128xi32, #tpu.memory_space<vmem>> -> memref<1x128xi32, #tpu.memory_space<vmem>>
      %dma_wait3A_153 = tpu.memref_squeeze %dma_wait3A_152 : memref<1x128xi32, #tpu.memory_space<vmem>> -> memref<128xi32, #tpu.memory_space<vmem>>
      %dma_wait3A_154 = arith.constant 0 : i32
      %dma_wait3A_155 = arith.constant 0 : i32
      %dma_wait3A_156 = tpu.memref_slice %arg6[%dma_wait3A_154, %dma_wait3A_155] : memref<10240x128xf32, #tpu.memory_space<vmem_shared>> -> memref<10240x128xf32, #tpu.memory_space<vmem_shared>>
      tpu.wait_indirect_dma semaphore(%run_scoped3A_144 : memref<!tpu.dma_semaphore, #tpu.memory_space<semaphore_mem>>) src(%arg9 : memref<128x128xf32, #tpu.memory_space<vmem>>) dst(%dma_wait3A_156 : memref<10240x128xf32, #tpu.memory_space<vmem_shared>>)
      tpu.yield
    }) : () -> ()
    %dma_wait3A_124 = arith.constant 1 : i32
    %dma_wait3A_125 = arith.constant 3 : i32
    %dma_wait3A_126 = arith.constant 1 : i32
    %dma_wait3A_127 = arith.constant 0 : i32
    %dma_wait3A_128 = tpu.memref_slice %arg7[%dma_wait3A_124, %dma_wait3A_125, %dma_wait3A_127] : memref<2x4x128xi32, #tpu.memory_space<vmem>> -> memref<1x1x128xi32, #tpu.memory_space<vmem>>
    %dma_wait3A_129 = tpu.memref_squeeze %dma_wait3A_128 : memref<1x1x128xi32, #tpu.memory_space<vmem>> -> memref<128xi32, #tpu.memory_space<vmem>>
    %dma_wait3A_130 = arith.constant 0 : i32
    %dma_wait3A_131 = arith.constant 0 : i32
    %dma_wait3A_132 = tpu.memref_slice %arg2[%dma_wait3A_130, %dma_wait3A_131] : memref<10240x128xf32, #tpu.memory_space<hbm>> -> memref<10240x128xf32, #tpu.memory_space<hbm>>
    %dma_wait3A_133 = tpu.memref_slice %arg11[%dma_wait3A_126] : memref<2x!tpu.dma_semaphore, #tpu.memory_space<semaphore_mem>> -> memref<1x!tpu.dma_semaphore, #tpu.memory_space<semaphore_mem>>
    %dma_wait3A_134 = tpu.memref_squeeze %dma_wait3A_133 : memref<1x!tpu.dma_semaphore, #tpu.memory_space<semaphore_mem>> -> memref<!tpu.dma_semaphore, #tpu.memory_space<semaphore_mem>>
    tpu.wait_indirect_dma semaphore(%dma_wait3A_134 : memref<!tpu.dma_semaphore, #tpu.memory_space<semaphore_mem>>) src(%dma_wait3A_132 : memref<10240x128xf32, #tpu.memory_space<hbm>>) dst(%arg10 : memref<128x128xf32, #tpu.memory_space<vmem>>)
    %run_scoped3A_135 = arith.constant 79 : i32
    "tpu.region"() ({
      %run_scoped3A_144 = tpu.sem_alloc : memref<!tpu.dma_semaphore, #tpu.memory_space<semaphore_mem>>
      %dma_start3A_145 = arith.constant 0 : i32
      %dma_start3A_146 = tpu.memref_slice %arg8[%run_scoped3A_135, %dma_start3A_145] : memref<80x128xi32, #tpu.memory_space<vmem>> -> memref<1x128xi32, #tpu.memory_space<vmem>>
      %dma_start3A_147 = tpu.memref_squeeze %dma_start3A_146 : memref<1x128xi32, #tpu.memory_space<vmem>> -> memref<128xi32, #tpu.memory_space<vmem>>
      %dma_start3A_148 = arith.constant 0 : i32
      %dma_start3A_149 = arith.constant 0 : i32
      %dma_start3A_150 = tpu.memref_slice %arg6[%dma_start3A_148, %dma_start3A_149] : memref<10240x128xf32, #tpu.memory_space<vmem_shared>> -> memref<10240x128xf32, #tpu.memory_space<vmem_shared>>
      tpu.enqueue_indirect_dma source(%arg10 : memref<128x128xf32, #tpu.memory_space<vmem>>) target(%dma_start3A_150 : memref<10240x128xf32, #tpu.memory_space<vmem_shared>>) offsets(%dma_start3A_147 : memref<128xi32, #tpu.memory_space<vmem>>) semaphore(%run_scoped3A_144 : memref<!tpu.dma_semaphore, #tpu.memory_space<semaphore_mem>>) {add = true}
      %dma_wait3A_151 = arith.constant 0 : i32
      %dma_wait3A_152 = tpu.memref_slice %arg8[%run_scoped3A_135, %dma_wait3A_151] : memref<80x128xi32, #tpu.memory_space<vmem>> -> memref<1x128xi32, #tpu.memory_space<vmem>>
      %dma_wait3A_153 = tpu.memref_squeeze %dma_wait3A_152 : memref<1x128xi32, #tpu.memory_space<vmem>> -> memref<128xi32, #tpu.memory_space<vmem>>
      %dma_wait3A_154 = arith.constant 0 : i32
      %dma_wait3A_155 = arith.constant 0 : i32
      %dma_wait3A_156 = tpu.memref_slice %arg6[%dma_wait3A_154, %dma_wait3A_155] : memref<10240x128xf32, #tpu.memory_space<vmem_shared>> -> memref<10240x128xf32, #tpu.memory_space<vmem_shared>>
      tpu.wait_indirect_dma semaphore(%run_scoped3A_144 : memref<!tpu.dma_semaphore, #tpu.memory_space<semaphore_mem>>) src(%arg10 : memref<128x128xf32, #tpu.memory_space<vmem>>) dst(%dma_wait3A_156 : memref<10240x128xf32, #tpu.memory_space<vmem_shared>>)
      tpu.yield
    }) : () -> ()
    %barrier3A_136 = arith.constant 0 : index
    tpu.barrier barrier_id(%barrier3A_136)
    %scan3A_137 = arith.constant 0 : i32
    %scan3A_138 = arith.constant 0 : i32
    %scan3A_139 = arith.constant 5 : i32
    %scan3A_140 = arith.addi %scan3A_138, %scan3A_139 : i32
    %scan3A_141 = arith.constant 1 : i32
    %scan3A_142 = scf.for %scan3A_144 = %scan3A_138 to %scan3A_140 step %scan3A_141 iter_args(%scan3A_145 = %scan3A_137) -> (i32)  : i32 {
      %mul3A_146 = arith.constant 128 : i32
      %mul3A_147 = arith.muli %scan3A_144, %mul3A_146 : i32
      %add3A_148 = arith.addi %mul3A_2, %mul3A_147 : i32
      "tpu.region"() ({
        %run_scoped3A_153 = tpu.sem_alloc : memref<!tpu.dma_semaphore, #tpu.memory_space<semaphore_mem>>
        %dma_start3A_154 = arith.constant 0 : i32
        %dma_start3A_155 = tpu.memref_slice %arg6[%add3A_148, %dma_start3A_154] : memref<10240x128xf32, #tpu.memory_space<vmem_shared>> -> memref<128x128xf32, #tpu.memory_space<vmem_shared>>
        %dma_start3A_156 = arith.constant 0 : i32
        %dma_start3A_157 = tpu.memref_slice %arg6[%add3A_148, %dma_start3A_156] : memref<10240x128xf32, #tpu.memory_space<vmem_shared>> -> memref<128x128xf32, #tpu.memory_space<vmem_shared>>
        tpu.enqueue_dma source(%dma_start3A_157 : memref<128x128xf32, #tpu.memory_space<vmem_shared>>) target(%arg9 : memref<128x128xf32, #tpu.memory_space<vmem>>) target_semaphore(%run_scoped3A_153 : memref<!tpu.dma_semaphore, #tpu.memory_space<semaphore_mem>>)
        %dma_wait3A_158 = arith.constant 0 : i32
        %dma_wait3A_159 = tpu.memref_slice %arg6[%add3A_148, %dma_wait3A_158] : memref<10240x128xf32, #tpu.memory_space<vmem_shared>> -> memref<128x128xf32, #tpu.memory_space<vmem_shared>>
        %dma_wait3A_160 = arith.constant 0 : i32
        %dma_wait3A_161 = tpu.memref_slice %arg6[%add3A_148, %dma_wait3A_160] : memref<10240x128xf32, #tpu.memory_space<vmem_shared>> -> memref<128x128xf32, #tpu.memory_space<vmem_shared>>
        tpu.wait_dma2 semaphore(%run_scoped3A_153 : memref<!tpu.dma_semaphore, #tpu.memory_space<semaphore_mem>>) src(%dma_wait3A_161 : memref<128x128xf32, #tpu.memory_space<vmem_shared>>) dst(%arg9 : memref<128x128xf32, #tpu.memory_space<vmem>>)
        tpu.yield
      }) : () -> ()
      %mul3A_149 = arith.constant 128 : i32
      %mul3A_150 = arith.muli %scan3A_144, %mul3A_149 : i32
      %add3A_151 = arith.addi %mul3A_2, %mul3A_150 : i32
      "tpu.region"() ({
        %run_scoped3A_153 = tpu.sem_alloc : memref<!tpu.dma_semaphore, #tpu.memory_space<semaphore_mem>>
        %dma_start3A_154 = arith.constant 0 : i32
        %dma_start3A_155 = tpu.memref_slice %arg5[%arg0, %add3A_151, %dma_start3A_154] : memref<2x10240x128xf32, #tpu.memory_space<hbm>> -> memref<1x128x128xf32, #tpu.memory_space<hbm>>
        %dma_start3A_156 = tpu.memref_squeeze %dma_start3A_155 : memref<1x128x128xf32, #tpu.memory_space<hbm>> -> memref<128x128xf32, #tpu.memory_space<hbm>>
        %dma_start3A_157 = arith.constant 0 : i32
        %dma_start3A_158 = tpu.memref_slice %arg5[%arg0, %add3A_151, %dma_start3A_157] : memref<2x10240x128xf32, #tpu.memory_space<hbm>> -> memref<1x128x128xf32, #tpu.memory_space<hbm>>
        %dma_start3A_159 = tpu.memref_squeeze %dma_start3A_158 : memref<1x128x128xf32, #tpu.memory_space<hbm>> -> memref<128x128xf32, #tpu.memory_space<hbm>>
        tpu.enqueue_dma source(%arg9 : memref<128x128xf32, #tpu.memory_space<vmem>>) target(%dma_start3A_159 : memref<128x128xf32, #tpu.memory_space<hbm>>) target_semaphore(%run_scoped3A_153 : memref<!tpu.dma_semaphore, #tpu.memory_space<semaphore_mem>>)
        %dma_wait3A_160 = arith.constant 0 : i32
        %dma_wait3A_161 = tpu.memref_slice %arg5[%arg0, %add3A_151, %dma_wait3A_160] : memref<2x10240x128xf32, #tpu.memory_space<hbm>> -> memref<1x128x128xf32, #tpu.memory_space<hbm>>
        %dma_wait3A_162 = tpu.memref_squeeze %dma_wait3A_161 : memref<1x128x128xf32, #tpu.memory_space<hbm>> -> memref<128x128xf32, #tpu.memory_space<hbm>>
        %dma_wait3A_163 = arith.constant 0 : i32
        %dma_wait3A_164 = tpu.memref_slice %arg5[%arg0, %add3A_151, %dma_wait3A_163] : memref<2x10240x128xf32, #tpu.memory_space<hbm>> -> memref<1x128x128xf32, #tpu.memory_space<hbm>>
        %dma_wait3A_165 = tpu.memref_squeeze %dma_wait3A_164 : memref<1x128x128xf32, #tpu.memory_space<hbm>> -> memref<128x128xf32, #tpu.memory_space<hbm>>
        tpu.wait_dma2 semaphore(%run_scoped3A_153 : memref<!tpu.dma_semaphore, #tpu.memory_space<semaphore_mem>>) src(%arg9 : memref<128x128xf32, #tpu.memory_space<vmem>>) dst(%dma_wait3A_165 : memref<128x128xf32, #tpu.memory_space<hbm>>)
        tpu.yield
      }) : () -> ()
      %scan3A_152 = arith.constant 0 : i32
      scf.yield %scan3A_152 : i32
    }
    %scan3A_143 = arith.constant 5 : i32
    return
  }
}

#map = affine_map<(d0, d1) -> (0, 0, 0)>
module attributes {stable_mosaic.version = 14 : i64} {
  func.func @k(%arg0: i32, %arg1: i32, %arg2: memref<32x80x128xi32, #tpu.memory_space<hbm>>, %arg3: memref<32x80x128xi32, #tpu.memory_space<hbm>>, %arg4: memref<2x2x10240xf32, #tpu.memory_space<hbm>>, %arg5: memref<10240xf32, #tpu.memory_space<vmem_shared>>, %arg6: memref<10240xf32, #tpu.memory_space<vmem_shared>>, %arg7: memref<80x128xi32, #tpu.memory_space<vmem>>, %arg8: memref<80x128xi32, #tpu.memory_space<vmem>>, %arg9: memref<128xf32, #tpu.memory_space<vmem>>, %arg10: memref<640xf32, #tpu.memory_space<vmem>>, %arg11: memref<!tpu.dma_semaphore, #tpu.memory_space<semaphore_mem>>) attributes {dimension_semantics = [#tpu.dimension_semantics<core_parallel>, #tpu.dimension_semantics<subcore_parallel>], iteration_bounds = array<i64: 2, 16>, scalar_prefetch = 0 : i64, scratch_operands = 7 : i64, tpu.core_type = #tpu.core_type<sc_vector_subcore>, window_params = [{transform_indices = #map}, {transform_indices = #map}, {transform_indices = #map}]} {
    %mul3A = arith.constant 2 : i32
    %mul3A_0 = arith.muli %arg1, %mul3A : i32
    %add3A = arith.addi %mul3A_0, %arg0 : i32
    %mul3A_1 = arith.constant 640 : i32
    %mul3A_2 = arith.muli %arg1, %mul3A_1 : i32
    %scan3A = arith.constant 0 : i32
    %scan3A_3 = arith.constant 0 : i32
    %scan3A_4 = arith.constant 8 : i32
    %scan3A_5 = arith.addi %scan3A_3, %scan3A_4 : i32
    %scan3A_6 = arith.constant 1 : i32
    %scan3A_7 = scf.for %scan3A_32 = %scan3A_3 to %scan3A_5 step %scan3A_6 iter_args(%scan3A_33 = %scan3A) -> (i32)  : i32 {
      %broadcast_in_dim3A = arith.constant 1.000000e+00 : f32
      %broadcast_in_dim3A_34 = vector.broadcast %broadcast_in_dim3A : f32 to vector<16xf32>
      %mul3A_35 = arith.constant 16 : i32
      %mul3A_36 = arith.muli %scan3A_32, %mul3A_35 : i32
      %swap3A = arith.index_cast %mul3A_36 : i32 to index
      %swap3A_37 = tpu.vector_load %arg9[%swap3A] {strides = array<i32>} : memref<128xf32, #tpu.memory_space<vmem>>, vector<16xf32>,
      %swap3A_38 = vector.shape_cast %swap3A_37 : vector<16xf32> to vector<16xf32>
      %swap3A_39 = vector.shape_cast %broadcast_in_dim3A_34 : vector<16xf32> to vector<16xf32>
      tpu.vector_store %arg9[%swap3A], %swap3A_39 {strides = array<i32>} : memref<128xf32, #tpu.memory_space<vmem>>, vector<16xf32>,
      %scan3A_40 = arith.constant 0 : i32
      scf.yield %scan3A_40 : i32
    }
    %scan3A_8 = arith.constant 8 : i32
    %scan3A_9 = arith.constant 0 : i32
    %scan3A_10 = arith.constant 0 : i32
    %scan3A_11 = arith.constant 40 : i32
    %scan3A_12 = arith.addi %scan3A_10, %scan3A_11 : i32
    %scan3A_13 = arith.constant 1 : i32
    %scan3A_14 = scf.for %scan3A_32 = %scan3A_10 to %scan3A_12 step %scan3A_13 iter_args(%scan3A_33 = %scan3A_9) -> (i32)  : i32 {
      %broadcast_in_dim3A = arith.constant 0.000000e+00 : f32
      %broadcast_in_dim3A_34 = vector.broadcast %broadcast_in_dim3A : f32 to vector<16xf32>
      %mul3A_35 = arith.constant 16 : i32
      %mul3A_36 = arith.muli %scan3A_32, %mul3A_35 : i32
      %swap3A = arith.index_cast %mul3A_36 : i32 to index
      %swap3A_37 = tpu.vector_load %arg10[%swap3A] {strides = array<i32>} : memref<640xf32, #tpu.memory_space<vmem>>, vector<16xf32>,
      %swap3A_38 = vector.shape_cast %swap3A_37 : vector<16xf32> to vector<16xf32>
      %swap3A_39 = vector.shape_cast %broadcast_in_dim3A_34 : vector<16xf32> to vector<16xf32>
      tpu.vector_store %arg10[%swap3A], %swap3A_39 {strides = array<i32>} : memref<640xf32, #tpu.memory_space<vmem>>, vector<16xf32>,
      %scan3A_40 = arith.constant 0 : i32
      scf.yield %scan3A_40 : i32
    }
    %scan3A_15 = arith.constant 40 : i32
    "tpu.region"() ({
      %run_scoped3A_32 = tpu.sem_alloc : memref<!tpu.dma_semaphore, #tpu.memory_space<semaphore_mem>>
      %dma_start3A = tpu.memref_slice %arg5[%mul3A_2] : memref<10240xf32, #tpu.memory_space<vmem_shared>> -> memref<640xf32, #tpu.memory_space<vmem_shared>>
      %dma_start3A_33 = tpu.memref_slice %arg5[%mul3A_2] : memref<10240xf32, #tpu.memory_space<vmem_shared>> -> memref<640xf32, #tpu.memory_space<vmem_shared>>
      tpu.enqueue_dma source(%arg10 : memref<640xf32, #tpu.memory_space<vmem>>) target(%dma_start3A_33 : memref<640xf32, #tpu.memory_space<vmem_shared>>) target_semaphore(%run_scoped3A_32 : memref<!tpu.dma_semaphore, #tpu.memory_space<semaphore_mem>>)
      %dma_wait3A = tpu.memref_slice %arg5[%mul3A_2] : memref<10240xf32, #tpu.memory_space<vmem_shared>> -> memref<640xf32, #tpu.memory_space<vmem_shared>>
      %dma_wait3A_34 = tpu.memref_slice %arg5[%mul3A_2] : memref<10240xf32, #tpu.memory_space<vmem_shared>> -> memref<640xf32, #tpu.memory_space<vmem_shared>>
      tpu.wait_dma2 semaphore(%run_scoped3A_32 : memref<!tpu.dma_semaphore, #tpu.memory_space<semaphore_mem>>) src(%arg10 : memref<640xf32, #tpu.memory_space<vmem>>) dst(%dma_wait3A_34 : memref<640xf32, #tpu.memory_space<vmem_shared>>)
      tpu.yield
    }) : () -> ()
    "tpu.region"() ({
      %run_scoped3A_32 = tpu.sem_alloc : memref<!tpu.dma_semaphore, #tpu.memory_space<semaphore_mem>>
      %dma_start3A = tpu.memref_slice %arg6[%mul3A_2] : memref<10240xf32, #tpu.memory_space<vmem_shared>> -> memref<640xf32, #tpu.memory_space<vmem_shared>>
      %dma_start3A_33 = tpu.memref_slice %arg6[%mul3A_2] : memref<10240xf32, #tpu.memory_space<vmem_shared>> -> memref<640xf32, #tpu.memory_space<vmem_shared>>
      tpu.enqueue_dma source(%arg10 : memref<640xf32, #tpu.memory_space<vmem>>) target(%dma_start3A_33 : memref<640xf32, #tpu.memory_space<vmem_shared>>) target_semaphore(%run_scoped3A_32 : memref<!tpu.dma_semaphore, #tpu.memory_space<semaphore_mem>>)
      %dma_wait3A = tpu.memref_slice %arg6[%mul3A_2] : memref<10240xf32, #tpu.memory_space<vmem_shared>> -> memref<640xf32, #tpu.memory_space<vmem_shared>>
      %dma_wait3A_34 = tpu.memref_slice %arg6[%mul3A_2] : memref<10240xf32, #tpu.memory_space<vmem_shared>> -> memref<640xf32, #tpu.memory_space<vmem_shared>>
      tpu.wait_dma2 semaphore(%run_scoped3A_32 : memref<!tpu.dma_semaphore, #tpu.memory_space<semaphore_mem>>) src(%arg10 : memref<640xf32, #tpu.memory_space<vmem>>) dst(%dma_wait3A_34 : memref<640xf32, #tpu.memory_space<vmem_shared>>)
      tpu.yield
    }) : () -> ()
    "tpu.region"() ({
      %run_scoped3A_32 = tpu.sem_alloc : memref<!tpu.dma_semaphore, #tpu.memory_space<semaphore_mem>>
      %dma_start3A = arith.constant 0 : i32
      %dma_start3A_33 = arith.constant 0 : i32
      %dma_start3A_34 = tpu.memref_slice %arg2[%add3A, %dma_start3A, %dma_start3A_33] : memref<32x80x128xi32, #tpu.memory_space<hbm>> -> memref<1x80x128xi32, #tpu.memory_space<hbm>>
      %dma_start3A_35 = tpu.memref_squeeze %dma_start3A_34 : memref<1x80x128xi32, #tpu.memory_space<hbm>> -> memref<80x128xi32, #tpu.memory_space<hbm>>
      %dma_start3A_36 = arith.constant 0 : i32
      %dma_start3A_37 = arith.constant 0 : i32
      %dma_start3A_38 = tpu.memref_slice %arg2[%add3A, %dma_start3A_36, %dma_start3A_37] : memref<32x80x128xi32, #tpu.memory_space<hbm>> -> memref<1x80x128xi32, #tpu.memory_space<hbm>>
      %dma_start3A_39 = tpu.memref_squeeze %dma_start3A_38 : memref<1x80x128xi32, #tpu.memory_space<hbm>> -> memref<80x128xi32, #tpu.memory_space<hbm>>
      tpu.enqueue_dma source(%dma_start3A_39 : memref<80x128xi32, #tpu.memory_space<hbm>>) target(%arg7 : memref<80x128xi32, #tpu.memory_space<vmem>>) target_semaphore(%run_scoped3A_32 : memref<!tpu.dma_semaphore, #tpu.memory_space<semaphore_mem>>)
      %dma_wait3A = arith.constant 0 : i32
      %dma_wait3A_40 = arith.constant 0 : i32
      %dma_wait3A_41 = tpu.memref_slice %arg2[%add3A, %dma_wait3A, %dma_wait3A_40] : memref<32x80x128xi32, #tpu.memory_space<hbm>> -> memref<1x80x128xi32, #tpu.memory_space<hbm>>
      %dma_wait3A_42 = tpu.memref_squeeze %dma_wait3A_41 : memref<1x80x128xi32, #tpu.memory_space<hbm>> -> memref<80x128xi32, #tpu.memory_space<hbm>>
      %dma_wait3A_43 = arith.constant 0 : i32
      %dma_wait3A_44 = arith.constant 0 : i32
      %dma_wait3A_45 = tpu.memref_slice %arg2[%add3A, %dma_wait3A_43, %dma_wait3A_44] : memref<32x80x128xi32, #tpu.memory_space<hbm>> -> memref<1x80x128xi32, #tpu.memory_space<hbm>>
      %dma_wait3A_46 = tpu.memref_squeeze %dma_wait3A_45 : memref<1x80x128xi32, #tpu.memory_space<hbm>> -> memref<80x128xi32, #tpu.memory_space<hbm>>
      tpu.wait_dma2 semaphore(%run_scoped3A_32 : memref<!tpu.dma_semaphore, #tpu.memory_space<semaphore_mem>>) src(%dma_wait3A_46 : memref<80x128xi32, #tpu.memory_space<hbm>>) dst(%arg7 : memref<80x128xi32, #tpu.memory_space<vmem>>)
      tpu.yield
    }) : () -> ()
    "tpu.region"() ({
      %run_scoped3A_32 = tpu.sem_alloc : memref<!tpu.dma_semaphore, #tpu.memory_space<semaphore_mem>>
      %dma_start3A = arith.constant 0 : i32
      %dma_start3A_33 = arith.constant 0 : i32
      %dma_start3A_34 = tpu.memref_slice %arg3[%add3A, %dma_start3A, %dma_start3A_33] : memref<32x80x128xi32, #tpu.memory_space<hbm>> -> memref<1x80x128xi32, #tpu.memory_space<hbm>>
      %dma_start3A_35 = tpu.memref_squeeze %dma_start3A_34 : memref<1x80x128xi32, #tpu.memory_space<hbm>> -> memref<80x128xi32, #tpu.memory_space<hbm>>
      %dma_start3A_36 = arith.constant 0 : i32
      %dma_start3A_37 = arith.constant 0 : i32
      %dma_start3A_38 = tpu.memref_slice %arg3[%add3A, %dma_start3A_36, %dma_start3A_37] : memref<32x80x128xi32, #tpu.memory_space<hbm>> -> memref<1x80x128xi32, #tpu.memory_space<hbm>>
      %dma_start3A_39 = tpu.memref_squeeze %dma_start3A_38 : memref<1x80x128xi32, #tpu.memory_space<hbm>> -> memref<80x128xi32, #tpu.memory_space<hbm>>
      tpu.enqueue_dma source(%dma_start3A_39 : memref<80x128xi32, #tpu.memory_space<hbm>>) target(%arg8 : memref<80x128xi32, #tpu.memory_space<vmem>>) target_semaphore(%run_scoped3A_32 : memref<!tpu.dma_semaphore, #tpu.memory_space<semaphore_mem>>)
      %dma_wait3A = arith.constant 0 : i32
      %dma_wait3A_40 = arith.constant 0 : i32
      %dma_wait3A_41 = tpu.memref_slice %arg3[%add3A, %dma_wait3A, %dma_wait3A_40] : memref<32x80x128xi32, #tpu.memory_space<hbm>> -> memref<1x80x128xi32, #tpu.memory_space<hbm>>
      %dma_wait3A_42 = tpu.memref_squeeze %dma_wait3A_41 : memref<1x80x128xi32, #tpu.memory_space<hbm>> -> memref<80x128xi32, #tpu.memory_space<hbm>>
      %dma_wait3A_43 = arith.constant 0 : i32
      %dma_wait3A_44 = arith.constant 0 : i32
      %dma_wait3A_45 = tpu.memref_slice %arg3[%add3A, %dma_wait3A_43, %dma_wait3A_44] : memref<32x80x128xi32, #tpu.memory_space<hbm>> -> memref<1x80x128xi32, #tpu.memory_space<hbm>>
      %dma_wait3A_46 = tpu.memref_squeeze %dma_wait3A_45 : memref<1x80x128xi32, #tpu.memory_space<hbm>> -> memref<80x128xi32, #tpu.memory_space<hbm>>
      tpu.wait_dma2 semaphore(%run_scoped3A_32 : memref<!tpu.dma_semaphore, #tpu.memory_space<semaphore_mem>>) src(%dma_wait3A_46 : memref<80x128xi32, #tpu.memory_space<hbm>>) dst(%arg8 : memref<80x128xi32, #tpu.memory_space<vmem>>)
      tpu.yield
    }) : () -> ()
    %barrier3A = arith.constant 0 : index
    tpu.barrier barrier_id(%barrier3A)
    %scan3A_16 = arith.constant 0 : i32
    %scan3A_17 = arith.constant 0 : i32
    %scan3A_18 = arith.constant 80 : i32
    %scan3A_19 = arith.addi %scan3A_17, %scan3A_18 : i32
    %scan3A_20 = arith.constant 1 : i32
    %scan3A_21 = scf.for %scan3A_32 = %scan3A_17 to %scan3A_19 step %scan3A_20 iter_args(%scan3A_33 = %scan3A_16) -> (i32)  : i32 {
      %dma_start3A = arith.constant 0 : i32
      %dma_start3A_34 = tpu.memref_slice %arg7[%scan3A_32, %dma_start3A] : memref<80x128xi32, #tpu.memory_space<vmem>> -> memref<1x128xi32, #tpu.memory_space<vmem>>
      %dma_start3A_35 = tpu.memref_squeeze %dma_start3A_34 : memref<1x128xi32, #tpu.memory_space<vmem>> -> memref<128xi32, #tpu.memory_space<vmem>>
      %dma_start3A_36 = arith.constant 0 : i32
      %dma_start3A_37 = tpu.memref_slice %arg5[%dma_start3A_36] : memref<10240xf32, #tpu.memory_space<vmem_shared>> -> memref<10240xf32, #tpu.memory_space<vmem_shared>>
      tpu.enqueue_indirect_dma source(%arg9 : memref<128xf32, #tpu.memory_space<vmem>>) target(%dma_start3A_37 : memref<10240xf32, #tpu.memory_space<vmem_shared>>) offsets(%dma_start3A_35 : memref<128xi32, #tpu.memory_space<vmem>>) semaphore(%arg11 : memref<!tpu.dma_semaphore, #tpu.memory_space<semaphore_mem>>) {add = true}
      %dma_start3A_38 = arith.constant 0 : i32
      %dma_start3A_39 = tpu.memref_slice %arg8[%scan3A_32, %dma_start3A_38] : memref<80x128xi32, #tpu.memory_space<vmem>> -> memref<1x128xi32, #tpu.memory_space<vmem>>
      %dma_start3A_40 = tpu.memref_squeeze %dma_start3A_39 : memref<1x128xi32, #tpu.memory_space<vmem>> -> memref<128xi32, #tpu.memory_space<vmem>>
      %dma_start3A_41 = arith.constant 0 : i32
      %dma_start3A_42 = tpu.memref_slice %arg6[%dma_start3A_41] : memref<10240xf32, #tpu.memory_space<vmem_shared>> -> memref<10240xf32, #tpu.memory_space<vmem_shared>>
      tpu.enqueue_indirect_dma source(%arg9 : memref<128xf32, #tpu.memory_space<vmem>>) target(%dma_start3A_42 : memref<10240xf32, #tpu.memory_space<vmem_shared>>) offsets(%dma_start3A_40 : memref<128xi32, #tpu.memory_space<vmem>>) semaphore(%arg11 : memref<!tpu.dma_semaphore, #tpu.memory_space<semaphore_mem>>) {add = true}
      %scan3A_43 = arith.constant 0 : i32
      scf.yield %scan3A_43 : i32
    }
    %scan3A_22 = arith.constant 80 : i32
    %scan3A_23 = arith.constant 0 : i32
    %scan3A_24 = arith.constant 0 : i32
    %scan3A_25 = arith.constant 80 : i32
    %scan3A_26 = arith.addi %scan3A_24, %scan3A_25 : i32
    %scan3A_27 = arith.constant 1 : i32
    %scan3A_28 = scf.for %scan3A_32 = %scan3A_24 to %scan3A_26 step %scan3A_27 iter_args(%scan3A_33 = %scan3A_23) -> (i32)  : i32 {
      %dma_wait3A = arith.constant 0 : i32
      %dma_wait3A_34 = tpu.memref_slice %arg7[%scan3A_32, %dma_wait3A] : memref<80x128xi32, #tpu.memory_space<vmem>> -> memref<1x128xi32, #tpu.memory_space<vmem>>
      %dma_wait3A_35 = tpu.memref_squeeze %dma_wait3A_34 : memref<1x128xi32, #tpu.memory_space<vmem>> -> memref<128xi32, #tpu.memory_space<vmem>>
      %dma_wait3A_36 = arith.constant 0 : i32
      %dma_wait3A_37 = tpu.memref_slice %arg5[%dma_wait3A_36] : memref<10240xf32, #tpu.memory_space<vmem_shared>> -> memref<10240xf32, #tpu.memory_space<vmem_shared>>
      tpu.wait_indirect_dma semaphore(%arg11 : memref<!tpu.dma_semaphore, #tpu.memory_space<semaphore_mem>>) src(%arg9 : memref<128xf32, #tpu.memory_space<vmem>>) dst(%dma_wait3A_37 : memref<10240xf32, #tpu.memory_space<vmem_shared>>)
      %dma_wait3A_38 = arith.constant 0 : i32
      %dma_wait3A_39 = tpu.memref_slice %arg8[%scan3A_32, %dma_wait3A_38] : memref<80x128xi32, #tpu.memory_space<vmem>> -> memref<1x128xi32, #tpu.memory_space<vmem>>
      %dma_wait3A_40 = tpu.memref_squeeze %dma_wait3A_39 : memref<1x128xi32, #tpu.memory_space<vmem>> -> memref<128xi32, #tpu.memory_space<vmem>>
      %dma_wait3A_41 = arith.constant 0 : i32
      %dma_wait3A_42 = tpu.memref_slice %arg6[%dma_wait3A_41] : memref<10240xf32, #tpu.memory_space<vmem_shared>> -> memref<10240xf32, #tpu.memory_space<vmem_shared>>
      tpu.wait_indirect_dma semaphore(%arg11 : memref<!tpu.dma_semaphore, #tpu.memory_space<semaphore_mem>>) src(%arg9 : memref<128xf32, #tpu.memory_space<vmem>>) dst(%dma_wait3A_42 : memref<10240xf32, #tpu.memory_space<vmem_shared>>)
      %scan3A_43 = arith.constant 0 : i32
      scf.yield %scan3A_43 : i32
    }
    %scan3A_29 = arith.constant 80 : i32
    %barrier3A_30 = arith.constant 0 : index
    tpu.barrier barrier_id(%barrier3A_30)
    "tpu.region"() ({
      %run_scoped3A_32 = tpu.sem_alloc : memref<!tpu.dma_semaphore, #tpu.memory_space<semaphore_mem>>
      %dma_start3A = tpu.memref_slice %arg5[%mul3A_2] : memref<10240xf32, #tpu.memory_space<vmem_shared>> -> memref<640xf32, #tpu.memory_space<vmem_shared>>
      %dma_start3A_33 = tpu.memref_slice %arg5[%mul3A_2] : memref<10240xf32, #tpu.memory_space<vmem_shared>> -> memref<640xf32, #tpu.memory_space<vmem_shared>>
      tpu.enqueue_dma source(%dma_start3A_33 : memref<640xf32, #tpu.memory_space<vmem_shared>>) target(%arg10 : memref<640xf32, #tpu.memory_space<vmem>>) target_semaphore(%run_scoped3A_32 : memref<!tpu.dma_semaphore, #tpu.memory_space<semaphore_mem>>)
      %dma_wait3A = tpu.memref_slice %arg5[%mul3A_2] : memref<10240xf32, #tpu.memory_space<vmem_shared>> -> memref<640xf32, #tpu.memory_space<vmem_shared>>
      %dma_wait3A_34 = tpu.memref_slice %arg5[%mul3A_2] : memref<10240xf32, #tpu.memory_space<vmem_shared>> -> memref<640xf32, #tpu.memory_space<vmem_shared>>
      tpu.wait_dma2 semaphore(%run_scoped3A_32 : memref<!tpu.dma_semaphore, #tpu.memory_space<semaphore_mem>>) src(%dma_wait3A_34 : memref<640xf32, #tpu.memory_space<vmem_shared>>) dst(%arg10 : memref<640xf32, #tpu.memory_space<vmem>>)
      tpu.yield
    }) : () -> ()
    %run_scoped3A = arith.constant 0 : i32
    "tpu.region"() ({
      %run_scoped3A_32 = tpu.sem_alloc : memref<!tpu.dma_semaphore, #tpu.memory_space<semaphore_mem>>
      %dma_start3A = tpu.memref_slice %arg4[%arg0, %run_scoped3A, %mul3A_2] : memref<2x2x10240xf32, #tpu.memory_space<hbm>> -> memref<1x1x640xf32, #tpu.memory_space<hbm>>
      %dma_start3A_33 = tpu.memref_squeeze %dma_start3A : memref<1x1x640xf32, #tpu.memory_space<hbm>> -> memref<640xf32, #tpu.memory_space<hbm>>
      %dma_start3A_34 = tpu.memref_slice %arg4[%arg0, %run_scoped3A, %mul3A_2] : memref<2x2x10240xf32, #tpu.memory_space<hbm>> -> memref<1x1x640xf32, #tpu.memory_space<hbm>>
      %dma_start3A_35 = tpu.memref_squeeze %dma_start3A_34 : memref<1x1x640xf32, #tpu.memory_space<hbm>> -> memref<640xf32, #tpu.memory_space<hbm>>
      tpu.enqueue_dma source(%arg10 : memref<640xf32, #tpu.memory_space<vmem>>) target(%dma_start3A_35 : memref<640xf32, #tpu.memory_space<hbm>>) target_semaphore(%run_scoped3A_32 : memref<!tpu.dma_semaphore, #tpu.memory_space<semaphore_mem>>)
      %dma_wait3A = tpu.memref_slice %arg4[%arg0, %run_scoped3A, %mul3A_2] : memref<2x2x10240xf32, #tpu.memory_space<hbm>> -> memref<1x1x640xf32, #tpu.memory_space<hbm>>
      %dma_wait3A_36 = tpu.memref_squeeze %dma_wait3A : memref<1x1x640xf32, #tpu.memory_space<hbm>> -> memref<640xf32, #tpu.memory_space<hbm>>
      %dma_wait3A_37 = tpu.memref_slice %arg4[%arg0, %run_scoped3A, %mul3A_2] : memref<2x2x10240xf32, #tpu.memory_space<hbm>> -> memref<1x1x640xf32, #tpu.memory_space<hbm>>
      %dma_wait3A_38 = tpu.memref_squeeze %dma_wait3A_37 : memref<1x1x640xf32, #tpu.memory_space<hbm>> -> memref<640xf32, #tpu.memory_space<hbm>>
      tpu.wait_dma2 semaphore(%run_scoped3A_32 : memref<!tpu.dma_semaphore, #tpu.memory_space<semaphore_mem>>) src(%arg10 : memref<640xf32, #tpu.memory_space<vmem>>) dst(%dma_wait3A_38 : memref<640xf32, #tpu.memory_space<hbm>>)
      tpu.yield
    }) : () -> ()
    "tpu.region"() ({
      %run_scoped3A_32 = tpu.sem_alloc : memref<!tpu.dma_semaphore, #tpu.memory_space<semaphore_mem>>
      %dma_start3A = tpu.memref_slice %arg6[%mul3A_2] : memref<10240xf32, #tpu.memory_space<vmem_shared>> -> memref<640xf32, #tpu.memory_space<vmem_shared>>
      %dma_start3A_33 = tpu.memref_slice %arg6[%mul3A_2] : memref<10240xf32, #tpu.memory_space<vmem_shared>> -> memref<640xf32, #tpu.memory_space<vmem_shared>>
      tpu.enqueue_dma source(%dma_start3A_33 : memref<640xf32, #tpu.memory_space<vmem_shared>>) target(%arg10 : memref<640xf32, #tpu.memory_space<vmem>>) target_semaphore(%run_scoped3A_32 : memref<!tpu.dma_semaphore, #tpu.memory_space<semaphore_mem>>)
      %dma_wait3A = tpu.memref_slice %arg6[%mul3A_2] : memref<10240xf32, #tpu.memory_space<vmem_shared>> -> memref<640xf32, #tpu.memory_space<vmem_shared>>
      %dma_wait3A_34 = tpu.memref_slice %arg6[%mul3A_2] : memref<10240xf32, #tpu.memory_space<vmem_shared>> -> memref<640xf32, #tpu.memory_space<vmem_shared>>
      tpu.wait_dma2 semaphore(%run_scoped3A_32 : memref<!tpu.dma_semaphore, #tpu.memory_space<semaphore_mem>>) src(%dma_wait3A_34 : memref<640xf32, #tpu.memory_space<vmem_shared>>) dst(%arg10 : memref<640xf32, #tpu.memory_space<vmem>>)
      tpu.yield
    }) : () -> ()
    %run_scoped3A_31 = arith.constant 1 : i32
    "tpu.region"() ({
      %run_scoped3A_32 = tpu.sem_alloc : memref<!tpu.dma_semaphore, #tpu.memory_space<semaphore_mem>>
      %dma_start3A = tpu.memref_slice %arg4[%arg0, %run_scoped3A_31, %mul3A_2] : memref<2x2x10240xf32, #tpu.memory_space<hbm>> -> memref<1x1x640xf32, #tpu.memory_space<hbm>>
      %dma_start3A_33 = tpu.memref_squeeze %dma_start3A : memref<1x1x640xf32, #tpu.memory_space<hbm>> -> memref<640xf32, #tpu.memory_space<hbm>>
      %dma_start3A_34 = tpu.memref_slice %arg4[%arg0, %run_scoped3A_31, %mul3A_2] : memref<2x2x10240xf32, #tpu.memory_space<hbm>> -> memref<1x1x640xf32, #tpu.memory_space<hbm>>
      %dma_start3A_35 = tpu.memref_squeeze %dma_start3A_34 : memref<1x1x640xf32, #tpu.memory_space<hbm>> -> memref<640xf32, #tpu.memory_space<hbm>>
      tpu.enqueue_dma source(%arg10 : memref<640xf32, #tpu.memory_space<vmem>>) target(%dma_start3A_35 : memref<640xf32, #tpu.memory_space<hbm>>) target_semaphore(%run_scoped3A_32 : memref<!tpu.dma_semaphore, #tpu.memory_space<semaphore_mem>>)
      %dma_wait3A = tpu.memref_slice %arg4[%arg0, %run_scoped3A_31, %mul3A_2] : memref<2x2x10240xf32, #tpu.memory_space<hbm>> -> memref<1x1x640xf32, #tpu.memory_space<hbm>>
      %dma_wait3A_36 = tpu.memref_squeeze %dma_wait3A : memref<1x1x640xf32, #tpu.memory_space<hbm>> -> memref<640xf32, #tpu.memory_space<hbm>>
      %dma_wait3A_37 = tpu.memref_slice %arg4[%arg0, %run_scoped3A_31, %mul3A_2] : memref<2x2x10240xf32, #tpu.memory_space<hbm>> -> memref<1x1x640xf32, #tpu.memory_space<hbm>>
      %dma_wait3A_38 = tpu.memref_squeeze %dma_wait3A_37 : memref<1x1x640xf32, #tpu.memory_space<hbm>> -> memref<640xf32, #tpu.memory_space<hbm>>
      tpu.wait_dma2 semaphore(%run_scoped3A_32 : memref<!tpu.dma_semaphore, #tpu.memory_space<semaphore_mem>>) src(%arg10 : memref<640xf32, #tpu.memory_space<vmem>>) dst(%dma_wait3A_38 : memref<640xf32, #tpu.memory_space<hbm>>)
      tpu.yield
    }) : () -> ()
    return
  }
}

#map = affine_map<(d0, d1) -> (0, 0)>
#map1 = affine_map<(d0, d1) -> (0, 0, 0)>
module attributes {stable_mosaic.version = 14 : i64} {
  func.func @k(%arg0: i32, %arg1: i32, %arg2: memref<10240x128xf32, #tpu.memory_space<hbm>>, %arg3: memref<32x80x128xi32, #tpu.memory_space<hbm>>, %arg4: memref<32x80x128xi32, #tpu.memory_space<hbm>>, %arg5: memref<2x10240x128xf32, #tpu.memory_space<hbm>>, %arg6: memref<10240x128xf32, #tpu.memory_space<vmem_shared>>, %arg7: memref<2x4x128xi32, #tpu.memory_space<vmem>>, %arg8: memref<80x128xi32, #tpu.memory_space<vmem>>, %arg9: memref<128x128xf32, #tpu.memory_space<vmem>>, %arg10: memref<128x128xf32, #tpu.memory_space<vmem>>, %arg11: memref<2x!tpu.dma_semaphore, #tpu.memory_space<semaphore_mem>>, %arg12: memref<2x!tpu.dma_semaphore, #tpu.memory_space<semaphore_mem>>) attributes {dimension_semantics = [#tpu.dimension_semantics<core_parallel>, #tpu.dimension_semantics<subcore_parallel>], iteration_bounds = array<i64: 2, 16>, scalar_prefetch = 0 : i64, scratch_operands = 7 : i64, tpu.core_type = #tpu.core_type<sc_vector_subcore>, window_params = [{transform_indices = #map}, {transform_indices = #map1}, {transform_indices = #map1}, {transform_indices = #map1}]} {
    %mul3A = arith.constant 2 : i32
    %mul3A_0 = arith.muli %arg1, %mul3A : i32
    %add3A = arith.addi %mul3A_0, %arg0 : i32
    %mul3A_1 = arith.constant 640 : i32
    %mul3A_2 = arith.muli %arg1, %mul3A_1 : i32
    %scan3A = arith.constant 0 : i32
    %scan3A_3 = arith.constant 0 : i32
    %scan3A_4 = arith.constant 1024 : i32
    %scan3A_5 = arith.addi %scan3A_3, %scan3A_4 : i32
    %scan3A_6 = arith.constant 1 : i32
    %scan3A_7 = scf.for %scan3A_144 = %scan3A_3 to %scan3A_5 step %scan3A_6 iter_args(%scan3A_145 = %scan3A) -> (i32)  : i32 {
      %jit3A = arith.constant 8 : i32
      %div3A = arith.divsi %scan3A_144, %jit3A : i32
      %sign3A = arith.constant 0 : i32
      %sign3A_146 = arith.cmpi sgt, %scan3A_144, %sign3A : i32
      %sign3A_147 = arith.extui %sign3A_146 : i1 to i32
      %sign3A_148 = arith.constant 0 : i32
      %sign3A_149 = arith.cmpi slt, %scan3A_144, %sign3A_148 : i32
      %sign3A_150 = arith.extui %sign3A_149 : i1 to i32
      %sign3A_151 = arith.subi %sign3A_147, %sign3A_150 : i32
      %sign3A_152 = arith.constant 0 : i32
      %sign3A_153 = arith.cmpi sgt, %jit3A, %sign3A_152 : i32
      %sign3A_154 = arith.extui %sign3A_153 : i1 to i32
      %sign3A_155 = arith.constant 0 : i32
      %sign3A_156 = arith.cmpi slt, %jit3A, %sign3A_155 : i32
      %sign3A_157 = arith.extui %sign3A_156 : i1 to i32
      %sign3A_158 = arith.subi %sign3A_154, %sign3A_157 : i32
      %ne3A = arith.cmpi ne, %sign3A_151, %sign3A_158 : i32
      %rem3A = arith.remsi %scan3A_144, %jit3A : i32
      %ne3A_159 = arith.constant 0 : i32
      %ne3A_160 = arith.cmpi ne, %rem3A, %ne3A_159 : i32
      %and3A = arith.andi %ne3A, %ne3A_160 : i1
      %sub3A = arith.constant 1 : i32
      %sub3A_161 = arith.subi %div3A, %sub3A : i32
      %select_n3A = arith.select %and3A, %sub3A_161, %div3A : i32
      %jit3A_162 = arith.constant 8 : i32
      %eq3A = arith.constant 0 : i32
      %eq3A_163 = arith.cmpi eq, %jit3A_162, %eq3A : i32
      %jit3A_164 = arith.constant 1 : i32
      %select_n3A_165 = arith.select %eq3A_163, %jit3A_164, %jit3A_162 : i32
      %rem3A_166 = arith.remsi %scan3A_144, %select_n3A_165 : i32
      %ne3A_167 = arith.constant 0 : i32
      %ne3A_168 = arith.cmpi ne, %rem3A_166, %ne3A_167 : i32
      %lt3A = arith.constant 0 : i32
      %lt3A_169 = arith.cmpi slt, %rem3A_166, %lt3A : i32
      %lt3A_170 = arith.constant 0 : i32
      %lt3A_171 = arith.cmpi slt, %select_n3A_165, %lt3A_170 : i32
      %ne3A_172 = arith.xori %lt3A_169, %lt3A_171 : i1
      %and3A_173 = arith.andi %ne3A_172, %ne3A_168 : i1
      %add3A_174 = arith.addi %rem3A_166, %select_n3A_165 : i32
      %select_n3A_175 = arith.select %and3A_173, %add3A_174, %rem3A_166 : i32
      %mul3A_176 = arith.constant 16 : i32
      %mul3A_177 = arith.muli %select_n3A_175, %mul3A_176 : i32
      %broadcast_in_dim3A = arith.constant 0.000000e+00 : f32
      %broadcast_in_dim3A_178 = vector.broadcast %broadcast_in_dim3A : f32 to vector<16xf32>
      %swap3A = arith.index_cast %select_n3A : i32 to index
      %swap3A_179 = arith.index_cast %mul3A_177 : i32 to index
      %swap3A_180 = tpu.vector_load %arg9[%swap3A, %swap3A_179] {strides = array<i32>} : memref<128x128xf32, #tpu.memory_space<vmem>>, vector<1x16xf32>,
      %swap3A_181 = vector.shape_cast %swap3A_180 : vector<1x16xf32> to vector<16xf32>
      %swap3A_182 = vector.shape_cast %broadcast_in_dim3A_178 : vector<16xf32> to vector<1x16xf32>
      tpu.vector_store %arg9[%swap3A, %swap3A_179], %swap3A_182 {strides = array<i32>} : memref<128x128xf32, #tpu.memory_space<vmem>>, vector<1x16xf32>,
      %scan3A_183 = arith.constant 0 : i32
      scf.yield %scan3A_183 : i32
    }
    %scan3A_8 = arith.constant 1024 : i32
    %add3A_9 = arith.constant 0 : i32
    %add3A_10 = arith.addi %mul3A_2, %add3A_9 : i32
    "tpu.region"() ({
      %run_scoped3A_144 = tpu.sem_alloc : memref<!tpu.dma_semaphore, #tpu.memory_space<semaphore_mem>>
      %dma_start3A_145 = arith.constant 0 : i32
      %dma_start3A_146 = tpu.memref_slice %arg6[%add3A_10, %dma_start3A_145] : memref<10240x128xf32, #tpu.memory_space<vmem_shared>> -> memref<128x128xf32, #tpu.memory_space<vmem_shared>>
      %dma_start3A_147 = arith.constant 0 : i32
      %dma_start3A_148 = tpu.memref_slice %arg6[%add3A_10, %dma_start3A_147] : memref<10240x128xf32, #tpu.memory_space<vmem_shared>> -> memref<128x128xf32, #tpu.memory_space<vmem_shared>>
      tpu.enqueue_dma source(%arg9 : memref<128x128xf32, #tpu.memory_space<vmem>>) target(%dma_start3A_148 : memref<128x128xf32, #tpu.memory_space<vmem_shared>>) target_semaphore(%run_scoped3A_144 : memref<!tpu.dma_semaphore, #tpu.memory_space<semaphore_mem>>)
      %dma_wait3A_149 = arith.constant 0 : i32
      %dma_wait3A_150 = tpu.memref_slice %arg6[%add3A_10, %dma_wait3A_149] : memref<10240x128xf32, #tpu.memory_space<vmem_shared>> -> memref<128x128xf32, #tpu.memory_space<vmem_shared>>
      %dma_wait3A_151 = arith.constant 0 : i32
      %dma_wait3A_152 = tpu.memref_slice %arg6[%add3A_10, %dma_wait3A_151] : memref<10240x128xf32, #tpu.memory_space<vmem_shared>> -> memref<128x128xf32, #tpu.memory_space<vmem_shared>>
      tpu.wait_dma2 semaphore(%run_scoped3A_144 : memref<!tpu.dma_semaphore, #tpu.memory_space<semaphore_mem>>) src(%arg9 : memref<128x128xf32, #tpu.memory_space<vmem>>) dst(%dma_wait3A_152 : memref<128x128xf32, #tpu.memory_space<vmem_shared>>)
      tpu.yield
    }) : () -> ()
    %add3A_11 = arith.constant 128 : i32
    %add3A_12 = arith.addi %mul3A_2, %add3A_11 : i32
    "tpu.region"() ({
      %run_scoped3A_144 = tpu.sem_alloc : memref<!tpu.dma_semaphore, #tpu.memory_space<semaphore_mem>>
      %dma_start3A_145 = arith.constant 0 : i32
      %dma_start3A_146 = tpu.memref_slice %arg6[%add3A_12, %dma_start3A_145] : memref<10240x128xf32, #tpu.memory_space<vmem_shared>> -> memref<128x128xf32, #tpu.memory_space<vmem_shared>>
      %dma_start3A_147 = arith.constant 0 : i32
      %dma_start3A_148 = tpu.memref_slice %arg6[%add3A_12, %dma_start3A_147] : memref<10240x128xf32, #tpu.memory_space<vmem_shared>> -> memref<128x128xf32, #tpu.memory_space<vmem_shared>>
      tpu.enqueue_dma source(%arg9 : memref<128x128xf32, #tpu.memory_space<vmem>>) target(%dma_start3A_148 : memref<128x128xf32, #tpu.memory_space<vmem_shared>>) target_semaphore(%run_scoped3A_144 : memref<!tpu.dma_semaphore, #tpu.memory_space<semaphore_mem>>)
      %dma_wait3A_149 = arith.constant 0 : i32
      %dma_wait3A_150 = tpu.memref_slice %arg6[%add3A_12, %dma_wait3A_149] : memref<10240x128xf32, #tpu.memory_space<vmem_shared>> -> memref<128x128xf32, #tpu.memory_space<vmem_shared>>
      %dma_wait3A_151 = arith.constant 0 : i32
      %dma_wait3A_152 = tpu.memref_slice %arg6[%add3A_12, %dma_wait3A_151] : memref<10240x128xf32, #tpu.memory_space<vmem_shared>> -> memref<128x128xf32, #tpu.memory_space<vmem_shared>>
      tpu.wait_dma2 semaphore(%run_scoped3A_144 : memref<!tpu.dma_semaphore, #tpu.memory_space<semaphore_mem>>) src(%arg9 : memref<128x128xf32, #tpu.memory_space<vmem>>) dst(%dma_wait3A_152 : memref<128x128xf32, #tpu.memory_space<vmem_shared>>)
      tpu.yield
    }) : () -> ()
    %add3A_13 = arith.constant 256 : i32
    %add3A_14 = arith.addi %mul3A_2, %add3A_13 : i32
    "tpu.region"() ({
      %run_scoped3A_144 = tpu.sem_alloc : memref<!tpu.dma_semaphore, #tpu.memory_space<semaphore_mem>>
      %dma_start3A_145 = arith.constant 0 : i32
      %dma_start3A_146 = tpu.memref_slice %arg6[%add3A_14, %dma_start3A_145] : memref<10240x128xf32, #tpu.memory_space<vmem_shared>> -> memref<128x128xf32, #tpu.memory_space<vmem_shared>>
      %dma_start3A_147 = arith.constant 0 : i32
      %dma_start3A_148 = tpu.memref_slice %arg6[%add3A_14, %dma_start3A_147] : memref<10240x128xf32, #tpu.memory_space<vmem_shared>> -> memref<128x128xf32, #tpu.memory_space<vmem_shared>>
      tpu.enqueue_dma source(%arg9 : memref<128x128xf32, #tpu.memory_space<vmem>>) target(%dma_start3A_148 : memref<128x128xf32, #tpu.memory_space<vmem_shared>>) target_semaphore(%run_scoped3A_144 : memref<!tpu.dma_semaphore, #tpu.memory_space<semaphore_mem>>)
      %dma_wait3A_149 = arith.constant 0 : i32
      %dma_wait3A_150 = tpu.memref_slice %arg6[%add3A_14, %dma_wait3A_149] : memref<10240x128xf32, #tpu.memory_space<vmem_shared>> -> memref<128x128xf32, #tpu.memory_space<vmem_shared>>
      %dma_wait3A_151 = arith.constant 0 : i32
      %dma_wait3A_152 = tpu.memref_slice %arg6[%add3A_14, %dma_wait3A_151] : memref<10240x128xf32, #tpu.memory_space<vmem_shared>> -> memref<128x128xf32, #tpu.memory_space<vmem_shared>>
      tpu.wait_dma2 semaphore(%run_scoped3A_144 : memref<!tpu.dma_semaphore, #tpu.memory_space<semaphore_mem>>) src(%arg9 : memref<128x128xf32, #tpu.memory_space<vmem>>) dst(%dma_wait3A_152 : memref<128x128xf32, #tpu.memory_space<vmem_shared>>)
      tpu.yield
    }) : () -> ()
    %add3A_15 = arith.constant 384 : i32
    %add3A_16 = arith.addi %mul3A_2, %add3A_15 : i32
    "tpu.region"() ({
      %run_scoped3A_144 = tpu.sem_alloc : memref<!tpu.dma_semaphore, #tpu.memory_space<semaphore_mem>>
      %dma_start3A_145 = arith.constant 0 : i32
      %dma_start3A_146 = tpu.memref_slice %arg6[%add3A_16, %dma_start3A_145] : memref<10240x128xf32, #tpu.memory_space<vmem_shared>> -> memref<128x128xf32, #tpu.memory_space<vmem_shared>>
      %dma_start3A_147 = arith.constant 0 : i32
      %dma_start3A_148 = tpu.memref_slice %arg6[%add3A_16, %dma_start3A_147] : memref<10240x128xf32, #tpu.memory_space<vmem_shared>> -> memref<128x128xf32, #tpu.memory_space<vmem_shared>>
      tpu.enqueue_dma source(%arg9 : memref<128x128xf32, #tpu.memory_space<vmem>>) target(%dma_start3A_148 : memref<128x128xf32, #tpu.memory_space<vmem_shared>>) target_semaphore(%run_scoped3A_144 : memref<!tpu.dma_semaphore, #tpu.memory_space<semaphore_mem>>)
      %dma_wait3A_149 = arith.constant 0 : i32
      %dma_wait3A_150 = tpu.memref_slice %arg6[%add3A_16, %dma_wait3A_149] : memref<10240x128xf32, #tpu.memory_space<vmem_shared>> -> memref<128x128xf32, #tpu.memory_space<vmem_shared>>
      %dma_wait3A_151 = arith.constant 0 : i32
      %dma_wait3A_152 = tpu.memref_slice %arg6[%add3A_16, %dma_wait3A_151] : memref<10240x128xf32, #tpu.memory_space<vmem_shared>> -> memref<128x128xf32, #tpu.memory_space<vmem_shared>>
      tpu.wait_dma2 semaphore(%run_scoped3A_144 : memref<!tpu.dma_semaphore, #tpu.memory_space<semaphore_mem>>) src(%arg9 : memref<128x128xf32, #tpu.memory_space<vmem>>) dst(%dma_wait3A_152 : memref<128x128xf32, #tpu.memory_space<vmem_shared>>)
      tpu.yield
    }) : () -> ()
    %add3A_17 = arith.constant 512 : i32
    %add3A_18 = arith.addi %mul3A_2, %add3A_17 : i32
    "tpu.region"() ({
      %run_scoped3A_144 = tpu.sem_alloc : memref<!tpu.dma_semaphore, #tpu.memory_space<semaphore_mem>>
      %dma_start3A_145 = arith.constant 0 : i32
      %dma_start3A_146 = tpu.memref_slice %arg6[%add3A_18, %dma_start3A_145] : memref<10240x128xf32, #tpu.memory_space<vmem_shared>> -> memref<128x128xf32, #tpu.memory_space<vmem_shared>>
      %dma_start3A_147 = arith.constant 0 : i32
      %dma_start3A_148 = tpu.memref_slice %arg6[%add3A_18, %dma_start3A_147] : memref<10240x128xf32, #tpu.memory_space<vmem_shared>> -> memref<128x128xf32, #tpu.memory_space<vmem_shared>>
      tpu.enqueue_dma source(%arg9 : memref<128x128xf32, #tpu.memory_space<vmem>>) target(%dma_start3A_148 : memref<128x128xf32, #tpu.memory_space<vmem_shared>>) target_semaphore(%run_scoped3A_144 : memref<!tpu.dma_semaphore, #tpu.memory_space<semaphore_mem>>)
      %dma_wait3A_149 = arith.constant 0 : i32
      %dma_wait3A_150 = tpu.memref_slice %arg6[%add3A_18, %dma_wait3A_149] : memref<10240x128xf32, #tpu.memory_space<vmem_shared>> -> memref<128x128xf32, #tpu.memory_space<vmem_shared>>
      %dma_wait3A_151 = arith.constant 0 : i32
      %dma_wait3A_152 = tpu.memref_slice %arg6[%add3A_18, %dma_wait3A_151] : memref<10240x128xf32, #tpu.memory_space<vmem_shared>> -> memref<128x128xf32, #tpu.memory_space<vmem_shared>>
      tpu.wait_dma2 semaphore(%run_scoped3A_144 : memref<!tpu.dma_semaphore, #tpu.memory_space<semaphore_mem>>) src(%arg9 : memref<128x128xf32, #tpu.memory_space<vmem>>) dst(%dma_wait3A_152 : memref<128x128xf32, #tpu.memory_space<vmem_shared>>)
      tpu.yield
    }) : () -> ()
    "tpu.region"() ({
      %run_scoped3A_144 = tpu.sem_alloc : memref<!tpu.dma_semaphore, #tpu.memory_space<semaphore_mem>>
      %dma_start3A_145 = arith.constant 0 : i32
      %dma_start3A_146 = arith.constant 0 : i32
      %dma_start3A_147 = tpu.memref_slice %arg4[%add3A, %dma_start3A_145, %dma_start3A_146] : memref<32x80x128xi32, #tpu.memory_space<hbm>> -> memref<1x80x128xi32, #tpu.memory_space<hbm>>
      %dma_start3A_148 = tpu.memref_squeeze %dma_start3A_147 : memref<1x80x128xi32, #tpu.memory_space<hbm>> -> memref<80x128xi32, #tpu.memory_space<hbm>>
      %dma_start3A_149 = arith.constant 0 : i32
      %dma_start3A_150 = arith.constant 0 : i32
      %dma_start3A_151 = tpu.memref_slice %arg4[%add3A, %dma_start3A_149, %dma_start3A_150] : memref<32x80x128xi32, #tpu.memory_space<hbm>> -> memref<1x80x128xi32, #tpu.memory_space<hbm>>
      %dma_start3A_152 = tpu.memref_squeeze %dma_start3A_151 : memref<1x80x128xi32, #tpu.memory_space<hbm>> -> memref<80x128xi32, #tpu.memory_space<hbm>>
      tpu.enqueue_dma source(%dma_start3A_152 : memref<80x128xi32, #tpu.memory_space<hbm>>) target(%arg8 : memref<80x128xi32, #tpu.memory_space<vmem>>) target_semaphore(%run_scoped3A_144 : memref<!tpu.dma_semaphore, #tpu.memory_space<semaphore_mem>>)
      %dma_wait3A_153 = arith.constant 0 : i32
      %dma_wait3A_154 = arith.constant 0 : i32
      %dma_wait3A_155 = tpu.memref_slice %arg4[%add3A, %dma_wait3A_153, %dma_wait3A_154] : memref<32x80x128xi32, #tpu.memory_space<hbm>> -> memref<1x80x128xi32, #tpu.memory_space<hbm>>
      %dma_wait3A_156 = tpu.memref_squeeze %dma_wait3A_155 : memref<1x80x128xi32, #tpu.memory_space<hbm>> -> memref<80x128xi32, #tpu.memory_space<hbm>>
      %dma_wait3A_157 = arith.constant 0 : i32
      %dma_wait3A_158 = arith.constant 0 : i32
      %dma_wait3A_159 = tpu.memref_slice %arg4[%add3A, %dma_wait3A_157, %dma_wait3A_158] : memref<32x80x128xi32, #tpu.memory_space<hbm>> -> memref<1x80x128xi32, #tpu.memory_space<hbm>>
      %dma_wait3A_160 = tpu.memref_squeeze %dma_wait3A_159 : memref<1x80x128xi32, #tpu.memory_space<hbm>> -> memref<80x128xi32, #tpu.memory_space<hbm>>
      tpu.wait_dma2 semaphore(%run_scoped3A_144 : memref<!tpu.dma_semaphore, #tpu.memory_space<semaphore_mem>>) src(%dma_wait3A_160 : memref<80x128xi32, #tpu.memory_space<hbm>>) dst(%arg8 : memref<80x128xi32, #tpu.memory_space<vmem>>)
      tpu.yield
    }) : () -> ()
    %run_scoped3A = arith.constant 0 : i32
    "tpu.region"() ({
      %run_scoped3A_144 = tpu.sem_alloc : memref<!tpu.dma_semaphore, #tpu.memory_space<semaphore_mem>>
      %dma_start3A_145 = arith.constant 0 : i32
      %dma_start3A_146 = arith.constant 0 : i32
      %dma_start3A_147 = tpu.memref_slice %arg7[%run_scoped3A, %dma_start3A_145, %dma_start3A_146] : memref<2x4x128xi32, #tpu.memory_space<vmem>> -> memref<1x4x128xi32, #tpu.memory_space<vmem>>
      %dma_start3A_148 = tpu.memref_squeeze %dma_start3A_147 : memref<1x4x128xi32, #tpu.memory_space<vmem>> -> memref<4x128xi32, #tpu.memory_space<vmem>>
      %dma_start3A_149 = arith.constant 0 : i32
      %dma_start3A_150 = arith.constant 0 : i32
      %dma_start3A_151 = tpu.memref_slice %arg3[%add3A, %dma_start3A_149, %dma_start3A_150] : memref<32x80x128xi32, #tpu.memory_space<hbm>> -> memref<1x4x128xi32, #tpu.memory_space<hbm>>
      %dma_start3A_152 = tpu.memref_squeeze %dma_start3A_151 : memref<1x4x128xi32, #tpu.memory_space<hbm>> -> memref<4x128xi32, #tpu.memory_space<hbm>>
      %dma_start3A_153 = arith.constant 0 : i32
      %dma_start3A_154 = arith.constant 0 : i32
      %dma_start3A_155 = tpu.memref_slice %arg7[%run_scoped3A, %dma_start3A_153, %dma_start3A_154] : memref<2x4x128xi32, #tpu.memory_space<vmem>> -> memref<1x4x128xi32, #tpu.memory_space<vmem>>
      %dma_start3A_156 = tpu.memref_squeeze %dma_start3A_155 : memref<1x4x128xi32, #tpu.memory_space<vmem>> -> memref<4x128xi32, #tpu.memory_space<vmem>>
      %dma_start3A_157 = arith.constant 0 : i32
      %dma_start3A_158 = arith.constant 0 : i32
      %dma_start3A_159 = tpu.memref_slice %arg3[%add3A, %dma_start3A_157, %dma_start3A_158] : memref<32x80x128xi32, #tpu.memory_space<hbm>> -> memref<1x4x128xi32, #tpu.memory_space<hbm>>
      %dma_start3A_160 = tpu.memref_squeeze %dma_start3A_159 : memref<1x4x128xi32, #tpu.memory_space<hbm>> -> memref<4x128xi32, #tpu.memory_space<hbm>>
      tpu.enqueue_dma source(%dma_start3A_160 : memref<4x128xi32, #tpu.memory_space<hbm>>) target(%dma_start3A_156 : memref<4x128xi32, #tpu.memory_space<vmem>>) target_semaphore(%run_scoped3A_144 : memref<!tpu.dma_semaphore, #tpu.memory_space<semaphore_mem>>)
      %dma_wait3A_161 = arith.constant 0 : i32
      %dma_wait3A_162 = arith.constant 0 : i32
      %dma_wait3A_163 = tpu.memref_slice %arg7[%run_scoped3A, %dma_wait3A_161, %dma_wait3A_162] : memref<2x4x128xi32, #tpu.memory_space<vmem>> -> memref<1x4x128xi32, #tpu.memory_space<vmem>>
      %dma_wait3A_164 = tpu.memref_squeeze %dma_wait3A_163 : memref<1x4x128xi32, #tpu.memory_space<vmem>> -> memref<4x128xi32, #tpu.memory_space<vmem>>
      %dma_wait3A_165 = arith.constant 0 : i32
      %dma_wait3A_166 = arith.constant 0 : i32
      %dma_wait3A_167 = tpu.memref_slice %arg3[%add3A, %dma_wait3A_165, %dma_wait3A_166] : memref<32x80x128xi32, #tpu.memory_space<hbm>> -> memref<1x4x128xi32, #tpu.memory_space<hbm>>
      %dma_wait3A_168 = tpu.memref_squeeze %dma_wait3A_167 : memref<1x4x128xi32, #tpu.memory_space<hbm>> -> memref<4x128xi32, #tpu.memory_space<hbm>>
      %dma_wait3A_169 = arith.constant 0 : i32
      %dma_wait3A_170 = arith.constant 0 : i32
      %dma_wait3A_171 = tpu.memref_slice %arg7[%run_scoped3A, %dma_wait3A_169, %dma_wait3A_170] : memref<2x4x128xi32, #tpu.memory_space<vmem>> -> memref<1x4x128xi32, #tpu.memory_space<vmem>>
      %dma_wait3A_172 = tpu.memref_squeeze %dma_wait3A_171 : memref<1x4x128xi32, #tpu.memory_space<vmem>> -> memref<4x128xi32, #tpu.memory_space<vmem>>
      %dma_wait3A_173 = arith.constant 0 : i32
      %dma_wait3A_174 = arith.constant 0 : i32
      %dma_wait3A_175 = tpu.memref_slice %arg3[%add3A, %dma_wait3A_173, %dma_wait3A_174] : memref<32x80x128xi32, #tpu.memory_space<hbm>> -> memref<1x4x128xi32, #tpu.memory_space<hbm>>
      %dma_wait3A_176 = tpu.memref_squeeze %dma_wait3A_175 : memref<1x4x128xi32, #tpu.memory_space<hbm>> -> memref<4x128xi32, #tpu.memory_space<hbm>>
      tpu.wait_dma2 semaphore(%run_scoped3A_144 : memref<!tpu.dma_semaphore, #tpu.memory_space<semaphore_mem>>) src(%dma_wait3A_176 : memref<4x128xi32, #tpu.memory_space<hbm>>) dst(%dma_wait3A_172 : memref<4x128xi32, #tpu.memory_space<vmem>>)
      tpu.yield
    }) : () -> ()
    %dma_start3A = arith.constant 1 : i32
    %dma_start3A_19 = arith.constant 1 : i32
    %dma_start3A_20 = arith.constant 0 : i32
    %dma_start3A_21 = arith.constant 0 : i32
    %dma_start3A_22 = tpu.memref_slice %arg7[%dma_start3A, %dma_start3A_20, %dma_start3A_21] : memref<2x4x128xi32, #tpu.memory_space<vmem>> -> memref<1x4x128xi32, #tpu.memory_space<vmem>>
    %dma_start3A_23 = tpu.memref_squeeze %dma_start3A_22 : memref<1x4x128xi32, #tpu.memory_space<vmem>> -> memref<4x128xi32, #tpu.memory_space<vmem>>
    %dma_start3A_24 = arith.constant 4 : i32
    %dma_start3A_25 = arith.constant 0 : i32
    %dma_start3A_26 = tpu.memref_slice %arg3[%add3A, %dma_start3A_24, %dma_start3A_25] : memref<32x80x128xi32, #tpu.memory_space<hbm>> -> memref<1x4x128xi32, #tpu.memory_space<hbm>>
    %dma_start3A_27 = tpu.memref_squeeze %dma_start3A_26 : memref<1x4x128xi32, #tpu.memory_space<hbm>> -> memref<4x128xi32, #tpu.memory_space<hbm>>
    %dma_start3A_28 = tpu.memref_slice %arg12[%dma_start3A_19] : memref<2x!tpu.dma_semaphore, #tpu.memory_space<semaphore_mem>> -> memref<1x!tpu.dma_semaphore, #tpu.memory_space<semaphore_mem>>
    %dma_start3A_29 = tpu.memref_squeeze %dma_start3A_28 : memref<1x!tpu.dma_semaphore, #tpu.memory_space<semaphore_mem>> -> memref<!tpu.dma_semaphore, #tpu.memory_space<semaphore_mem>>
    %dma_start3A_30 = arith.constant 0 : i32
    %dma_start3A_31 = arith.constant 0 : i32
    %dma_start3A_32 = tpu.memref_slice %arg7[%dma_start3A, %dma_start3A_30, %dma_start3A_31] : memref<2x4x128xi32, #tpu.memory_space<vmem>> -> memref<1x4x128xi32, #tpu.memory_space<vmem>>
    %dma_start3A_33 = tpu.memref_squeeze %dma_start3A_32 : memref<1x4x128xi32, #tpu.memory_space<vmem>> -> memref<4x128xi32, #tpu.memory_space<vmem>>
    %dma_start3A_34 = arith.constant 4 : i32
    %dma_start3A_35 = arith.constant 0 : i32
    %dma_start3A_36 = tpu.memref_slice %arg3[%add3A, %dma_start3A_34, %dma_start3A_35] : memref<32x80x128xi32, #tpu.memory_space<hbm>> -> memref<1x4x128xi32, #tpu.memory_space<hbm>>
    %dma_start3A_37 = tpu.memref_squeeze %dma_start3A_36 : memref<1x4x128xi32, #tpu.memory_space<hbm>> -> memref<4x128xi32, #tpu.memory_space<hbm>>
    tpu.enqueue_dma source(%dma_start3A_37 : memref<4x128xi32, #tpu.memory_space<hbm>>) target(%dma_start3A_33 : memref<4x128xi32, #tpu.memory_space<vmem>>) target_semaphore(%dma_start3A_29 : memref<!tpu.dma_semaphore, #tpu.memory_space<semaphore_mem>>)
    %barrier3A = arith.constant 0 : index
    tpu.barrier barrier_id(%barrier3A)
    %dma_start3A_38 = arith.constant 0 : i32
    %dma_start3A_39 = arith.constant 0 : i32
    %dma_start3A_40 = arith.constant 0 : i32
    %dma_start3A_41 = arith.constant 0 : i32
    %dma_start3A_42 = tpu.memref_slice %arg7[%dma_start3A_38, %dma_start3A_39, %dma_start3A_41] : memref<2x4x128xi32, #tpu.memory_space<vmem>> -> memref<1x1x128xi32, #tpu.memory_space<vmem>>
    %dma_start3A_43 = tpu.memref_squeeze %dma_start3A_42 : memref<1x1x128xi32, #tpu.memory_space<vmem>> -> memref<128xi32, #tpu.memory_space<vmem>>
    %dma_start3A_44 = arith.constant 0 : i32
    %dma_start3A_45 = arith.constant 0 : i32
    %dma_start3A_46 = tpu.memref_slice %arg2[%dma_start3A_44, %dma_start3A_45] : memref<10240x128xf32, #tpu.memory_space<hbm>> -> memref<10240x128xf32, #tpu.memory_space<hbm>>
    %dma_start3A_47 = tpu.memref_slice %arg11[%dma_start3A_40] : memref<2x!tpu.dma_semaphore, #tpu.memory_space<semaphore_mem>> -> memref<1x!tpu.dma_semaphore, #tpu.memory_space<semaphore_mem>>
    %dma_start3A_48 = tpu.memref_squeeze %dma_start3A_47 : memref<1x!tpu.dma_semaphore, #tpu.memory_space<semaphore_mem>> -> memref<!tpu.dma_semaphore, #tpu.memory_space<semaphore_mem>>
    tpu.enqueue_indirect_dma source(%dma_start3A_46 : memref<10240x128xf32, #tpu.memory_space<hbm>>) target(%arg9 : memref<128x128xf32, #tpu.memory_space<vmem>>) offsets(%dma_start3A_43 : memref<128xi32, #tpu.memory_space<vmem>>) semaphore(%dma_start3A_48 : memref<!tpu.dma_semaphore, #tpu.memory_space<semaphore_mem>>)
    %dma_start3A_49 = arith.constant 0 : i32
    %dma_start3A_50 = arith.constant 1 : i32
    %dma_start3A_51 = arith.constant 1 : i32
    %dma_start3A_52 = arith.constant 0 : i32
    %dma_start3A_53 = tpu.memref_slice %arg7[%dma_start3A_49, %dma_start3A_50, %dma_start3A_52] : memref<2x4x128xi32, #tpu.memory_space<vmem>> -> memref<1x1x128xi32, #tpu.memory_space<vmem>>
    %dma_start3A_54 = tpu.memref_squeeze %dma_start3A_53 : memref<1x1x128xi32, #tpu.memory_space<vmem>> -> memref<128xi32, #tpu.memory_space<vmem>>
    %dma_start3A_55 = arith.constant 0 : i32
    %dma_start3A_56 = arith.constant 0 : i32
    %dma_start3A_57 = tpu.memref_slice %arg2[%dma_start3A_55, %dma_start3A_56] : memref<10240x128xf32, #tpu.memory_space<hbm>> -> memref<10240x128xf32, #tpu.memory_space<hbm>>
    %dma_start3A_58 = tpu.memref_slice %arg11[%dma_start3A_51] : memref<2x!tpu.dma_semaphore, #tpu.memory_space<semaphore_mem>> -> memref<1x!tpu.dma_semaphore, #tpu.memory_space<semaphore_mem>>
    %dma_start3A_59 = tpu.memref_squeeze %dma_start3A_58 : memref<1x!tpu.dma_semaphore, #tpu.memory_space<semaphore_mem>> -> memref<!tpu.dma_semaphore, #tpu.memory_space<semaphore_mem>>
    tpu.enqueue_indirect_dma source(%dma_start3A_57 : memref<10240x128xf32, #tpu.memory_space<hbm>>) target(%arg10 : memref<128x128xf32, #tpu.memory_space<vmem>>) offsets(%dma_start3A_54 : memref<128xi32, #tpu.memory_space<vmem>>) semaphore(%dma_start3A_59 : memref<!tpu.dma_semaphore, #tpu.memory_space<semaphore_mem>>)
    %scan3A_60 = arith.constant 0 : i32
    %scan3A_61 = arith.constant 0 : i32
    %scan3A_62 = arith.constant 19 : i32
    %scan3A_63 = arith.addi %scan3A_61, %scan3A_62 : i32
    %scan3A_64 = arith.constant 1 : i32
    %scan3A_65 = scf.for %scan3A_144 = %scan3A_61 to %scan3A_63 step %scan3A_64 iter_args(%scan3A_145 = %scan3A_60) -> (i32)  : i32 {
      %rem3A = arith.constant 2 : i32
      %rem3A_146 = arith.remsi %scan3A_144, %rem3A : i32
      %sub3A = arith.constant 1 : i32
      %sub3A_147 = arith.subi %sub3A, %rem3A_146 : i32
      %mul3A_148 = arith.constant 4 : i32
      %mul3A_149 = arith.muli %scan3A_144, %mul3A_148 : i32
      %dma_wait3A_150 = arith.constant 0 : i32
      %dma_wait3A_151 = arith.constant 0 : i32
      %dma_wait3A_152 = arith.constant 0 : i32
      %dma_wait3A_153 = tpu.memref_slice %arg7[%rem3A_146, %dma_wait3A_150, %dma_wait3A_152] : memref<2x4x128xi32, #tpu.memory_space<vmem>> -> memref<1x1x128xi32, #tpu.memory_space<vmem>>
      %dma_wait3A_154 = tpu.memref_squeeze %dma_wait3A_153 : memref<1x1x128xi32, #tpu.memory_space<vmem>> -> memref<128xi32, #tpu.memory_space<vmem>>
      %dma_wait3A_155 = arith.constant 0 : i32
      %dma_wait3A_156 = arith.constant 0 : i32
      %dma_wait3A_157 = tpu.memref_slice %arg2[%dma_wait3A_155, %dma_wait3A_156] : memref<10240x128xf32, #tpu.memory_space<hbm>> -> memref<10240x128xf32, #tpu.memory_space<hbm>>
      %dma_wait3A_158 = tpu.memref_slice %arg11[%dma_wait3A_151] : memref<2x!tpu.dma_semaphore, #tpu.memory_space<semaphore_mem>> -> memref<1x!tpu.dma_semaphore, #tpu.memory_space<semaphore_mem>>
      %dma_wait3A_159 = tpu.memref_squeeze %dma_wait3A_158 : memref<1x!tpu.dma_semaphore, #tpu.memory_space<semaphore_mem>> -> memref<!tpu.dma_semaphore, #tpu.memory_space<semaphore_mem>>
      tpu.wait_indirect_dma semaphore(%dma_wait3A_159 : memref<!tpu.dma_semaphore, #tpu.memory_space<semaphore_mem>>) src(%dma_wait3A_157 : memref<10240x128xf32, #tpu.memory_space<hbm>>) dst(%arg9 : memref<128x128xf32, #tpu.memory_space<vmem>>)
      %add3A_160 = arith.constant 0 : i32
      %add3A_161 = arith.addi %mul3A_149, %add3A_160 : i32
      "tpu.region"() ({
        %run_scoped3A_263 = tpu.sem_alloc : memref<!tpu.dma_semaphore, #tpu.memory_space<semaphore_mem>>
        %dma_start3A_264 = arith.constant 0 : i32
        %dma_start3A_265 = tpu.memref_slice %arg8[%add3A_161, %dma_start3A_264] : memref<80x128xi32, #tpu.memory_space<vmem>> -> memref<1x128xi32, #tpu.memory_space<vmem>>
        %dma_start3A_266 = tpu.memref_squeeze %dma_start3A_265 : memref<1x128xi32, #tpu.memory_space<vmem>> -> memref<128xi32, #tpu.memory_space<vmem>>
        %dma_start3A_267 = arith.constant 0 : i32
        %dma_start3A_268 = arith.constant 0 : i32
        %dma_start3A_269 = tpu.memref_slice %arg6[%dma_start3A_267, %dma_start3A_268] : memref<10240x128xf32, #tpu.memory_space<vmem_shared>> -> memref<10240x128xf32, #tpu.memory_space<vmem_shared>>
        tpu.enqueue_indirect_dma source(%arg9 : memref<128x128xf32, #tpu.memory_space<vmem>>) target(%dma_start3A_269 : memref<10240x128xf32, #tpu.memory_space<vmem_shared>>) offsets(%dma_start3A_266 : memref<128xi32, #tpu.memory_space<vmem>>) semaphore(%run_scoped3A_263 : memref<!tpu.dma_semaphore, #tpu.memory_space<semaphore_mem>>) {add = true}
        %dma_wait3A_270 = arith.constant 0 : i32
        %dma_wait3A_271 = tpu.memref_slice %arg8[%add3A_161, %dma_wait3A_270] : memref<80x128xi32, #tpu.memory_space<vmem>> -> memref<1x128xi32, #tpu.memory_space<vmem>>
        %dma_wait3A_272 = tpu.memref_squeeze %dma_wait3A_271 : memref<1x128xi32, #tpu.memory_space<vmem>> -> memref<128xi32, #tpu.memory_space<vmem>>
        %dma_wait3A_273 = arith.constant 0 : i32
        %dma_wait3A_274 = arith.constant 0 : i32
        %dma_wait3A_275 = tpu.memref_slice %arg6[%dma_wait3A_273, %dma_wait3A_274] : memref<10240x128xf32, #tpu.memory_space<vmem_shared>> -> memref<10240x128xf32, #tpu.memory_space<vmem_shared>>
        tpu.wait_indirect_dma semaphore(%run_scoped3A_263 : memref<!tpu.dma_semaphore, #tpu.memory_space<semaphore_mem>>) src(%arg9 : memref<128x128xf32, #tpu.memory_space<vmem>>) dst(%dma_wait3A_275 : memref<10240x128xf32, #tpu.memory_space<vmem_shared>>)
        tpu.yield
      }) : () -> ()
      %dma_start3A_162 = arith.constant 2 : i32
      %dma_start3A_163 = arith.constant 0 : i32
      %dma_start3A_164 = arith.constant 0 : i32
      %dma_start3A_165 = tpu.memref_slice %arg7[%rem3A_146, %dma_start3A_162, %dma_start3A_164] : memref<2x4x128xi32, #tpu.memory_space<vmem>> -> memref<1x1x128xi32, #tpu.memory_space<vmem>>
      %dma_start3A_166 = tpu.memref_squeeze %dma_start3A_165 : memref<1x1x128xi32, #tpu.memory_space<vmem>> -> memref<128xi32, #tpu.memory_space<vmem>>
      %dma_start3A_167 = arith.constant 0 : i32
      %dma_start3A_168 = arith.constant 0 : i32
      %dma_start3A_169 = tpu.memref_slice %arg2[%dma_start3A_167, %dma_start3A_168] : memref<10240x128xf32, #tpu.memory_space<hbm>> -> memref<10240x128xf32, #tpu.memory_space<hbm>>
      %dma_start3A_170 = tpu.memref_slice %arg11[%dma_start3A_163] : memref<2x!tpu.dma_semaphore, #tpu.memory_space<semaphore_mem>> -> memref<1x!tpu.dma_semaphore, #tpu.memory_space<semaphore_mem>>
      %dma_start3A_171 = tpu.memref_squeeze %dma_start3A_170 : memref<1x!tpu.dma_semaphore, #tpu.memory_space<semaphore_mem>> -> memref<!tpu.dma_semaphore, #tpu.memory_space<semaphore_mem>>
      tpu.enqueue_indirect_dma source(%dma_start3A_169 : memref<10240x128xf32, #tpu.memory_space<hbm>>) target(%arg9 : memref<128x128xf32, #tpu.memory_space<vmem>>) offsets(%dma_start3A_166 : memref<128xi32, #tpu.memory_space<vmem>>) semaphore(%dma_start3A_171 : memref<!tpu.dma_semaphore, #tpu.memory_space<semaphore_mem>>)
      %dma_wait3A_172 = arith.constant 1 : i32
      %dma_wait3A_173 = arith.constant 1 : i32
      %dma_wait3A_174 = arith.constant 0 : i32
      %dma_wait3A_175 = tpu.memref_slice %arg7[%rem3A_146, %dma_wait3A_172, %dma_wait3A_174] : memref<2x4x128xi32, #tpu.memory_space<vmem>> -> memref<1x1x128xi32, #tpu.memory_space<vmem>>
      %dma_wait3A_176 = tpu.memref_squeeze %dma_wait3A_175 : memref<1x1x128xi32, #tpu.memory_space<vmem>> -> memref<128xi32, #tpu.memory_space<vmem>>
      %dma_wait3A_177 = arith.constant 0 : i32
      %dma_wait3A_178 = arith.constant 0 : i32
      %dma_wait3A_179 = tpu.memref_slice %arg2[%dma_wait3A_177, %dma_wait3A_178] : memref<10240x128xf32, #tpu.memory_space<hbm>> -> memref<10240x128xf32, #tpu.memory_space<hbm>>
      %dma_wait3A_180 = tpu.memref_slice %arg11[%dma_wait3A_173] : memref<2x!tpu.dma_semaphore, #tpu.memory_space<semaphore_mem>> -> memref<1x!tpu.dma_semaphore, #tpu.memory_space<semaphore_mem>>
      %dma_wait3A_181 = tpu.memref_squeeze %dma_wait3A_180 : memref<1x!tpu.dma_semaphore, #tpu.memory_space<semaphore_mem>> -> memref<!tpu.dma_semaphore, #tpu.memory_space<semaphore_mem>>
      tpu.wait_indirect_dma semaphore(%dma_wait3A_181 : memref<!tpu.dma_semaphore, #tpu.memory_space<semaphore_mem>>) src(%dma_wait3A_179 : memref<10240x128xf32, #tpu.memory_space<hbm>>) dst(%arg10 : memref<128x128xf32, #tpu.memory_space<vmem>>)
      %add3A_182 = arith.constant 1 : i32
      %add3A_183 = arith.addi %mul3A_149, %add3A_182 : i32
      "tpu.region"() ({
        %run_scoped3A_263 = tpu.sem_alloc : memref<!tpu.dma_semaphore, #tpu.memory_space<semaphore_mem>>
        %dma_start3A_264 = arith.constant 0 : i32
        %dma_start3A_265 = tpu.memref_slice %arg8[%add3A_183, %dma_start3A_264] : memref<80x128xi32, #tpu.memory_space<vmem>> -> memref<1x128xi32, #tpu.memory_space<vmem>>
        %dma_start3A_266 = tpu.memref_squeeze %dma_start3A_265 : memref<1x128xi32, #tpu.memory_space<vmem>> -> memref<128xi32, #tpu.memory_space<vmem>>
        %dma_start3A_267 = arith.constant 0 : i32
        %dma_start3A_268 = arith.constant 0 : i32
        %dma_start3A_269 = tpu.memref_slice %arg6[%dma_start3A_267, %dma_start3A_268] : memref<10240x128xf32, #tpu.memory_space<vmem_shared>> -> memref<10240x128xf32, #tpu.memory_space<vmem_shared>>
        tpu.enqueue_indirect_dma source(%arg10 : memref<128x128xf32, #tpu.memory_space<vmem>>) target(%dma_start3A_269 : memref<10240x128xf32, #tpu.memory_space<vmem_shared>>) offsets(%dma_start3A_266 : memref<128xi32, #tpu.memory_space<vmem>>) semaphore(%run_scoped3A_263 : memref<!tpu.dma_semaphore, #tpu.memory_space<semaphore_mem>>) {add = true}
        %dma_wait3A_270 = arith.constant 0 : i32
        %dma_wait3A_271 = tpu.memref_slice %arg8[%add3A_183, %dma_wait3A_270] : memref<80x128xi32, #tpu.memory_space<vmem>> -> memref<1x128xi32, #tpu.memory_space<vmem>>
        %dma_wait3A_272 = tpu.memref_squeeze %dma_wait3A_271 : memref<1x128xi32, #tpu.memory_space<vmem>> -> memref<128xi32, #tpu.memory_space<vmem>>
        %dma_wait3A_273 = arith.constant 0 : i32
        %dma_wait3A_274 = arith.constant 0 : i32
        %dma_wait3A_275 = tpu.memref_slice %arg6[%dma_wait3A_273, %dma_wait3A_274] : memref<10240x128xf32, #tpu.memory_space<vmem_shared>> -> memref<10240x128xf32, #tpu.memory_space<vmem_shared>>
        tpu.wait_indirect_dma semaphore(%run_scoped3A_263 : memref<!tpu.dma_semaphore, #tpu.memory_space<semaphore_mem>>) src(%arg10 : memref<128x128xf32, #tpu.memory_space<vmem>>) dst(%dma_wait3A_275 : memref<10240x128xf32, #tpu.memory_space<vmem_shared>>)
        tpu.yield
      }) : () -> ()
      %dma_start3A_184 = arith.constant 3 : i32
      %dma_start3A_185 = arith.constant 1 : i32
      %dma_start3A_186 = arith.constant 0 : i32
      %dma_start3A_187 = tpu.memref_slice %arg7[%rem3A_146, %dma_start3A_184, %dma_start3A_186] : memref<2x4x128xi32, #tpu.memory_space<vmem>> -> memref<1x1x128xi32, #tpu.memory_space<vmem>>
      %dma_start3A_188 = tpu.memref_squeeze %dma_start3A_187 : memref<1x1x128xi32, #tpu.memory_space<vmem>> -> memref<128xi32, #tpu.memory_space<vmem>>
      %dma_start3A_189 = arith.constant 0 : i32
      %dma_start3A_190 = arith.constant 0 : i32
      %dma_start3A_191 = tpu.memref_slice %arg2[%dma_start3A_189, %dma_start3A_190] : memref<10240x128xf32, #tpu.memory_space<hbm>> -> memref<10240x128xf32, #tpu.memory_space<hbm>>
      %dma_start3A_192 = tpu.memref_slice %arg11[%dma_start3A_185] : memref<2x!tpu.dma_semaphore, #tpu.memory_space<semaphore_mem>> -> memref<1x!tpu.dma_semaphore, #tpu.memory_space<semaphore_mem>>
      %dma_start3A_193 = tpu.memref_squeeze %dma_start3A_192 : memref<1x!tpu.dma_semaphore, #tpu.memory_space<semaphore_mem>> -> memref<!tpu.dma_semaphore, #tpu.memory_space<semaphore_mem>>
      tpu.enqueue_indirect_dma source(%dma_start3A_191 : memref<10240x128xf32, #tpu.memory_space<hbm>>) target(%arg10 : memref<128x128xf32, #tpu.memory_space<vmem>>) offsets(%dma_start3A_188 : memref<128xi32, #tpu.memory_space<vmem>>) semaphore(%dma_start3A_193 : memref<!tpu.dma_semaphore, #tpu.memory_space<semaphore_mem>>)
      %dma_wait3A_194 = arith.constant 2 : i32
      %dma_wait3A_195 = arith.constant 0 : i32
      %dma_wait3A_196 = arith.constant 0 : i32
      %dma_wait3A_197 = tpu.memref_slice %arg7[%rem3A_146, %dma_wait3A_194, %dma_wait3A_196] : memref<2x4x128xi32, #tpu.memory_space<vmem>> -> memref<1x1x128xi32, #tpu.memory_space<vmem>>
      %dma_wait3A_198 = tpu.memref_squeeze %dma_wait3A_197 : memref<1x1x128xi32, #tpu.memory_space<vmem>> -> memref<128xi32, #tpu.memory_space<vmem>>
      %dma_wait3A_199 = arith.constant 0 : i32
      %dma_wait3A_200 = arith.constant 0 : i32
      %dma_wait3A_201 = tpu.memref_slice %arg2[%dma_wait3A_199, %dma_wait3A_200] : memref<10240x128xf32, #tpu.memory_space<hbm>> -> memref<10240x128xf32, #tpu.memory_space<hbm>>
      %dma_wait3A_202 = tpu.memref_slice %arg11[%dma_wait3A_195] : memref<2x!tpu.dma_semaphore, #tpu.memory_space<semaphore_mem>> -> memref<1x!tpu.dma_semaphore, #tpu.memory_space<semaphore_mem>>
      %dma_wait3A_203 = tpu.memref_squeeze %dma_wait3A_202 : memref<1x!tpu.dma_semaphore, #tpu.memory_space<semaphore_mem>> -> memref<!tpu.dma_semaphore, #tpu.memory_space<semaphore_mem>>
      tpu.wait_indirect_dma semaphore(%dma_wait3A_203 : memref<!tpu.dma_semaphore, #tpu.memory_space<semaphore_mem>>) src(%dma_wait3A_201 : memref<10240x128xf32, #tpu.memory_space<hbm>>) dst(%arg9 : memref<128x128xf32, #tpu.memory_space<vmem>>)
      %add3A_204 = arith.constant 2 : i32
      %add3A_205 = arith.addi %mul3A_149, %add3A_204 : i32
      "tpu.region"() ({
        %run_scoped3A_263 = tpu.sem_alloc : memref<!tpu.dma_semaphore, #tpu.memory_space<semaphore_mem>>
        %dma_start3A_264 = arith.constant 0 : i32
        %dma_start3A_265 = tpu.memref_slice %arg8[%add3A_205, %dma_start3A_264] : memref<80x128xi32, #tpu.memory_space<vmem>> -> memref<1x128xi32, #tpu.memory_space<vmem>>
        %dma_start3A_266 = tpu.memref_squeeze %dma_start3A_265 : memref<1x128xi32, #tpu.memory_space<vmem>> -> memref<128xi32, #tpu.memory_space<vmem>>
        %dma_start3A_267 = arith.constant 0 : i32
        %dma_start3A_268 = arith.constant 0 : i32
        %dma_start3A_269 = tpu.memref_slice %arg6[%dma_start3A_267, %dma_start3A_268] : memref<10240x128xf32, #tpu.memory_space<vmem_shared>> -> memref<10240x128xf32, #tpu.memory_space<vmem_shared>>
        tpu.enqueue_indirect_dma source(%arg9 : memref<128x128xf32, #tpu.memory_space<vmem>>) target(%dma_start3A_269 : memref<10240x128xf32, #tpu.memory_space<vmem_shared>>) offsets(%dma_start3A_266 : memref<128xi32, #tpu.memory_space<vmem>>) semaphore(%run_scoped3A_263 : memref<!tpu.dma_semaphore, #tpu.memory_space<semaphore_mem>>) {add = true}
        %dma_wait3A_270 = arith.constant 0 : i32
        %dma_wait3A_271 = tpu.memref_slice %arg8[%add3A_205, %dma_wait3A_270] : memref<80x128xi32, #tpu.memory_space<vmem>> -> memref<1x128xi32, #tpu.memory_space<vmem>>
        %dma_wait3A_272 = tpu.memref_squeeze %dma_wait3A_271 : memref<1x128xi32, #tpu.memory_space<vmem>> -> memref<128xi32, #tpu.memory_space<vmem>>
        %dma_wait3A_273 = arith.constant 0 : i32
        %dma_wait3A_274 = arith.constant 0 : i32
        %dma_wait3A_275 = tpu.memref_slice %arg6[%dma_wait3A_273, %dma_wait3A_274] : memref<10240x128xf32, #tpu.memory_space<vmem_shared>> -> memref<10240x128xf32, #tpu.memory_space<vmem_shared>>
        tpu.wait_indirect_dma semaphore(%run_scoped3A_263 : memref<!tpu.dma_semaphore, #tpu.memory_space<semaphore_mem>>) src(%arg9 : memref<128x128xf32, #tpu.memory_space<vmem>>) dst(%dma_wait3A_275 : memref<10240x128xf32, #tpu.memory_space<vmem_shared>>)
        tpu.yield
      }) : () -> ()
      %add3A_206 = arith.constant 1 : i32
      %add3A_207 = arith.addi %scan3A_144, %add3A_206 : i32
      %mul3A_208 = arith.constant 4 : i32
      %mul3A_209 = arith.muli %add3A_207, %mul3A_208 : i32
      %dma_wait3A_210 = arith.constant 0 : i32
      %dma_wait3A_211 = arith.constant 0 : i32
      %dma_wait3A_212 = tpu.memref_slice %arg7[%sub3A_147, %dma_wait3A_210, %dma_wait3A_211] : memref<2x4x128xi32, #tpu.memory_space<vmem>> -> memref<1x4x128xi32, #tpu.memory_space<vmem>>
      %dma_wait3A_213 = tpu.memref_squeeze %dma_wait3A_212 : memref<1x4x128xi32, #tpu.memory_space<vmem>> -> memref<4x128xi32, #tpu.memory_space<vmem>>
      %dma_wait3A_214 = arith.constant 0 : i32
      %dma_wait3A_215 = tpu.memref_slice %arg3[%add3A, %mul3A_209, %dma_wait3A_214] : memref<32x80x128xi32, #tpu.memory_space<hbm>> -> memref<1x4x128xi32, #tpu.memory_space<hbm>>
      %dma_wait3A_216 = tpu.memref_squeeze %dma_wait3A_215 : memref<1x4x128xi32, #tpu.memory_space<hbm>> -> memref<4x128xi32, #tpu.memory_space<hbm>>
      %dma_wait3A_217 = tpu.memref_slice %arg12[%sub3A_147] : memref<2x!tpu.dma_semaphore, #tpu.memory_space<semaphore_mem>> -> memref<1x!tpu.dma_semaphore, #tpu.memory_space<semaphore_mem>>
      %dma_wait3A_218 = tpu.memref_squeeze %dma_wait3A_217 : memref<1x!tpu.dma_semaphore, #tpu.memory_space<semaphore_mem>> -> memref<!tpu.dma_semaphore, #tpu.memory_space<semaphore_mem>>
      %dma_wait3A_219 = arith.constant 0 : i32
      %dma_wait3A_220 = arith.constant 0 : i32
      %dma_wait3A_221 = tpu.memref_slice %arg7[%sub3A_147, %dma_wait3A_219, %dma_wait3A_220] : memref<2x4x128xi32, #tpu.memory_space<vmem>> -> memref<1x4x128xi32, #tpu.memory_space<vmem>>
      %dma_wait3A_222 = tpu.memref_squeeze %dma_wait3A_221 : memref<1x4x128xi32, #tpu.memory_space<vmem>> -> memref<4x128xi32, #tpu.memory_space<vmem>>
      %dma_wait3A_223 = arith.constant 0 : i32
      %dma_wait3A_224 = tpu.memref_slice %arg3[%add3A, %mul3A_209, %dma_wait3A_223] : memref<32x80x128xi32, #tpu.memory_space<hbm>> -> memref<1x4x128xi32, #tpu.memory_space<hbm>>
      %dma_wait3A_225 = tpu.memref_squeeze %dma_wait3A_224 : memref<1x4x128xi32, #tpu.memory_space<hbm>> -> memref<4x128xi32, #tpu.memory_space<hbm>>
      tpu.wait_dma2 semaphore(%dma_wait3A_218 : memref<!tpu.dma_semaphore, #tpu.memory_space<semaphore_mem>>) src(%dma_wait3A_225 : memref<4x128xi32, #tpu.memory_space<hbm>>) dst(%dma_wait3A_222 : memref<4x128xi32, #tpu.memory_space<vmem>>)
      %dma_start3A_226 = arith.constant 0 : i32
      %dma_start3A_227 = arith.constant 0 : i32
      %dma_start3A_228 = arith.constant 0 : i32
      %dma_start3A_229 = tpu.memref_slice %arg7[%sub3A_147, %dma_start3A_226, %dma_start3A_228] : memref<2x4x128xi32, #tpu.memory_space<vmem>> -> memref<1x1x128xi32, #tpu.memory_space<vmem>>
      %dma_start3A_230 = tpu.memref_squeeze %dma_start3A_229 : memref<1x1x128xi32, #tpu.memory_space<vmem>> -> memref<128xi32, #tpu.memory_space<vmem>>
      %dma_start3A_231 = arith.constant 0 : i32
      %dma_start3A_232 = arith.constant 0 : i32
      %dma_start3A_233 = tpu.memref_slice %arg2[%dma_start3A_231, %dma_start3A_232] : memref<10240x128xf32, #tpu.memory_space<hbm>> -> memref<10240x128xf32, #tpu.memory_space<hbm>>
      %dma_start3A_234 = tpu.memref_slice %arg11[%dma_start3A_227] : memref<2x!tpu.dma_semaphore, #tpu.memory_space<semaphore_mem>> -> memref<1x!tpu.dma_semaphore, #tpu.memory_space<semaphore_mem>>
      %dma_start3A_235 = tpu.memref_squeeze %dma_start3A_234 : memref<1x!tpu.dma_semaphore, #tpu.memory_space<semaphore_mem>> -> memref<!tpu.dma_semaphore, #tpu.memory_space<semaphore_mem>>
      tpu.enqueue_indirect_dma source(%dma_start3A_233 : memref<10240x128xf32, #tpu.memory_space<hbm>>) target(%arg9 : memref<128x128xf32, #tpu.memory_space<vmem>>) offsets(%dma_start3A_230 : memref<128xi32, #tpu.memory_space<vmem>>) semaphore(%dma_start3A_235 : memref<!tpu.dma_semaphore, #tpu.memory_space<semaphore_mem>>)
      %dma_wait3A_236 = arith.constant 3 : i32
      %dma_wait3A_237 = arith.constant 1 : i32
      %dma_wait3A_238 = arith.constant 0 : i32
      %dma_wait3A_239 = tpu.memref_slice %arg7[%rem3A_146, %dma_wait3A_236, %dma_wait3A_238] : memref<2x4x128xi32, #tpu.memory_space<vmem>> -> memref<1x1x128xi32, #tpu.memory_space<vmem>>
      %dma_wait3A_240 = tpu.memref_squeeze %dma_wait3A_239 : memref<1x1x128xi32, #tpu.memory_space<vmem>> -> memref<128xi32, #tpu.memory_space<vmem>>
      %dma_wait3A_241 = arith.constant 0 : i32
      %dma_wait3A_242 = arith.constant 0 : i32
      %dma_wait3A_243 = tpu.memref_slice %arg2[%dma_wait3A_241, %dma_wait3A_242] : memref<10240x128xf32, #tpu.memory_space<hbm>> -> memref<10240x128xf32, #tpu.memory_space<hbm>>
      %dma_wait3A_244 = tpu.memref_slice %arg11[%dma_wait3A_237] : memref<2x!tpu.dma_semaphore, #tpu.memory_space<semaphore_mem>> -> memref<1x!tpu.dma_semaphore, #tpu.memory_space<semaphore_mem>>
      %dma_wait3A_245 = tpu.memref_squeeze %dma_wait3A_244 : memref<1x!tpu.dma_semaphore, #tpu.memory_space<semaphore_mem>> -> memref<!tpu.dma_semaphore, #tpu.memory_space<semaphore_mem>>
      tpu.wait_indirect_dma semaphore(%dma_wait3A_245 : memref<!tpu.dma_semaphore, #tpu.memory_space<semaphore_mem>>) src(%dma_wait3A_243 : memref<10240x128xf32, #tpu.memory_space<hbm>>) dst(%arg10 : memref<128x128xf32, #tpu.memory_space<vmem>>)
      %add3A_246 = arith.constant 3 : i32
      %add3A_247 = arith.addi %mul3A_149, %add3A_246 : i32
      "tpu.region"() ({
        %run_scoped3A_263 = tpu.sem_alloc : memref<!tpu.dma_semaphore, #tpu.memory_space<semaphore_mem>>
        %dma_start3A_264 = arith.constant 0 : i32
        %dma_start3A_265 = tpu.memref_slice %arg8[%add3A_247, %dma_start3A_264] : memref<80x128xi32, #tpu.memory_space<vmem>> -> memref<1x128xi32, #tpu.memory_space<vmem>>
        %dma_start3A_266 = tpu.memref_squeeze %dma_start3A_265 : memref<1x128xi32, #tpu.memory_space<vmem>> -> memref<128xi32, #tpu.memory_space<vmem>>
        %dma_start3A_267 = arith.constant 0 : i32
        %dma_start3A_268 = arith.constant 0 : i32
        %dma_start3A_269 = tpu.memref_slice %arg6[%dma_start3A_267, %dma_start3A_268] : memref<10240x128xf32, #tpu.memory_space<vmem_shared>> -> memref<10240x128xf32, #tpu.memory_space<vmem_shared>>
        tpu.enqueue_indirect_dma source(%arg10 : memref<128x128xf32, #tpu.memory_space<vmem>>) target(%dma_start3A_269 : memref<10240x128xf32, #tpu.memory_space<vmem_shared>>) offsets(%dma_start3A_266 : memref<128xi32, #tpu.memory_space<vmem>>) semaphore(%run_scoped3A_263 : memref<!tpu.dma_semaphore, #tpu.memory_space<semaphore_mem>>) {add = true}
        %dma_wait3A_270 = arith.constant 0 : i32
        %dma_wait3A_271 = tpu.memref_slice %arg8[%add3A_247, %dma_wait3A_270] : memref<80x128xi32, #tpu.memory_space<vmem>> -> memref<1x128xi32, #tpu.memory_space<vmem>>
        %dma_wait3A_272 = tpu.memref_squeeze %dma_wait3A_271 : memref<1x128xi32, #tpu.memory_space<vmem>> -> memref<128xi32, #tpu.memory_space<vmem>>
        %dma_wait3A_273 = arith.constant 0 : i32
        %dma_wait3A_274 = arith.constant 0 : i32
        %dma_wait3A_275 = tpu.memref_slice %arg6[%dma_wait3A_273, %dma_wait3A_274] : memref<10240x128xf32, #tpu.memory_space<vmem_shared>> -> memref<10240x128xf32, #tpu.memory_space<vmem_shared>>
        tpu.wait_indirect_dma semaphore(%run_scoped3A_263 : memref<!tpu.dma_semaphore, #tpu.memory_space<semaphore_mem>>) src(%arg10 : memref<128x128xf32, #tpu.memory_space<vmem>>) dst(%dma_wait3A_275 : memref<10240x128xf32, #tpu.memory_space<vmem_shared>>)
        tpu.yield
      }) : () -> ()
      %dma_start3A_248 = arith.constant 1 : i32
      %dma_start3A_249 = arith.constant 1 : i32
      %dma_start3A_250 = arith.constant 0 : i32
      %dma_start3A_251 = tpu.memref_slice %arg7[%sub3A_147, %dma_start3A_248, %dma_start3A_250] : memref<2x4x128xi32, #tpu.memory_space<vmem>> -> memref<1x1x128xi32, #tpu.memory_space<vmem>>
      %dma_start3A_252 = tpu.memref_squeeze %dma_start3A_251 : memref<1x1x128xi32, #tpu.memory_space<vmem>> -> memref<128xi32, #tpu.memory_space<vmem>>
      %dma_start3A_253 = arith.constant 0 : i32
      %dma_start3A_254 = arith.constant 0 : i32
      %dma_start3A_255 = tpu.memref_slice %arg2[%dma_start3A_253, %dma_start3A_254] : memref<10240x128xf32, #tpu.memory_space<hbm>> -> memref<10240x128xf32, #tpu.memory_space<hbm>>
      %dma_start3A_256 = tpu.memref_slice %arg11[%dma_start3A_249] : memref<2x!tpu.dma_semaphore, #tpu.memory_space<semaphore_mem>> -> memref<1x!tpu.dma_semaphore, #tpu.memory_space<semaphore_mem>>
      %dma_start3A_257 = tpu.memref_squeeze %dma_start3A_256 : memref<1x!tpu.dma_semaphore, #tpu.memory_space<semaphore_mem>> -> memref<!tpu.dma_semaphore, #tpu.memory_space<semaphore_mem>>
      tpu.enqueue_indirect_dma source(%dma_start3A_255 : memref<10240x128xf32, #tpu.memory_space<hbm>>) target(%arg10 : memref<128x128xf32, #tpu.memory_space<vmem>>) offsets(%dma_start3A_252 : memref<128xi32, #tpu.memory_space<vmem>>) semaphore(%dma_start3A_257 : memref<!tpu.dma_semaphore, #tpu.memory_space<semaphore_mem>>)
      %add3A_258 = arith.constant 2 : i32
      %add3A_259 = arith.addi %scan3A_144, %add3A_258 : i32
      %lt3A = arith.constant 20 : i32
      %lt3A_260 = arith.cmpi slt, %add3A_259, %lt3A : i32
      %convert_element_type3A = arith.extui %lt3A_260 : i1 to i32
      %cond3A = arith.constant 0 : i32
      %cond3A_261 = arith.cmpi ne, %convert_element_type3A, %cond3A : i32
      scf.if %cond3A_261 {
        %add3A_263 = arith.constant 2 : i32
        %add3A_264 = arith.addi %scan3A_144, %add3A_263 : i32
        %mul3A_265 = arith.constant 4 : i32
        %mul3A_266 = arith.muli %add3A_264, %mul3A_265 : i32
        %dma_start3A_267 = arith.constant 0 : i32
        %dma_start3A_268 = arith.constant 0 : i32
        %dma_start3A_269 = tpu.memref_slice %arg7[%rem3A_146, %dma_start3A_267, %dma_start3A_268] : memref<2x4x128xi32, #tpu.memory_space<vmem>> -> memref<1x4x128xi32, #tpu.memory_space<vmem>>
        %dma_start3A_270 = tpu.memref_squeeze %dma_start3A_269 : memref<1x4x128xi32, #tpu.memory_space<vmem>> -> memref<4x128xi32, #tpu.memory_space<vmem>>
        %dma_start3A_271 = arith.constant 0 : i32
        %dma_start3A_272 = tpu.memref_slice %arg3[%add3A, %mul3A_266, %dma_start3A_271] : memref<32x80x128xi32, #tpu.memory_space<hbm>> -> memref<1x4x128xi32, #tpu.memory_space<hbm>>
        %dma_start3A_273 = tpu.memref_squeeze %dma_start3A_272 : memref<1x4x128xi32, #tpu.memory_space<hbm>> -> memref<4x128xi32, #tpu.memory_space<hbm>>
        %dma_start3A_274 = tpu.memref_slice %arg12[%rem3A_146] : memref<2x!tpu.dma_semaphore, #tpu.memory_space<semaphore_mem>> -> memref<1x!tpu.dma_semaphore, #tpu.memory_space<semaphore_mem>>
        %dma_start3A_275 = tpu.memref_squeeze %dma_start3A_274 : memref<1x!tpu.dma_semaphore, #tpu.memory_space<semaphore_mem>> -> memref<!tpu.dma_semaphore, #tpu.memory_space<semaphore_mem>>
        %dma_start3A_276 = arith.constant 0 : i32
        %dma_start3A_277 = arith.constant 0 : i32
        %dma_start3A_278 = tpu.memref_slice %arg7[%rem3A_146, %dma_start3A_276, %dma_start3A_277] : memref<2x4x128xi32, #tpu.memory_space<vmem>> -> memref<1x4x128xi32, #tpu.memory_space<vmem>>
        %dma_start3A_279 = tpu.memref_squeeze %dma_start3A_278 : memref<1x4x128xi32, #tpu.memory_space<vmem>> -> memref<4x128xi32, #tpu.memory_space<vmem>>
        %dma_start3A_280 = arith.constant 0 : i32
        %dma_start3A_281 = tpu.memref_slice %arg3[%add3A, %mul3A_266, %dma_start3A_280] : memref<32x80x128xi32, #tpu.memory_space<hbm>> -> memref<1x4x128xi32, #tpu.memory_space<hbm>>
        %dma_start3A_282 = tpu.memref_squeeze %dma_start3A_281 : memref<1x4x128xi32, #tpu.memory_space<hbm>> -> memref<4x128xi32, #tpu.memory_space<hbm>>
        tpu.enqueue_dma source(%dma_start3A_282 : memref<4x128xi32, #tpu.memory_space<hbm>>) target(%dma_start3A_279 : memref<4x128xi32, #tpu.memory_space<vmem>>) target_semaphore(%dma_start3A_275 : memref<!tpu.dma_semaphore, #tpu.memory_space<semaphore_mem>>)
      } else {
      }
      %scan3A_262 = arith.constant 0 : i32
      scf.yield %scan3A_262 : i32
    }
    %scan3A_66 = arith.constant 19 : i32
    %dma_wait3A = arith.constant 1 : i32
    %dma_wait3A_67 = arith.constant 0 : i32
    %dma_wait3A_68 = arith.constant 0 : i32
    %dma_wait3A_69 = arith.constant 0 : i32
    %dma_wait3A_70 = tpu.memref_slice %arg7[%dma_wait3A, %dma_wait3A_67, %dma_wait3A_69] : memref<2x4x128xi32, #tpu.memory_space<vmem>> -> memref<1x1x128xi32, #tpu.memory_space<vmem>>
    %dma_wait3A_71 = tpu.memref_squeeze %dma_wait3A_70 : memref<1x1x128xi32, #tpu.memory_space<vmem>> -> memref<128xi32, #tpu.memory_space<vmem>>
    %dma_wait3A_72 = arith.constant 0 : i32
    %dma_wait3A_73 = arith.constant 0 : i32
    %dma_wait3A_74 = tpu.memref_slice %arg2[%dma_wait3A_72, %dma_wait3A_73] : memref<10240x128xf32, #tpu.memory_space<hbm>> -> memref<10240x128xf32, #tpu.memory_space<hbm>>
    %dma_wait3A_75 = tpu.memref_slice %arg11[%dma_wait3A_68] : memref<2x!tpu.dma_semaphore, #tpu.memory_space<semaphore_mem>> -> memref<1x!tpu.dma_semaphore, #tpu.memory_space<semaphore_mem>>
    %dma_wait3A_76 = tpu.memref_squeeze %dma_wait3A_75 : memref<1x!tpu.dma_semaphore, #tpu.memory_space<semaphore_mem>> -> memref<!tpu.dma_semaphore, #tpu.memory_space<semaphore_mem>>
    tpu.wait_indirect_dma semaphore(%dma_wait3A_76 : memref<!tpu.dma_semaphore, #tpu.memory_space<semaphore_mem>>) src(%dma_wait3A_74 : memref<10240x128xf32, #tpu.memory_space<hbm>>) dst(%arg9 : memref<128x128xf32, #tpu.memory_space<vmem>>)
    %run_scoped3A_77 = arith.constant 76 : i32
    "tpu.region"() ({
      %run_scoped3A_144 = tpu.sem_alloc : memref<!tpu.dma_semaphore, #tpu.memory_space<semaphore_mem>>
      %dma_start3A_145 = arith.constant 0 : i32
      %dma_start3A_146 = tpu.memref_slice %arg8[%run_scoped3A_77, %dma_start3A_145] : memref<80x128xi32, #tpu.memory_space<vmem>> -> memref<1x128xi32, #tpu.memory_space<vmem>>
      %dma_start3A_147 = tpu.memref_squeeze %dma_start3A_146 : memref<1x128xi32, #tpu.memory_space<vmem>> -> memref<128xi32, #tpu.memory_space<vmem>>
      %dma_start3A_148 = arith.constant 0 : i32
      %dma_start3A_149 = arith.constant 0 : i32
      %dma_start3A_150 = tpu.memref_slice %arg6[%dma_start3A_148, %dma_start3A_149] : memref<10240x128xf32, #tpu.memory_space<vmem_shared>> -> memref<10240x128xf32, #tpu.memory_space<vmem_shared>>
      tpu.enqueue_indirect_dma source(%arg9 : memref<128x128xf32, #tpu.memory_space<vmem>>) target(%dma_start3A_150 : memref<10240x128xf32, #tpu.memory_space<vmem_shared>>) offsets(%dma_start3A_147 : memref<128xi32, #tpu.memory_space<vmem>>) semaphore(%run_scoped3A_144 : memref<!tpu.dma_semaphore, #tpu.memory_space<semaphore_mem>>) {add = true}
      %dma_wait3A_151 = arith.constant 0 : i32
      %dma_wait3A_152 = tpu.memref_slice %arg8[%run_scoped3A_77, %dma_wait3A_151] : memref<80x128xi32, #tpu.memory_space<vmem>> -> memref<1x128xi32, #tpu.memory_space<vmem>>
      %dma_wait3A_153 = tpu.memref_squeeze %dma_wait3A_152 : memref<1x128xi32, #tpu.memory_space<vmem>> -> memref<128xi32, #tpu.memory_space<vmem>>
      %dma_wait3A_154 = arith.constant 0 : i32
      %dma_wait3A_155 = arith.constant 0 : i32
      %dma_wait3A_156 = tpu.memref_slice %arg6[%dma_wait3A_154, %dma_wait3A_155] : memref<10240x128xf32, #tpu.memory_space<vmem_shared>> -> memref<10240x128xf32, #tpu.memory_space<vmem_shared>>
      tpu.wait_indirect_dma semaphore(%run_scoped3A_144 : memref<!tpu.dma_semaphore, #tpu.memory_space<semaphore_mem>>) src(%arg9 : memref<128x128xf32, #tpu.memory_space<vmem>>) dst(%dma_wait3A_156 : memref<10240x128xf32, #tpu.memory_space<vmem_shared>>)
      tpu.yield
    }) : () -> ()
    %dma_start3A_78 = arith.constant 1 : i32
    %dma_start3A_79 = arith.constant 2 : i32
    %dma_start3A_80 = arith.constant 0 : i32
    %dma_start3A_81 = arith.constant 0 : i32
    %dma_start3A_82 = tpu.memref_slice %arg7[%dma_start3A_78, %dma_start3A_79, %dma_start3A_81] : memref<2x4x128xi32, #tpu.memory_space<vmem>> -> memref<1x1x128xi32, #tpu.memory_space<vmem>>
    %dma_start3A_83 = tpu.memref_squeeze %dma_start3A_82 : memref<1x1x128xi32, #tpu.memory_space<vmem>> -> memref<128xi32, #tpu.memory_space<vmem>>
    %dma_start3A_84 = arith.constant 0 : i32
    %dma_start3A_85 = arith.constant 0 : i32
    %dma_start3A_86 = tpu.memref_slice %arg2[%dma_start3A_84, %dma_start3A_85] : memref<10240x128xf32, #tpu.memory_space<hbm>> -> memref<10240x128xf32, #tpu.memory_space<hbm>>
    %dma_start3A_87 = tpu.memref_slice %arg11[%dma_start3A_80] : memref<2x!tpu.dma_semaphore, #tpu.memory_space<semaphore_mem>> -> memref<1x!tpu.dma_semaphore, #tpu.memory_space<semaphore_mem>>
    %dma_start3A_88 = tpu.memref_squeeze %dma_start3A_87 : memref<1x!tpu.dma_semaphore, #tpu.memory_space<semaphore_mem>> -> memref<!tpu.dma_semaphore, #tpu.memory_space<semaphore_mem>>
    tpu.enqueue_indirect_dma source(%dma_start3A_86 : memref<10240x128xf32, #tpu.memory_space<hbm>>) target(%arg9 : memref<128x128xf32, #tpu.memory_space<vmem>>) offsets(%dma_start3A_83 : memref<128xi32, #tpu.memory_space<vmem>>) semaphore(%dma_start3A_88 : memref<!tpu.dma_semaphore, #tpu.memory_space<semaphore_mem>>)
    %dma_wait3A_89 = arith.constant 1 : i32
    %dma_wait3A_90 = arith.constant 1 : i32
    %dma_wait3A_91 = arith.constant 1 : i32
    %dma_wait3A_92 = arith.constant 0 : i32
    %dma_wait3A_93 = tpu.memref_slice %arg7[%dma_wait3A_89, %dma_wait3A_90, %dma_wait3A_92] : memref<2x4x128xi32, #tpu.memory_space<vmem>> -> memref<1x1x128xi32, #tpu.memory_space<vmem>>
    %dma_wait3A_94 = tpu.memref_squeeze %dma_wait3A_93 : memref<1x1x128xi32, #tpu.memory_space<vmem>> -> memref<128xi32, #tpu.memory_space<vmem>>
    %dma_wait3A_95 = arith.constant 0 : i32
    %dma_wait3A_96 = arith.constant 0 : i32
    %dma_wait3A_97 = tpu.memref_slice %arg2[%dma_wait3A_95, %dma_wait3A_96] : memref<10240x128xf32, #tpu.memory_space<hbm>> -> memref<10240x128xf32, #tpu.memory_space<hbm>>
    %dma_wait3A_98 = tpu.memref_slice %arg11[%dma_wait3A_91] : memref<2x!tpu.dma_semaphore, #tpu.memory_space<semaphore_mem>> -> memref<1x!tpu.dma_semaphore, #tpu.memory_space<semaphore_mem>>
    %dma_wait3A_99 = tpu.memref_squeeze %dma_wait3A_98 : memref<1x!tpu.dma_semaphore, #tpu.memory_space<semaphore_mem>> -> memref<!tpu.dma_semaphore, #tpu.memory_space<semaphore_mem>>
    tpu.wait_indirect_dma semaphore(%dma_wait3A_99 : memref<!tpu.dma_semaphore, #tpu.memory_space<semaphore_mem>>) src(%dma_wait3A_97 : memref<10240x128xf32, #tpu.memory_space<hbm>>) dst(%arg10 : memref<128x128xf32, #tpu.memory_space<vmem>>)
    %run_scoped3A_100 = arith.constant 77 : i32
    "tpu.region"() ({
      %run_scoped3A_144 = tpu.sem_alloc : memref<!tpu.dma_semaphore, #tpu.memory_space<semaphore_mem>>
      %dma_start3A_145 = arith.constant 0 : i32
      %dma_start3A_146 = tpu.memref_slice %arg8[%run_scoped3A_100, %dma_start3A_145] : memref<80x128xi32, #tpu.memory_space<vmem>> -> memref<1x128xi32, #tpu.memory_space<vmem>>
      %dma_start3A_147 = tpu.memref_squeeze %dma_start3A_146 : memref<1x128xi32, #tpu.memory_space<vmem>> -> memref<128xi32, #tpu.memory_space<vmem>>
      %dma_start3A_148 = arith.constant 0 : i32
      %dma_start3A_149 = arith.constant 0 : i32
      %dma_start3A_150 = tpu.memref_slice %arg6[%dma_start3A_148, %dma_start3A_149] : memref<10240x128xf32, #tpu.memory_space<vmem_shared>> -> memref<10240x128xf32, #tpu.memory_space<vmem_shared>>
      tpu.enqueue_indirect_dma source(%arg10 : memref<128x128xf32, #tpu.memory_space<vmem>>) target(%dma_start3A_150 : memref<10240x128xf32, #tpu.memory_space<vmem_shared>>) offsets(%dma_start3A_147 : memref<128xi32, #tpu.memory_space<vmem>>) semaphore(%run_scoped3A_144 : memref<!tpu.dma_semaphore, #tpu.memory_space<semaphore_mem>>) {add = true}
      %dma_wait3A_151 = arith.constant 0 : i32
      %dma_wait3A_152 = tpu.memref_slice %arg8[%run_scoped3A_100, %dma_wait3A_151] : memref<80x128xi32, #tpu.memory_space<vmem>> -> memref<1x128xi32, #tpu.memory_space<vmem>>
      %dma_wait3A_153 = tpu.memref_squeeze %dma_wait3A_152 : memref<1x128xi32, #tpu.memory_space<vmem>> -> memref<128xi32, #tpu.memory_space<vmem>>
      %dma_wait3A_154 = arith.constant 0 : i32
      %dma_wait3A_155 = arith.constant 0 : i32
      %dma_wait3A_156 = tpu.memref_slice %arg6[%dma_wait3A_154, %dma_wait3A_155] : memref<10240x128xf32, #tpu.memory_space<vmem_shared>> -> memref<10240x128xf32, #tpu.memory_space<vmem_shared>>
      tpu.wait_indirect_dma semaphore(%run_scoped3A_144 : memref<!tpu.dma_semaphore, #tpu.memory_space<semaphore_mem>>) src(%arg10 : memref<128x128xf32, #tpu.memory_space<vmem>>) dst(%dma_wait3A_156 : memref<10240x128xf32, #tpu.memory_space<vmem_shared>>)
      tpu.yield
    }) : () -> ()
    %dma_start3A_101 = arith.constant 1 : i32
    %dma_start3A_102 = arith.constant 3 : i32
    %dma_start3A_103 = arith.constant 1 : i32
    %dma_start3A_104 = arith.constant 0 : i32
    %dma_start3A_105 = tpu.memref_slice %arg7[%dma_start3A_101, %dma_start3A_102, %dma_start3A_104] : memref<2x4x128xi32, #tpu.memory_space<vmem>> -> memref<1x1x128xi32, #tpu.memory_space<vmem>>
    %dma_start3A_106 = tpu.memref_squeeze %dma_start3A_105 : memref<1x1x128xi32, #tpu.memory_space<vmem>> -> memref<128xi32, #tpu.memory_space<vmem>>
    %dma_start3A_107 = arith.constant 0 : i32
    %dma_start3A_108 = arith.constant 0 : i32
    %dma_start3A_109 = tpu.memref_slice %arg2[%dma_start3A_107, %dma_start3A_108] : memref<10240x128xf32, #tpu.memory_space<hbm>> -> memref<10240x128xf32, #tpu.memory_space<hbm>>
    %dma_start3A_110 = tpu.memref_slice %arg11[%dma_start3A_103] : memref<2x!tpu.dma_semaphore, #tpu.memory_space<semaphore_mem>> -> memref<1x!tpu.dma_semaphore, #tpu.memory_space<semaphore_mem>>
    %dma_start3A_111 = tpu.memref_squeeze %dma_start3A_110 : memref<1x!tpu.dma_semaphore, #tpu.memory_space<semaphore_mem>> -> memref<!tpu.dma_semaphore, #tpu.memory_space<semaphore_mem>>
    tpu.enqueue_indirect_dma source(%dma_start3A_109 : memref<10240x128xf32, #tpu.memory_space<hbm>>) target(%arg10 : memref<128x128xf32, #tpu.memory_space<vmem>>) offsets(%dma_start3A_106 : memref<128xi32, #tpu.memory_space<vmem>>) semaphore(%dma_start3A_111 : memref<!tpu.dma_semaphore, #tpu.memory_space<semaphore_mem>>)
    %dma_wait3A_112 = arith.constant 1 : i32
    %dma_wait3A_113 = arith.constant 2 : i32
    %dma_wait3A_114 = arith.constant 0 : i32
    %dma_wait3A_115 = arith.constant 0 : i32
    %dma_wait3A_116 = tpu.memref_slice %arg7[%dma_wait3A_112, %dma_wait3A_113, %dma_wait3A_115] : memref<2x4x128xi32, #tpu.memory_space<vmem>> -> memref<1x1x128xi32, #tpu.memory_space<vmem>>
    %dma_wait3A_117 = tpu.memref_squeeze %dma_wait3A_116 : memref<1x1x128xi32, #tpu.memory_space<vmem>> -> memref<128xi32, #tpu.memory_space<vmem>>
    %dma_wait3A_118 = arith.constant 0 : i32
    %dma_wait3A_119 = arith.constant 0 : i32
    %dma_wait3A_120 = tpu.memref_slice %arg2[%dma_wait3A_118, %dma_wait3A_119] : memref<10240x128xf32, #tpu.memory_space<hbm>> -> memref<10240x128xf32, #tpu.memory_space<hbm>>
    %dma_wait3A_121 = tpu.memref_slice %arg11[%dma_wait3A_114] : memref<2x!tpu.dma_semaphore, #tpu.memory_space<semaphore_mem>> -> memref<1x!tpu.dma_semaphore, #tpu.memory_space<semaphore_mem>>
    %dma_wait3A_122 = tpu.memref_squeeze %dma_wait3A_121 : memref<1x!tpu.dma_semaphore, #tpu.memory_space<semaphore_mem>> -> memref<!tpu.dma_semaphore, #tpu.memory_space<semaphore_mem>>
    tpu.wait_indirect_dma semaphore(%dma_wait3A_122 : memref<!tpu.dma_semaphore, #tpu.memory_space<semaphore_mem>>) src(%dma_wait3A_120 : memref<10240x128xf32, #tpu.memory_space<hbm>>) dst(%arg9 : memref<128x128xf32, #tpu.memory_space<vmem>>)
    %run_scoped3A_123 = arith.constant 78 : i32
    "tpu.region"() ({
      %run_scoped3A_144 = tpu.sem_alloc : memref<!tpu.dma_semaphore, #tpu.memory_space<semaphore_mem>>
      %dma_start3A_145 = arith.constant 0 : i32
      %dma_start3A_146 = tpu.memref_slice %arg8[%run_scoped3A_123, %dma_start3A_145] : memref<80x128xi32, #tpu.memory_space<vmem>> -> memref<1x128xi32, #tpu.memory_space<vmem>>
      %dma_start3A_147 = tpu.memref_squeeze %dma_start3A_146 : memref<1x128xi32, #tpu.memory_space<vmem>> -> memref<128xi32, #tpu.memory_space<vmem>>
      %dma_start3A_148 = arith.constant 0 : i32
      %dma_start3A_149 = arith.constant 0 : i32
      %dma_start3A_150 = tpu.memref_slice %arg6[%dma_start3A_148, %dma_start3A_149] : memref<10240x128xf32, #tpu.memory_space<vmem_shared>> -> memref<10240x128xf32, #tpu.memory_space<vmem_shared>>
      tpu.enqueue_indirect_dma source(%arg9 : memref<128x128xf32, #tpu.memory_space<vmem>>) target(%dma_start3A_150 : memref<10240x128xf32, #tpu.memory_space<vmem_shared>>) offsets(%dma_start3A_147 : memref<128xi32, #tpu.memory_space<vmem>>) semaphore(%run_scoped3A_144 : memref<!tpu.dma_semaphore, #tpu.memory_space<semaphore_mem>>) {add = true}
      %dma_wait3A_151 = arith.constant 0 : i32
      %dma_wait3A_152 = tpu.memref_slice %arg8[%run_scoped3A_123, %dma_wait3A_151] : memref<80x128xi32, #tpu.memory_space<vmem>> -> memref<1x128xi32, #tpu.memory_space<vmem>>
      %dma_wait3A_153 = tpu.memref_squeeze %dma_wait3A_152 : memref<1x128xi32, #tpu.memory_space<vmem>> -> memref<128xi32, #tpu.memory_space<vmem>>
      %dma_wait3A_154 = arith.constant 0 : i32
      %dma_wait3A_155 = arith.constant 0 : i32
      %dma_wait3A_156 = tpu.memref_slice %arg6[%dma_wait3A_154, %dma_wait3A_155] : memref<10240x128xf32, #tpu.memory_space<vmem_shared>> -> memref<10240x128xf32, #tpu.memory_space<vmem_shared>>
      tpu.wait_indirect_dma semaphore(%run_scoped3A_144 : memref<!tpu.dma_semaphore, #tpu.memory_space<semaphore_mem>>) src(%arg9 : memref<128x128xf32, #tpu.memory_space<vmem>>) dst(%dma_wait3A_156 : memref<10240x128xf32, #tpu.memory_space<vmem_shared>>)
      tpu.yield
    }) : () -> ()
    %dma_wait3A_124 = arith.constant 1 : i32
    %dma_wait3A_125 = arith.constant 3 : i32
    %dma_wait3A_126 = arith.constant 1 : i32
    %dma_wait3A_127 = arith.constant 0 : i32
    %dma_wait3A_128 = tpu.memref_slice %arg7[%dma_wait3A_124, %dma_wait3A_125, %dma_wait3A_127] : memref<2x4x128xi32, #tpu.memory_space<vmem>> -> memref<1x1x128xi32, #tpu.memory_space<vmem>>
    %dma_wait3A_129 = tpu.memref_squeeze %dma_wait3A_128 : memref<1x1x128xi32, #tpu.memory_space<vmem>> -> memref<128xi32, #tpu.memory_space<vmem>>
    %dma_wait3A_130 = arith.constant 0 : i32
    %dma_wait3A_131 = arith.constant 0 : i32
    %dma_wait3A_132 = tpu.memref_slice %arg2[%dma_wait3A_130, %dma_wait3A_131] : memref<10240x128xf32, #tpu.memory_space<hbm>> -> memref<10240x128xf32, #tpu.memory_space<hbm>>
    %dma_wait3A_133 = tpu.memref_slice %arg11[%dma_wait3A_126] : memref<2x!tpu.dma_semaphore, #tpu.memory_space<semaphore_mem>> -> memref<1x!tpu.dma_semaphore, #tpu.memory_space<semaphore_mem>>
    %dma_wait3A_134 = tpu.memref_squeeze %dma_wait3A_133 : memref<1x!tpu.dma_semaphore, #tpu.memory_space<semaphore_mem>> -> memref<!tpu.dma_semaphore, #tpu.memory_space<semaphore_mem>>
    tpu.wait_indirect_dma semaphore(%dma_wait3A_134 : memref<!tpu.dma_semaphore, #tpu.memory_space<semaphore_mem>>) src(%dma_wait3A_132 : memref<10240x128xf32, #tpu.memory_space<hbm>>) dst(%arg10 : memref<128x128xf32, #tpu.memory_space<vmem>>)
    %run_scoped3A_135 = arith.constant 79 : i32
    "tpu.region"() ({
      %run_scoped3A_144 = tpu.sem_alloc : memref<!tpu.dma_semaphore, #tpu.memory_space<semaphore_mem>>
      %dma_start3A_145 = arith.constant 0 : i32
      %dma_start3A_146 = tpu.memref_slice %arg8[%run_scoped3A_135, %dma_start3A_145] : memref<80x128xi32, #tpu.memory_space<vmem>> -> memref<1x128xi32, #tpu.memory_space<vmem>>
      %dma_start3A_147 = tpu.memref_squeeze %dma_start3A_146 : memref<1x128xi32, #tpu.memory_space<vmem>> -> memref<128xi32, #tpu.memory_space<vmem>>
      %dma_start3A_148 = arith.constant 0 : i32
      %dma_start3A_149 = arith.constant 0 : i32
      %dma_start3A_150 = tpu.memref_slice %arg6[%dma_start3A_148, %dma_start3A_149] : memref<10240x128xf32, #tpu.memory_space<vmem_shared>> -> memref<10240x128xf32, #tpu.memory_space<vmem_shared>>
      tpu.enqueue_indirect_dma source(%arg10 : memref<128x128xf32, #tpu.memory_space<vmem>>) target(%dma_start3A_150 : memref<10240x128xf32, #tpu.memory_space<vmem_shared>>) offsets(%dma_start3A_147 : memref<128xi32, #tpu.memory_space<vmem>>) semaphore(%run_scoped3A_144 : memref<!tpu.dma_semaphore, #tpu.memory_space<semaphore_mem>>) {add = true}
      %dma_wait3A_151 = arith.constant 0 : i32
      %dma_wait3A_152 = tpu.memref_slice %arg8[%run_scoped3A_135, %dma_wait3A_151] : memref<80x128xi32, #tpu.memory_space<vmem>> -> memref<1x128xi32, #tpu.memory_space<vmem>>
      %dma_wait3A_153 = tpu.memref_squeeze %dma_wait3A_152 : memref<1x128xi32, #tpu.memory_space<vmem>> -> memref<128xi32, #tpu.memory_space<vmem>>
      %dma_wait3A_154 = arith.constant 0 : i32
      %dma_wait3A_155 = arith.constant 0 : i32
      %dma_wait3A_156 = tpu.memref_slice %arg6[%dma_wait3A_154, %dma_wait3A_155] : memref<10240x128xf32, #tpu.memory_space<vmem_shared>> -> memref<10240x128xf32, #tpu.memory_space<vmem_shared>>
      tpu.wait_indirect_dma semaphore(%run_scoped3A_144 : memref<!tpu.dma_semaphore, #tpu.memory_space<semaphore_mem>>) src(%arg10 : memref<128x128xf32, #tpu.memory_space<vmem>>) dst(%dma_wait3A_156 : memref<10240x128xf32, #tpu.memory_space<vmem_shared>>)
      tpu.yield
    }) : () -> ()
    %barrier3A_136 = arith.constant 0 : index
    tpu.barrier barrier_id(%barrier3A_136)
    %scan3A_137 = arith.constant 0 : i32
    %scan3A_138 = arith.constant 0 : i32
    %scan3A_139 = arith.constant 5 : i32
    %scan3A_140 = arith.addi %scan3A_138, %scan3A_139 : i32
    %scan3A_141 = arith.constant 1 : i32
    %scan3A_142 = scf.for %scan3A_144 = %scan3A_138 to %scan3A_140 step %scan3A_141 iter_args(%scan3A_145 = %scan3A_137) -> (i32)  : i32 {
      %mul3A_146 = arith.constant 128 : i32
      %mul3A_147 = arith.muli %scan3A_144, %mul3A_146 : i32
      %add3A_148 = arith.addi %mul3A_2, %mul3A_147 : i32
      "tpu.region"() ({
        %run_scoped3A_153 = tpu.sem_alloc : memref<!tpu.dma_semaphore, #tpu.memory_space<semaphore_mem>>
        %dma_start3A_154 = arith.constant 0 : i32
        %dma_start3A_155 = tpu.memref_slice %arg6[%add3A_148, %dma_start3A_154] : memref<10240x128xf32, #tpu.memory_space<vmem_shared>> -> memref<128x128xf32, #tpu.memory_space<vmem_shared>>
        %dma_start3A_156 = arith.constant 0 : i32
        %dma_start3A_157 = tpu.memref_slice %arg6[%add3A_148, %dma_start3A_156] : memref<10240x128xf32, #tpu.memory_space<vmem_shared>> -> memref<128x128xf32, #tpu.memory_space<vmem_shared>>
        tpu.enqueue_dma source(%dma_start3A_157 : memref<128x128xf32, #tpu.memory_space<vmem_shared>>) target(%arg9 : memref<128x128xf32, #tpu.memory_space<vmem>>) target_semaphore(%run_scoped3A_153 : memref<!tpu.dma_semaphore, #tpu.memory_space<semaphore_mem>>)
        %dma_wait3A_158 = arith.constant 0 : i32
        %dma_wait3A_159 = tpu.memref_slice %arg6[%add3A_148, %dma_wait3A_158] : memref<10240x128xf32, #tpu.memory_space<vmem_shared>> -> memref<128x128xf32, #tpu.memory_space<vmem_shared>>
        %dma_wait3A_160 = arith.constant 0 : i32
        %dma_wait3A_161 = tpu.memref_slice %arg6[%add3A_148, %dma_wait3A_160] : memref<10240x128xf32, #tpu.memory_space<vmem_shared>> -> memref<128x128xf32, #tpu.memory_space<vmem_shared>>
        tpu.wait_dma2 semaphore(%run_scoped3A_153 : memref<!tpu.dma_semaphore, #tpu.memory_space<semaphore_mem>>) src(%dma_wait3A_161 : memref<128x128xf32, #tpu.memory_space<vmem_shared>>) dst(%arg9 : memref<128x128xf32, #tpu.memory_space<vmem>>)
        tpu.yield
      }) : () -> ()
      %mul3A_149 = arith.constant 128 : i32
      %mul3A_150 = arith.muli %scan3A_144, %mul3A_149 : i32
      %add3A_151 = arith.addi %mul3A_2, %mul3A_150 : i32
      "tpu.region"() ({
        %run_scoped3A_153 = tpu.sem_alloc : memref<!tpu.dma_semaphore, #tpu.memory_space<semaphore_mem>>
        %dma_start3A_154 = arith.constant 0 : i32
        %dma_start3A_155 = tpu.memref_slice %arg5[%arg0, %add3A_151, %dma_start3A_154] : memref<2x10240x128xf32, #tpu.memory_space<hbm>> -> memref<1x128x128xf32, #tpu.memory_space<hbm>>
        %dma_start3A_156 = tpu.memref_squeeze %dma_start3A_155 : memref<1x128x128xf32, #tpu.memory_space<hbm>> -> memref<128x128xf32, #tpu.memory_space<hbm>>
        %dma_start3A_157 = arith.constant 0 : i32
        %dma_start3A_158 = tpu.memref_slice %arg5[%arg0, %add3A_151, %dma_start3A_157] : memref<2x10240x128xf32, #tpu.memory_space<hbm>> -> memref<1x128x128xf32, #tpu.memory_space<hbm>>
        %dma_start3A_159 = tpu.memref_squeeze %dma_start3A_158 : memref<1x128x128xf32, #tpu.memory_space<hbm>> -> memref<128x128xf32, #tpu.memory_space<hbm>>
        tpu.enqueue_dma source(%arg9 : memref<128x128xf32, #tpu.memory_space<vmem>>) target(%dma_start3A_159 : memref<128x128xf32, #tpu.memory_space<hbm>>) target_semaphore(%run_scoped3A_153 : memref<!tpu.dma_semaphore, #tpu.memory_space<semaphore_mem>>)
        %dma_wait3A_160 = arith.constant 0 : i32
        %dma_wait3A_161 = tpu.memref_slice %arg5[%arg0, %add3A_151, %dma_wait3A_160] : memref<2x10240x128xf32, #tpu.memory_space<hbm>> -> memref<1x128x128xf32, #tpu.memory_space<hbm>>
        %dma_wait3A_162 = tpu.memref_squeeze %dma_wait3A_161 : memref<1x128x128xf32, #tpu.memory_space<hbm>> -> memref<128x128xf32, #tpu.memory_space<hbm>>
        %dma_wait3A_163 = arith.constant 0 : i32
        %dma_wait3A_164 = tpu.memref_slice %arg5[%arg0, %add3A_151, %dma_wait3A_163] : memref<2x10240x128xf32, #tpu.memory_space<hbm>> -> memref<1x128x128xf32, #tpu.memory_space<hbm>>
        %dma_wait3A_165 = tpu.memref_squeeze %dma_wait3A_164 : memref<1x128x128xf32, #tpu.memory_space<hbm>> -> memref<128x128xf32, #tpu.memory_space<hbm>>
        tpu.wait_dma2 semaphore(%run_scoped3A_153 : memref<!tpu.dma_semaphore, #tpu.memory_space<semaphore_mem>>) src(%arg9 : memref<128x128xf32, #tpu.memory_space<vmem>>) dst(%dma_wait3A_165 : memref<128x128xf32, #tpu.memory_space<hbm>>)
        tpu.yield
      }) : () -> ()
      %scan3A_152 = arith.constant 0 : i32
      scf.yield %scan3A_152 : i32
    }
    %scan3A_143 = arith.constant 5 : i32
    return
  }
}

module attributes {stable_mosaic.version = 14 : i64} {
  func.func @body(%arg0: i32, %arg1: memref<1024x128xf32, #tpu.memory_space<vmem>>, %arg2: memref<128x128xf32, #tpu.memory_space<vmem>>, %arg3: memref<1024x128xf32, #tpu.memory_space<vmem>>) attributes {dimension_semantics = [#tpu.dimension_semantics<arbitrary>], iteration_bounds = array<i64: 10>, scalar_prefetch = 0 : i64, scratch_operands = 0 : i64, tpu.core_type = #tpu.core_type<tc>, window_params = [{transform_indices = @transform_0, window_bounds = array<i64: 1024, 128>}, {pipeline_mode = #tpu.pipeline_mode<synchronous>, transform_indices = @transform_1, window_bounds = array<i64: 128, 128>}, {transform_indices = @transform_2, window_bounds = array<i64: 1024, 128>}]} {
    %get3A = arith.constant 0 : index
    %get3A_0 = arith.constant 0 : index
    %get3A_1 = vector.load %arg1[%get3A, %get3A_0] : memref<1024x128xf32, #tpu.memory_space<vmem>>, vector<1024x128xf32>
    %get3A_2 = arith.constant 0 : index
    %get3A_3 = arith.constant 0 : index
    %get3A_4 = vector.load %arg2[%get3A_2, %get3A_3] : memref<128x128xf32, #tpu.memory_space<vmem>>, vector<128x128xf32>
    %dot_general3A = arith.constant dense<0.000000e+00> : vector<1024x128xf32>
    %dot_general3A_5 = tpu.matmul %get3A_1, %get3A_4, %dot_general3A {dimension_numbers = #tpu.dot_dimension_numbers<[1], [0], [0], [1], [0, 0, 1, 1], [], []>, transpose_lhs_hint = false} : vector<1024x128xf32>, vector<128x128xf32>, vector<1024x128xf32> -> vector<1024x128xf32>
    %swap3A = arith.constant 0 : index
    %swap3A_6 = arith.constant 0 : index
    %swap3A_7 = vector.load %arg3[%swap3A, %swap3A_6] : memref<1024x128xf32, #tpu.memory_space<vmem>>, vector<1024x128xf32>
    tpu.vector_store %arg3[%swap3A, %swap3A_6], %dot_general3A_5 {strides = array<i32>} : memref<1024x128xf32, #tpu.memory_space<vmem>>, vector<1024x128xf32>,
    return
  }
  func.func @transform_0(%arg0: i32) -> (i32, i32) {
    %c0_i32 = arith.constant 0 : i32
    %c0_i32_0 = arith.constant 0 : i32
    return %arg0, %c0_i32 : i32, i32
  }
  func.func @transform_1(%arg0: i32) -> (i32, i32) {
    %c0_i32 = arith.constant 0 : i32
    %c0_i32_0 = arith.constant 0 : i32
    %c0_i32_1 = arith.constant 0 : i32
    return %c0_i32, %c0_i32_0 : i32, i32
  }
  func.func @transform_2(%arg0: i32) -> (i32, i32) {
    %c0_i32 = arith.constant 0 : i32
    %c0_i32_0 = arith.constant 0 : i32
    return %arg0, %c0_i32 : i32, i32
  }
}

module attributes {stable_mosaic.version = 14 : i64} {
  func.func @body(%arg0: i32, %arg1: memref<2x2x1024x1xf32, #tpu.memory_space<vmem>>, %arg2: memref<1024x128xf32, #tpu.memory_space<vmem>>, %arg3: memref<1024x128xf32, #tpu.memory_space<vmem>>, %arg4: memref<1024x1xf32, #tpu.memory_space<vmem>>, %arg5: memref<1024x1xf32, #tpu.memory_space<vmem>>) attributes {dimension_semantics = [#tpu.dimension_semantics<arbitrary>], iteration_bounds = array<i64: 10>, scalar_prefetch = 0 : i64, scratch_operands = 0 : i64, tpu.core_type = #tpu.core_type<tc>, window_params = [{transform_indices = @transform_0, window_bounds = array<i64: 2, 2, 1024, 1>}, {transform_indices = @transform_1, window_bounds = array<i64: 1024, 128>}, {transform_indices = @transform_2, window_bounds = array<i64: 1024, 128>}, {transform_indices = @transform_3, window_bounds = array<i64: 1024, 1>}, {transform_indices = @transform_4, window_bounds = array<i64: 1024, 1>}]} {
    %get3A = arith.constant 0 : index
    %get3A_0 = arith.constant 0 : index
    %get3A_1 = arith.constant 0 : index
    %get3A_2 = arith.constant 0 : index
    %get3A_3 = vector.load %arg1[%get3A, %get3A_0, %get3A_1, %get3A_2] : memref<2x2x1024x1xf32, #tpu.memory_space<vmem>>, vector<2x2x1024x1xf32>
    %slice3A = vector.extract_strided_slice %get3A_3 {offsets = [0, 0, 0, 0], sizes = [1, 1, 1024, 1], strides = [1, 1, 1, 1]} : vector<2x2x1024x1xf32> to vector<1x1x1024x1xf32>
    %squeeze3A = vector.shape_cast %slice3A : vector<1x1x1024x1xf32> to vector<1024x1xf32>
    %slice3A_4 = vector.extract_strided_slice %get3A_3 {offsets = [1, 0, 0, 0], sizes = [1, 1, 1024, 1], strides = [1, 1, 1, 1]} : vector<2x2x1024x1xf32> to vector<1x1x1024x1xf32>
    %squeeze3A_5 = vector.shape_cast %slice3A_4 : vector<1x1x1024x1xf32> to vector<1024x1xf32>
    %add3A = arith.addf %squeeze3A, %squeeze3A_5 : vector<1024x1xf32>
    %slice3A_6 = vector.extract_strided_slice %get3A_3 {offsets = [0, 1, 0, 0], sizes = [1, 1, 1024, 1], strides = [1, 1, 1, 1]} : vector<2x2x1024x1xf32> to vector<1x1x1024x1xf32>
    %squeeze3A_7 = vector.shape_cast %slice3A_6 : vector<1x1x1024x1xf32> to vector<1024x1xf32>
    %slice3A_8 = vector.extract_strided_slice %get3A_3 {offsets = [1, 1, 0, 0], sizes = [1, 1, 1024, 1], strides = [1, 1, 1, 1]} : vector<2x2x1024x1xf32> to vector<1x1x1024x1xf32>
    %squeeze3A_9 = vector.shape_cast %slice3A_8 : vector<1x1x1024x1xf32> to vector<1024x1xf32>
    %add3A_10 = arith.addf %squeeze3A_7, %squeeze3A_9 : vector<1024x1xf32>
    %gt3A = arith.constant 0.000000e+00 : f32
    %gt3A_11 = vector.broadcast %gt3A : f32 to vector<1024x1xf32>
    %gt3A_12 = arith.cmpf ogt, %add3A, %gt3A_11 : vector<1024x1xf32>
    %jit3A = arith.constant 1.000000e+00 : f32
    %broadcast_in_dim3A = vector.broadcast %jit3A : f32 to vector<1024x1xf32>
    %select_n3A = arith.select %gt3A_12, %add3A, %broadcast_in_dim3A : vector<1024x1xi1>, vector<1024x1xf32>
    %rsqrt3A = math.rsqrt %select_n3A : vector<1024x1xf32>
    %gt3A_13 = arith.constant 0.000000e+00 : f32
    %gt3A_14 = vector.broadcast %gt3A_13 : f32 to vector<1024x1xf32>
    %gt3A_15 = arith.cmpf ogt, %add3A_10, %gt3A_14 : vector<1024x1xf32>
    %jit3A_16 = arith.constant 1.000000e+00 : f32
    %broadcast_in_dim3A_17 = vector.broadcast %jit3A_16 : f32 to vector<1024x1xf32>
    %select_n3A_18 = arith.select %gt3A_15, %add3A_10, %broadcast_in_dim3A_17 : vector<1024x1xi1>, vector<1024x1xf32>
    %rsqrt3A_19 = math.rsqrt %select_n3A_18 : vector<1024x1xf32>
    %swap3A = arith.constant 0 : index
    %swap3A_20 = arith.constant 0 : index
    %swap3A_21 = vector.load %arg4[%swap3A, %swap3A_20] : memref<1024x1xf32, #tpu.memory_space<vmem>>, vector<1024x1xf32>
    tpu.vector_store %arg4[%swap3A, %swap3A_20], %rsqrt3A {strides = array<i32>} : memref<1024x1xf32, #tpu.memory_space<vmem>>, vector<1024x1xf32>,
    %swap3A_22 = arith.constant 0 : index
    %swap3A_23 = arith.constant 0 : index
    %swap3A_24 = vector.load %arg5[%swap3A_22, %swap3A_23] : memref<1024x1xf32, #tpu.memory_space<vmem>>, vector<1024x1xf32>
    tpu.vector_store %arg5[%swap3A_22, %swap3A_23], %rsqrt3A_19 {strides = array<i32>} : memref<1024x1xf32, #tpu.memory_space<vmem>>, vector<1024x1xf32>,
    %get3A_25 = arith.constant 0 : index
    %get3A_26 = arith.constant 0 : index
    %get3A_27 = vector.load %arg2[%get3A_25, %get3A_26] : memref<1024x128xf32, #tpu.memory_space<vmem>>, vector<1024x128xf32>
    %mul3A = vector.broadcast %rsqrt3A : vector<1024x1xf32> to vector<1024x128xf32>
    %mul3A_28 = arith.mulf %get3A_27, %mul3A : vector<1024x128xf32>
    %swap3A_29 = arith.constant 0 : index
    %swap3A_30 = arith.constant 0 : index
    %swap3A_31 = vector.load %arg3[%swap3A_29, %swap3A_30] : memref<1024x128xf32, #tpu.memory_space<vmem>>, vector<1024x128xf32>
    tpu.vector_store %arg3[%swap3A_29, %swap3A_30], %mul3A_28 {strides = array<i32>} : memref<1024x128xf32, #tpu.memory_space<vmem>>, vector<1024x128xf32>,
    return
  }
  func.func @transform_0(%arg0: i32) -> (i32, i32, i32, i32) {
    %c0_i32 = arith.constant 0 : i32
    %c0_i32_0 = arith.constant 0 : i32
    %c0_i32_1 = arith.constant 0 : i32
    %c0_i32_2 = arith.constant 0 : i32
    return %c0_i32, %c0_i32_0, %arg0, %c0_i32_1 : i32, i32, i32, i32
  }
  func.func @transform_1(%arg0: i32) -> (i32, i32) {
    %c0_i32 = arith.constant 0 : i32
    %c0_i32_0 = arith.constant 0 : i32
    return %arg0, %c0_i32 : i32, i32
  }
  func.func @transform_2(%arg0: i32) -> (i32, i32) {
    %c0_i32 = arith.constant 0 : i32
    %c0_i32_0 = arith.constant 0 : i32
    return %arg0, %c0_i32 : i32, i32
  }
  func.func @transform_3(%arg0: i32) -> (i32, i32) {
    %c0_i32 = arith.constant 0 : i32
    %c0_i32_0 = arith.constant 0 : i32
    return %arg0, %c0_i32 : i32, i32
  }
  func.func @transform_4(%arg0: i32) -> (i32, i32) {
    %c0_i32 = arith.constant 0 : i32
    %c0_i32_0 = arith.constant 0 : i32
    return %arg0, %c0_i32 : i32, i32
  }
}

module attributes {stable_mosaic.version = 14 : i64} {
  func.func @body(%arg0: i32, %arg1: memref<2x1024x128xf32, #tpu.memory_space<vmem>>, %arg2: memref<1024x1xf32, #tpu.memory_space<vmem>>, %arg3: memref<1024x1xf32, #tpu.memory_space<vmem>>, %arg4: memref<1x128xf32, #tpu.memory_space<vmem>>, %arg5: memref<128x128xf32, #tpu.memory_space<vmem>>, %arg6: memref<1024x128xf32, #tpu.memory_space<vmem>>) attributes {dimension_semantics = [#tpu.dimension_semantics<arbitrary>], iteration_bounds = array<i64: 10>, scalar_prefetch = 0 : i64, scratch_operands = 0 : i64, tpu.core_type = #tpu.core_type<tc>, window_params = [{transform_indices = @transform_0, window_bounds = array<i64: 2, 1024, 128>}, {transform_indices = @transform_1, window_bounds = array<i64: 1024, 1>}, {transform_indices = @transform_2, window_bounds = array<i64: 1024, 1>}, {pipeline_mode = #tpu.pipeline_mode<synchronous>, transform_indices = @transform_3, window_bounds = array<i64: 1, 128>}, {pipeline_mode = #tpu.pipeline_mode<synchronous>, transform_indices = @transform_4, window_bounds = array<i64: 128, 128>}, {transform_indices = @transform_5, window_bounds = array<i64: 1024, 128>}]} {
    %get3A = arith.constant 0 : index
    %get3A_0 = arith.constant 0 : index
    %get3A_1 = arith.constant 0 : index
    %get3A_2 = vector.load %arg1[%get3A, %get3A_0, %get3A_1] : memref<2x1024x128xf32, #tpu.memory_space<vmem>>, vector<1x1024x128xf32>
    %get3A_3 = vector.shape_cast %get3A_2 : vector<1x1024x128xf32> to vector<1024x128xf32>
    %get3A_4 = arith.constant 1 : index
    %get3A_5 = arith.constant 0 : index
    %get3A_6 = arith.constant 0 : index
    %get3A_7 = vector.load %arg1[%get3A_4, %get3A_5, %get3A_6] : memref<2x1024x128xf32, #tpu.memory_space<vmem>>, vector<1x1024x128xf32>
    %get3A_8 = vector.shape_cast %get3A_7 : vector<1x1024x128xf32> to vector<1024x128xf32>
    %add3A = arith.addf %get3A_3, %get3A_8 : vector<1024x128xf32>
    %get3A_9 = arith.constant 0 : index
    %get3A_10 = arith.constant 0 : index
    %get3A_11 = vector.load %arg2[%get3A_9, %get3A_10] : memref<1024x1xf32, #tpu.memory_space<vmem>>, vector<1024x1xf32>
    %mul3A = vector.broadcast %get3A_11 : vector<1024x1xf32> to vector<1024x128xf32>
    %mul3A_12 = arith.mulf %add3A, %mul3A : vector<1024x128xf32>
    %get3A_13 = arith.constant 0 : index
    %get3A_14 = arith.constant 0 : index
    %get3A_15 = vector.load %arg4[%get3A_13, %get3A_14] : memref<1x128xf32, #tpu.memory_space<vmem>>, vector<1x128xf32>
    %add3A_16 = vector.broadcast %get3A_15 : vector<1x128xf32> to vector<1024x128xf32>
    %add3A_17 = arith.addf %mul3A_12, %add3A_16 : vector<1024x128xf32>
    %max3A = arith.constant 0.000000e+00 : f32
    %max3A_18 = vector.broadcast %max3A : f32 to vector<1024x128xf32>
    %max3A_19 = arith.maximumf %add3A_17, %max3A_18 : vector<1024x128xf32>
    %get3A_20 = arith.constant 0 : index
    %get3A_21 = arith.constant 0 : index
    %get3A_22 = vector.load %arg3[%get3A_20, %get3A_21] : memref<1024x1xf32, #tpu.memory_space<vmem>>, vector<1024x1xf32>
    %mul3A_23 = vector.broadcast %get3A_22 : vector<1024x1xf32> to vector<1024x128xf32>
    %mul3A_24 = arith.mulf %max3A_19, %mul3A_23 : vector<1024x128xf32>
    %get3A_25 = arith.constant 0 : index
    %get3A_26 = arith.constant 0 : index
    %get3A_27 = vector.load %arg5[%get3A_25, %get3A_26] : memref<128x128xf32, #tpu.memory_space<vmem>>, vector<128x128xf32>
    %dot_general3A = arith.constant dense<0.000000e+00> : vector<1024x128xf32>
    %dot_general3A_28 = tpu.matmul %mul3A_24, %get3A_27, %dot_general3A {dimension_numbers = #tpu.dot_dimension_numbers<[1], [0], [0], [1], [0, 0, 1, 1], [], []>, transpose_lhs_hint = false} : vector<1024x128xf32>, vector<128x128xf32>, vector<1024x128xf32> -> vector<1024x128xf32>
    %swap3A = arith.constant 0 : index
    %swap3A_29 = arith.constant 0 : index
    %swap3A_30 = vector.load %arg6[%swap3A, %swap3A_29] : memref<1024x128xf32, #tpu.memory_space<vmem>>, vector<1024x128xf32>
    tpu.vector_store %arg6[%swap3A, %swap3A_29], %dot_general3A_28 {strides = array<i32>} : memref<1024x128xf32, #tpu.memory_space<vmem>>, vector<1024x128xf32>,
    return
  }
  func.func @transform_0(%arg0: i32) -> (i32, i32, i32) {
    %c0_i32 = arith.constant 0 : i32
    %c0_i32_0 = arith.constant 0 : i32
    %c0_i32_1 = arith.constant 0 : i32
    return %c0_i32, %arg0, %c0_i32_0 : i32, i32, i32
  }
  func.func @transform_1(%arg0: i32) -> (i32, i32) {
    %c0_i32 = arith.constant 0 : i32
    %c0_i32_0 = arith.constant 0 : i32
    return %arg0, %c0_i32 : i32, i32
  }
  func.func @transform_2(%arg0: i32) -> (i32, i32) {
    %c0_i32 = arith.constant 0 : i32
    %c0_i32_0 = arith.constant 0 : i32
    return %arg0, %c0_i32 : i32, i32
  }
  func.func @transform_3(%arg0: i32) -> (i32, i32) {
    %c0_i32 = arith.constant 0 : i32
    %c0_i32_0 = arith.constant 0 : i32
    %c0_i32_1 = arith.constant 0 : i32
    return %c0_i32, %c0_i32_0 : i32, i32
  }
  func.func @transform_4(%arg0: i32) -> (i32, i32) {
    %c0_i32 = arith.constant 0 : i32
    %c0_i32_0 = arith.constant 0 : i32
    %c0_i32_1 = arith.constant 0 : i32
    return %c0_i32, %c0_i32_0 : i32, i32
  }
  func.func @transform_5(%arg0: i32) -> (i32, i32) {
    %c0_i32 = arith.constant 0 : i32
    %c0_i32_0 = arith.constant 0 : i32
    return %arg0, %c0_i32 : i32, i32
  }
}

module attributes {stable_mosaic.version = 14 : i64} {
  func.func @body(%arg0: i32, %arg1: memref<2x1024x128xf32, #tpu.memory_space<vmem>>, %arg2: memref<1024x1xf32, #tpu.memory_space<vmem>>, %arg3: memref<1x128xf32, #tpu.memory_space<vmem>>, %arg4: memref<1024x128xf32, #tpu.memory_space<vmem>>) attributes {dimension_semantics = [#tpu.dimension_semantics<arbitrary>], iteration_bounds = array<i64: 10>, scalar_prefetch = 0 : i64, scratch_operands = 0 : i64, tpu.core_type = #tpu.core_type<tc>, window_params = [{transform_indices = @transform_0, window_bounds = array<i64: 2, 1024, 128>}, {transform_indices = @transform_1, window_bounds = array<i64: 1024, 1>}, {pipeline_mode = #tpu.pipeline_mode<synchronous>, transform_indices = @transform_2, window_bounds = array<i64: 1, 128>}, {transform_indices = @transform_3, window_bounds = array<i64: 1024, 128>}]} {
    %get3A = arith.constant 0 : index
    %get3A_0 = arith.constant 0 : index
    %get3A_1 = arith.constant 0 : index
    %get3A_2 = vector.load %arg1[%get3A, %get3A_0, %get3A_1] : memref<2x1024x128xf32, #tpu.memory_space<vmem>>, vector<1x1024x128xf32>
    %get3A_3 = vector.shape_cast %get3A_2 : vector<1x1024x128xf32> to vector<1024x128xf32>
    %get3A_4 = arith.constant 1 : index
    %get3A_5 = arith.constant 0 : index
    %get3A_6 = arith.constant 0 : index
    %get3A_7 = vector.load %arg1[%get3A_4, %get3A_5, %get3A_6] : memref<2x1024x128xf32, #tpu.memory_space<vmem>>, vector<1x1024x128xf32>
    %get3A_8 = vector.shape_cast %get3A_7 : vector<1x1024x128xf32> to vector<1024x128xf32>
    %add3A = arith.addf %get3A_3, %get3A_8 : vector<1024x128xf32>
    %get3A_9 = arith.constant 0 : index
    %get3A_10 = arith.constant 0 : index
    %get3A_11 = vector.load %arg2[%get3A_9, %get3A_10] : memref<1024x1xf32, #tpu.memory_space<vmem>>, vector<1024x1xf32>
    %mul3A = vector.broadcast %get3A_11 : vector<1024x1xf32> to vector<1024x128xf32>
    %mul3A_12 = arith.mulf %add3A, %mul3A : vector<1024x128xf32>
    %get3A_13 = arith.constant 0 : index
    %get3A_14 = arith.constant 0 : index
    %get3A_15 = vector.load %arg3[%get3A_13, %get3A_14] : memref<1x128xf32, #tpu.memory_space<vmem>>, vector<1x128xf32>
    %add3A_16 = vector.broadcast %get3A_15 : vector<1x128xf32> to vector<1024x128xf32>
    %add3A_17 = arith.addf %mul3A_12, %add3A_16 : vector<1024x128xf32>
    %swap3A = arith.constant 0 : index
    %swap3A_18 = arith.constant 0 : index
    %swap3A_19 = vector.load %arg4[%swap3A, %swap3A_18] : memref<1024x128xf32, #tpu.memory_space<vmem>>, vector<1024x128xf32>
    tpu.vector_store %arg4[%swap3A, %swap3A_18], %add3A_17 {strides = array<i32>} : memref<1024x128xf32, #tpu.memory_space<vmem>>, vector<1024x128xf32>,
    return
  }
  func.func @transform_0(%arg0: i32) -> (i32, i32, i32) {
    %c0_i32 = arith.constant 0 : i32
    %c0_i32_0 = arith.constant 0 : i32
    %c0_i32_1 = arith.constant 0 : i32
    return %c0_i32, %arg0, %c0_i32_0 : i32, i32, i32
  }
  func.func @transform_1(%arg0: i32) -> (i32, i32) {
    %c0_i32 = arith.constant 0 : i32
    %c0_i32_0 = arith.constant 0 : i32
    return %arg0, %c0_i32 : i32, i32
  }
  func.func @transform_2(%arg0: i32) -> (i32, i32) {
    %c0_i32 = arith.constant 0 : i32
    %c0_i32_0 = arith.constant 0 : i32
    %c0_i32_1 = arith.constant 0 : i32
    return %c0_i32, %c0_i32_0 : i32, i32
  }
  func.func @transform_3(%arg0: i32) -> (i32, i32) {
    %c0_i32 = arith.constant 0 : i32
    %c0_i32_0 = arith.constant 0 : i32
    return %arg0, %c0_i32 : i32, i32
  }
}

</mosaic_0001>

<sc_bundles>
// kernel: kernel.12.cloned.1.call-start
scs
__scs_entry_jumppad:
0x0: {  	(pc) =	sbr.rel $0x88, $3  }
0x1: {  	(tag) =	ssettag $0x0;
	lr =	simm.s32 $0x1  }
0x2: {  	[smem:$0x3F9B] =	sst lr;
	_ =	strace $0xD0000000  }
0x3: {  	_ = 	snop  }
0x4: {  	_ = 	snop  }
0x5: {  	_ = 	snop  }
0x6: {  	_ = 	snop  }
0x7: {  	_ = 	snop  }
__scs_overlays_trampoline_lowered:
0x8: {  	[smem:$0x3FAA] =	sst s0  }
0x9: {  	[smem:$0x3FAB] =	sst s1  }
0xa: {  	[smem:$0x3FAC] =	sst s2  }
0xb: {  	[smem:$0x3FAD] =	sst s3  }
0xc: {  	[smem:$0x3FAE] =	sst s4  }
0xd: {  	[smem:$0x3FAF] =	sst s5  }
0xe: {  	[smem:$0x3FB0] =	sst s6  }
0xf: {  	[smem:$0x3FB1] =	sst s7  }
0x10: {  	[smem:$0x3FB2] =	sst s8  }
0x11: {  	[smem:$0x3FB3] =	sst s9;
	s0 =	simm.s32 @!p0 $0x0  }
0x12: {  	s1 =	sld [smem:$0x3F99];
	s0 =	simm.s32 @p0 $0x1  }
0x13: {  	[smem:$0x3FB4] =	sst s0;
	s0 =	simm.s32 @!p1 $0x0  }
0x14: {  	s2 =	sld [smem:$0x3F98];
	s0 =	simm.s32 @p1 $0x1  }
0x15: {  	[smem:$0x3FB5] =	sst s0;
	s0 =	simm.s32 @!p2 $0x0  }
0x16: {  	s3 =	sld [smem:$0x3FDB];
	s0 =	simm.s32 @p2 $0x1  }
0x17: {  	s4 =	simm.s32 $0x1BF5;
	[smem:$0x3FB7] =	sst s0  }
0x18: {  	s0 =	sld [smem:$0x3F9A];
	_ =	swait.ge [sflag:s4], $0x0  }
0x19: {  	s7 =	sld [smem:$0x3F9B]  }
0x1a: {  	s8 =	sadd.s32 $0xFFFFE003, lr  }
0x1b: {  	s9 =	sadd.s32 $0xFFFFFEF7, lr;
	s5 =	simm.s32 $0xFFFFFFFF;
	p2 =	slt.u32 s8, $0xFFFFF086  }
0x1c: {  	p1 =	slt.u32 s9, $0xF7A;
	s5 =	simm.s32 @!p2 $0x0  }
0x1d: {  	s5 =	simm.s32 @p1 $0x1;
	p0 =	seq.s32 s7, s2  }
0x1e: {  	s7 =	smul.u32 @!p0 $0xF7A, s2;
	p2 =	seq.s32 @!p0 s5, $0x0  }
0x1f: {  	s9 =	smul.u32 $0xF7A, s1;
	s8 =	simm.s32 @!p0 $0x1BF5;
	p2 =	por !p2, p0  }
0x20: {  	[sflag:s8] =	ssyncset.s32 @!p0 $0xFFFFF086;
	s6 =	sadd.s32 @!p0 s3, s7;
	s7 =	simm.s32 @!p0 $0x108  }
0x21: {  	s3 =	sadd.s32 s3, s9;
	s6 =	sadd.s32 @!p0 $0x88, s6;
	s7 =	simm.s32 @p2 $0x1082  }
0x22: {  	[simem:s7], [sflag:s8] =	dma.local @!p0 [hbm:s6], $0xF7A  }
0x23: {  	s9 =	sor.u32 $0xD0000000, s2;
	s6 =	simm.s32 $0x108;
	_ =	swait.ge @!p0 [sflag:s8], $0x0  }
0x24: {  	s3 =	sadd.s32 $0x88, s3;
	s6 =	simm.s32 @!p1 $0x1082;
	[sflag:s4] =	ssyncset.s32 $0xFFFFF086  }
0x25: {  	[simem:s6], [sflag:s4] =	dma.local [hbm:s3], $0xF7A  }
0x26: {  	[smem:$0x3F9B] =	sst s1;
	(tag) =	ssettag s2;
	_ =	strace s9  }
0x27: {  	s1 =	sld [smem:$0x3FAB]  }
0x28: {  	s2 =	sld [smem:$0x3FAC]  }
0x29: {  	s4 =	sld [smem:$0x3FAE]  }
0x2a: {  	p0 =	seq.s32 s5, $0x0;
	s5 =	sld [smem:$0x3FAF]  }
0x2b: {  	s6 =	sld [smem:$0x3FB0]  }
0x2c: {  	s7 =	sld [smem:$0x3FB1]  }
0x2d: {  	s3 =	simm.s32 $0x108;
	s8 =	sld [smem:$0x3FB2]  }
0x2e: {  	s3 =	simm.s32 @!p0 $0x1082;
	s9 =	sld [smem:$0x3FB3]  }
0x2f: {  	lr =	sadd.s32 s0, s3;
	s0 =	sld [smem:$0x3FAA]  }
0x30: {  	s3 =	sld [smem:$0x3FAD]  }
0x31: {  	[smem:$0x3FB6] =	sst s10  }
0x32: {  	s10 =	sld [smem:$0x3FB4];
	_ =	sdelay $0x3  }
0x33: {  	p0 =	seq.s32 s10, $0x1;
	s10 =	sld [smem:$0x3FB6];
	_ =	sdelay $0x3  }
0x34: {  	[smem:$0x3FB6] =	sst s10  }
0x35: {  	s10 =	sld [smem:$0x3FB5];
	_ =	sdelay $0x3  }
0x36: {  	p1 =	seq.s32 s10, $0x1;
	s10 =	sld [smem:$0x3FB6];
	_ =	sdelay $0x3  }
0x37: {  	[smem:$0x3FB6] =	sst s10  }
0x38: {  	s10 =	sld [smem:$0x3FB7]  }
0x39: {  	_ = 	snop;
	(pc) =	sbr.ind lr, $3  }
0x3a: {  	_ = 	snop  }
0x3b: {  	_ = 	snop  }
0x3c: {  	p2 =	seq.s32 s10, $0x1;
	s10 =	sld [smem:$0x3FB6]  }
0x3d: {  	_ =	shalt  }
0x3e: {  	_ =	shalt  }
0x3f: {  	_ =	shalt  }
0x40: {  	_ =	shalt  }
0x41: {  	_ =	shalt  }
0x42: {  	_ =	shalt  }
0x43: {  	_ =	shalt  }
0x44: {  	_ =	shalt  }
0x45: {  	_ =	shalt  }
0x46: {  	_ =	shalt  }
0x47: {  	_ =	shalt  }
0x48: {  	_ =	shalt  }
0x49: {  	_ =	shalt  }
0x4a: {  	_ =	shalt  }
0x4b: {  	_ =	shalt  }
0x4c: {  	_ =	shalt  }
0x4d: {  	_ =	shalt  }
0x4e: {  	_ =	shalt  }
0x4f: {  	_ =	shalt  }
0x50: {  	_ =	shalt  }
0x51: {  	_ =	shalt  }
0x52: {  	_ =	shalt  }
0x53: {  	_ =	shalt  }
0x54: {  	_ =	shalt  }
0x55: {  	_ =	shalt  }
0x56: {  	_ =	shalt  }
0x57: {  	_ =	shalt  }
0x58: {  	_ =	shalt  }
0x59: {  	_ =	shalt  }
0x5a: {  	_ =	shalt  }
0x5b: {  	_ =	shalt  }
0x5c: {  	_ =	shalt  }
0x5d: {  	_ =	shalt  }
0x5e: {  	_ =	shalt  }
0x5f: {  	_ =	shalt  }
0x60: {  	_ =	shalt  }
0x61: {  	_ =	shalt  }
0x62: {  	_ =	shalt  }
0x63: {  	_ =	shalt  }
0x64: {  	_ =	shalt  }
0x65: {  	_ =	shalt  }
0x66: {  	_ =	shalt  }
0x67: {  	_ =	shalt  }
0x68: {  	_ =	shalt  }
0x69: {  	_ =	shalt  }
0x6a: {  	_ =	shalt  }
0x6b: {  	_ =	shalt  }
0x6c: {  	_ =	shalt  }
0x6d: {  	_ =	shalt  }
0x6e: {  	_ =	shalt  }
0x6f: {  	_ =	shalt  }
0x70: {  	_ =	shalt  }
0x71: {  	_ =	shalt  }
0x72: {  	_ =	shalt  }
0x73: {  	_ =	shalt  }
0x74: {  	_ =	shalt  }
0x75: {  	_ =	shalt  }
0x76: {  	_ =	shalt  }
0x77: {  	_ =	shalt  }
0x78: {  	_ =	shalt  }
0x79: {  	_ =	shalt  }
0x7a: {  	_ =	shalt  }
0x7b: {  	_ =	shalt  }
0x7c: {  	_ =	shalt  }
0x7d: {  	_ =	shalt  }
0x7e: {  	_ =	shalt  }
0x7f: {  	_ =	shalt  }
0x80: {  	_ =	shalt  }
0x81: {  	_ =	shalt  }
0x82: {  	_ =	shalt  }
0x83: {  	_ =	shalt  }
0x84: {  	_ =	shalt  }
0x85: {  	_ =	shalt  }
0x86: {  	_ =	shalt  }
0x87: {  	_ =	shalt  }
.Lfunc_end0:
.L_simem_size_0:
called_computation.1_lowered:
.L_overlay_start_0:
0x88: {  	s2 =	sld [smem:$0x3FD9]  }
0x89: {  	s3 =	sld [smem:$0x3FFE];
	_ =	sdelay $0x1  }
0x8a: {  	s1 =	srdreg.scid  }
0x8b: {  	s0 =	sand.u32 $0x1, s1  }
0x8c: {  	s17 =	sshll.u32 s0, $0xA;
	s2 =	sadd.s32 s3, s2  }
0x8d: {  	s2 =	sadd.s32 s2, s17  }
0x8e: {  	[smem:$0x3FC2] =	sst s2  }
0x8f: {  	_ = 	snop  }
0x90: {  	s2 =	sld [smem:$0x3FD0];
	(tm) =	ssettm $0x1  }
0x91: {  	s18 =	sld [smem:$0x3FFB];
	_ =	sdelay $0x3  }
0x92: {  	_ =	strace s18  }
0x93: {  	s3 =	sld [smem:$0x3FFC];
	_ =	sdelay $0x3  }
0x94: {  	_ =	strace s3  }
0x95: {  	s3 =	sld [smem:$0x3FFD];
	_ =	sdelay $0x3  }
0x96: {  	_ =	strace s3  }
0x97: {  	_ =	strace $0x8FFFFFFF  }
0x98: {  	s19 =	sld [smem:$0x3FDB];
	_ =	sdelay $0x1  }
0x99: {  	s4 =	simm.s32 $_scs_section_size  }
0x9a: {  	s5 =	simm.s32 $_size__tile_overlayer_lowered;
	s6 =	simm.s32 $_tile_overlayer_lowered  }
0x9b: {  	s22 =	simm.s32 $0x1BFF;
	s21 =	sshll.u32 s6, $0x1;
	s3 =	sadd.s32 s4, s19  }
0x9c: {  	s7 =	simm.s32 $0x0;
	s20 =	sshll.u32 s5, $0x1;
	s5 =	sadd.s32 s21, s3  }
0x9d: {  	[timem:s7], [sflag:s22] =	dma.local [hbm:s5], s20  }
0x9e: {  	_ =	swait.ge [sflag:s22], s20  }
0x9f: {  	s4 =	ssub.s32 $0x0, s20;
	[sflag:s22] =	ssyncset.done $0x0  }
0xa0: {  	[sflag:s22] =	ssyncadd.s32 s4;
	_ =	sdelay $0x1  }
0xa1: {  	s23 =	simm.s32 $0x1B8B  }
0xa2: {  	_ =	swait.ge [sflag:s23], $0x1  }
0xa3: {  	[sflag:s23] =	ssyncset.done $0x0  }
0xa4: {  	s25 =	simm.s32 $0x1B8E;
	s24 =	sld [smem:$0x3FFE];
	[sflag:s23] =	ssyncadd.s32 $0xFFFFFFFF  }
0xa5: {  	s26 =	simm.s32 $execute0_lowered;
	[smem:$0x3FD2] =	sst s25  }
0xa6: {  	s5 =	sshll.u32 s26, $0x1;
	_ =	strace $0x80000049;
	[dreg:$0x1] =	wrdreg $0xFFFFFFFF  }
0xa7: {  	s28 =	simm.s32 $_size_execute0_lowered;
	s3 =	sadd.s32 s3, s5;
	[dreg:$0x0] =	wrdreg $0x0  }
0xa8: {  	s5 =	sshll.u32 s28, $0x1;
	[dreg:$0x2] =	wrdreg s3  }
0xa9: {  	[dreg:$0x3] =	wrdreg s5  }
0xaa: {  	[dreg:$0x4] =	wrdreg $0xC0  }
0xab: {  	_ =	task [dreg:s7], $0x5FFFF  }
0xac: {  	[dreg:$0x1] =	wrdreg $0xFFFFFFFF  }
0xad: {  	[dreg:$0x0] =	wrdreg $0x60  }
0xae: {  	[dreg:$0x2] =	wrdreg s24  }
0xaf: {  	[dreg:$0x3] =	wrdreg s2  }
0xb0: {  	[dreg:$0x4] =	wrdreg $0x0  }
0xb1: {  	[dreg:$0x5] =	wrdreg $0x9  }
0xb2: {  	_ =	task.clear_ibuf [dreg:s7], $0x6FFFF;
	_ =	strace $0x90000049  }
0xb3: {  	s29 =	simm.s32 $0x9;
	_ =	strace $0x8000004B  }
0xb4: {  	_ =	swait.ge [sflag:s29], $0x1  }
0xb5: {  	[sflag:s29] =	ssyncadd.s32 $0xFFFFFFFF  }
0xb6: {  	_ =	strace $0x9000004B  }
0xb7: {  	_ =	sfence  }
0xb8: {  	s30 =	sld [smem:$0x0];
	_ =	sdelay $0x2  }
0xb9: {  	s31 =	sshll.u32 s1, $0xD;
	s1 =	sshrl.u32 s1, $0x2  }
0xba: {  	s3 =	sand.u32 $0x4000, s31;
	s1 =	sadd.s32 s1, s30  }
0xbb: {  	s0 =	sor.u32 s3, s0;
	s1 =	sshll.u32 s1, $0x11  }
0xbc: {  	s0 =	sor.u32 s1, s0  }
0xbd: {  	s0 =	sadd.s32 $0x8F2B, s0  }
0xbe: {  	[sflag:s0] =	ssyncadd.remote.s32 $0x1  }
0xbf: {  	_ =	sfence.sel $0xFFFF  }
0xc0: {  	[dreg:$0x0] =	wrdreg $0xFFFFFFFF;
	(pc) =	sbr.abs _section_cstart, $3  }
0xc1: {  	[dreg:$0x1] =	wrdreg $0xFFFFFFFF  }
0xc2: {  	_ =	task.clear_ibuf [dreg:s7], $0x2FFFF;
	_ =	strace $0x9FFFFFFF  }
0xc3: {  	(tm) =	ssettm $0x7FFFFFFF  }
tec
execute0_lowered:
.L_overlay_start_1:
0x0: {  	(tag) =	ssettag $0x1  }
0x1: {  	s0 =	rddreg [dreg:$0x0];
	s1 =	srdreg.scid  }
0x2: {  	s12 =	stileid.u32;
	s2 =	rddreg [dreg:$0x1]  }
0x3: {  	s3 =	rddreg [dreg:$0x2];
	s29 =	simm.s32 $0x14000;
	s30 =	simm.s32 $0x14200  }
0x4: {  	s31 =	simm.s32 $0x80;
	s28 =	simm.s32 $0x1;
	s7 =	smul.u32 $0x50000, s12  }
0x5: {  	s1 =	sand.u32 $0x1, s1;
	s4 =	sshll.u32 s12, $0x1;
	s14 =	smul.u32 $0x14000, s12  }
0x6: {  	s5 =	sor.u32 s1, s4;
	s10 =	ssub.s32 $0x2, s1;
	s1 =	smul.u32 $0x140000, s1  }
0x7: {  	s6 =	sadd.s32 $0xC400, s0;
	s4 =	simm.s32 $0x0;
	s5 =	smul.u32 $0x2800, s5  }
0x8: {  	[smem:$0x7FF] =	sst s4;
	s11 =	sshrl.u32 s10, $0x1;
	s7 =	sshrl.u32 s7, $0x2  }
0x9: {  	s18 =	sadd.s32 $0x4000, s14;
	s22 =	sadd.s32 $0x8000, s14;
	s24 =	sadd.s32 $0xC000, s14  }
0xa: {  	_ =	strace $0x8000004A;
	s10 =	ssub.s32 s10, s11;
	s7 =	sadd.s32 s7, s3  }
0xb: {  	s17 =	sadd.s32 s1, s14;
	s20 =	sadd.s32 s1, s18;
	s23 =	sadd.s32 s22, s3  }
0xc: {  	s25 =	sadd.s32 s1, s24;
	s26 =	sadd.s32 $0x4000, s7;
	[dreg:$0xe] =	wrdreg s23  }
0xd: {  	s11 =	sadd.s32 $0x10000, s14;
	s13 =	sadd.s32 $0x8000, s7;
	[dreg:$0x4] =	wrdreg s26  }
0xe: {  	s8 =	sshrl.u32 s5, $0x3;
	s15 =	sadd.s32 $0xC000, s7;
	[dreg:$0x5] =	wrdreg s13  }
0xf: {  	s16 =	sadd.s32 $0x10000, s7;
	s10 =	smax.u32 s10, $0x1;
	[dreg:$0x6] =	wrdreg s15  }
0x10: {  	s9 =	sadd.s32 s8, s0;
	s0 =	sadd.s32 $0x34400, s0;
	[dreg:$0x7] =	wrdreg s16  }
0x11: {  	s13 =	sadd.s32 s2, s8;
	[dreg:$0xa] =	wrdreg s10;
	s9 =	sadd.s32 $0x2400, s9  }
0x12: {  	s8 =	sshrl.u32 s17, $0x3;
	s19 =	sadd.s32 $0x40, s13;
	[dreg:$0x8] =	wrdreg s9  }
0x13: {  	s21 =	sshrl.u32 s20, $0x3;
	s8 =	sadd.s32 s0, s8;
	[dreg:$0x9] =	wrdreg s19  }
0x14: {  	s23 =	sadd.s32 s11, s3;
	[dreg:$0xb] =	wrdreg s8;
	s9 =	sadd.s32 s18, s3  }
0x15: {  	s26 =	sshrl.u32 s25, $0x3;
	s8 =	sadd.s32 s0, s21;
	[dreg:$0xc] =	wrdreg s9  }
0x16: {  	s25 =	simm.s32 $0x16C00;
	s21 =	sadd.s32 s24, s3;
	[dreg:$0xd] =	wrdreg s8  }
0x17: {  	s8 =	sadd.s32 s1, s22;
	s1 =	sadd.s32 s1, s11;
	s22 =	sadd.s32 s0, s26  }
0x18: {  	s26 =	simm.s32 $0x5;
	s8 =	sshrl.u32 s8, $0x3;
	s1 =	sshrl.u32 s1, $0x3  }
0x19: {  	s9 =	simm.s32 $0x0;
	s20 =	sadd.s32 s0, s8;
	s24 =	sadd.s32 s0, s1  }
0x1a: {  	v0 =	vimm.f32 $0.0e+00;
	s0 =	simm.s32 $0x1AC00;
	s1 =	simm.s32 $0x2;
	s8 =	simm.s32 $0x4  }
.LBB2_1:
0x1b: {  	s10 =	sand.u32 $0xFE00, s4  }
0x1c: {  	s11 =	sand.u32 $0x70, s4;
	s12 =	sshrl.u32 s10, $0x2  }
0x1d: {  	s10 =	simm.s32 $0x40;
	s12 =	sor.u32 s11, s12;
	s11 =	simm.s32 $0x0  }
.LBB2_2:
0x1e: {  	p0 =	sne.s32 s10, $0xFFC0  }
0x1f: {  	[tilespmem:s12+$0x16C00] =	vst v0;
	s11 =	sadd.s32 $0x10, s11;
	s12 =	smov.u32 s10;
	s10 =	sadd.s32 $0x40, s10  }
.Ltmp0:
0x20: {  	(pc) =	sbr.rel @p0 .LBB2_2-.Ltmp0, $4  }
0x21: {  	_ = 	snop  }
0x22: {  	s12 =	sand.u32 $0xFE00, s12  }
0x23: {  	s14 =	sand.u32 $0x70, s11;
	s12 =	sshrl.u32 s12, $0x2  }
0x24: {  	s12 =	sor.u32 s14, s12  }
0x25: {  	[tilespmem:s12+$0x16C00] =	vst v0  }
0x26: {  	[spmem:s7] =	stream.linear.scatter [tilespmem:s25], [sflag:$0x5], $0x4000, $0x38;
	[tilespmem:$0x1EC00] =	vst v63  }
0x27: {  	_ =	swait.ge [sflag:s26], $0x4000  }
0x28: {  	[sflag:s26] =	ssyncset.done $0x0  }
0x29: {  	s10 =	rddreg [dreg:$0x4];
	[sflag:s26] =	ssyncadd.s32 $0xFFFFC000  }
0x2a: {  	[spmem:s10] =	stream.linear.scatter [tilespmem:s25], [sflag:$0x5], $0x4000, $0x38;
	[tilespmem:$0x1EC00] =	vst v63  }
0x2b: {  	_ =	swait.ge [sflag:s26], $0x4000  }
0x2c: {  	[sflag:s26] =	ssyncset.done $0x0  }
0x2d: {  	s15 =	rddreg [dreg:$0x5];
	[sflag:s26] =	ssyncadd.s32 $0xFFFFC000  }
0x2e: {  	[spmem:s15] =	stream.linear.scatter [tilespmem:s25], [sflag:$0x5], $0x4000, $0x38;
	[tilespmem:$0x1EC00] =	vst v63  }
0x2f: {  	_ =	swait.ge [sflag:s26], $0x4000  }
0x30: {  	[sflag:s26] =	ssyncset.done $0x0  }
0x31: {  	s16 =	rddreg [dreg:$0x6];
	[sflag:s26] =	ssyncadd.s32 $0xFFFFC000  }
0x32: {  	[spmem:s16] =	stream.linear.scatter [tilespmem:s25], [sflag:$0x5], $0x4000, $0x38;
	[tilespmem:$0x1EC00] =	vst v63  }
0x33: {  	_ =	swait.ge [sflag:s26], $0x4000  }
0x34: {  	[sflag:s26] =	ssyncset.done $0x0  }
0x35: {  	s17 =	rddreg [dreg:$0x7];
	[sflag:s26] =	ssyncadd.s32 $0xFFFFC000  }
0x36: {  	[spmem:s17] =	stream.linear.scatter [tilespmem:s25], [sflag:$0x5], $0x4000, $0x38;
	[tilespmem:$0x1EC00] =	vst v63  }
0x37: {  	_ =	swait.ge [sflag:s26], $0x4000  }
0x38: {  	s18 =	simm.s32 $0x14400;
	[sflag:s26] =	ssyncset.done $0x0  }
0x39: {  	s10 =	simm.s32 $0x0;
	s11 =	rddreg [dreg:$0x8];
	[sflag:s26] =	ssyncadd.s32 $0xFFFFC000  }
0x3a: {  	[tilespmem:s18], [sflag:$0x5] =	stream.linear.gather [hbm4b:s11+s10], $0x2800, $0x38;
	[tilespmem:$0x1EC00] =	vst v63  }
0x3b: {  	_ =	swait.ge [sflag:s26], $0x2800  }
0x3c: {  	[sflag:s26] =	ssyncset.done $0x0  }
0x3d: {  	[sflag:s26] =	ssyncadd.s32 $0xFFFFD800  }
0x3e: {  	[tilespmem:s29], [sflag:$0x5] =	stream.linear.gather [hbm4b:s13+s10], $0x200, $0x38;
	[tilespmem:$0x1EC00] =	vst v63  }
0x3f: {  	_ =	swait.ge [sflag:s26], $0x200  }
0x40: {  	[sflag:s26] =	ssyncset.done $0x0  }
0x41: {  	s19 =	rddreg [dreg:$0x9];
	[sflag:s26] =	ssyncadd.s32 $0xFFFFFE00  }
0x42: {  	[tilespmem:s30], [sflag:$0x4] =	stream.linear.gather [hbm4b:s19+s10], $0x200, $0x38;
	[tilespmem:$0x1EC00] =	vst v63  }
0x43: {  	[bflag:$0x0] =	sbarrier.arrive $0xFFFF  }
0x44: {  	[tilespmem:s25], [sflag:$0x1] =	stream.indirect.gather [hbm4b:s6+s31], $0x80, s29, s31, $0xb8;
	[tilespmem:$0x1EC00] =	vst v63  }
0x45: {  	s12 =	simm.s32 $0x14080  }
0x46: {  	[tilespmem:s0], [sflag:$0x2] =	stream.indirect.gather [hbm4b:s6+s31], $0x80, s12, s31, $0xb8;
	[tilespmem:$0x1EC00] =	vst v63  }
0x47: {  	_ =	swait.ge [sflag:s28], $0x4000  }
0x48: {  	[sflag:s28] =	ssyncset.done $0x0  }
0x49: {  	s14 =	simm.s32 $0x14400;
	[sflag:s28] =	ssyncadd.s32 $0xFFFFC000  }
0x4a: {  	[spmem:s3] =	stream.indirect.scatter.add.f32 [tilespmem:s25], [sflag:$0x5], $0x80, s14, s31, $0xb8;
	[tilespmem:$0x1EC00] =	vst v63  }
0x4b: {  	s12 =	sand.u32 $0x1, s10;
	_ =	swait.ge [sflag:s26], $0x4000  }
0x4c: {  	s14 =	sshll.u32 s12, $0x9;
	[sflag:s26] =	ssyncset.done $0x0  }
0x4d: {  	s15 =	sor.u32 $0x14100, s14;
	[sflag:s26] =	ssyncadd.s32 $0xFFFFC000  }
0x4e: {  	[tilespmem:s25], [sflag:$0x1] =	stream.indirect.gather [hbm4b:s6+s31], $0x80, s15, s31, $0xb8;
	[tilespmem:$0x1EC00] =	vst v63  }
0x4f: {  	_ =	swait.ge [sflag:s1], $0x4000  }
0x50: {  	[sflag:s1] =	ssyncset.done $0x0  }
0x51: {  	s16 =	simm.s32 $0x14480;
	[sflag:s1] =	ssyncadd.s32 $0xFFFFC000  }
0x52: {  	[spmem:s3] =	stream.indirect.scatter.add.f32 [tilespmem:s0], [sflag:$0x5], $0x80, s16, s31, $0xb8;
	[tilespmem:$0x1EC00] =	vst v63  }
0x53: {  	_ =	swait.ge [sflag:s26], $0x4000  }
0x54: {  	[sflag:s26] =	ssyncset.done $0x0  }
0x55: {  	s17 =	sor.u32 $0x14180, s14;
	[sflag:s26] =	ssyncadd.s32 $0xFFFFC000  }
0x56: {  	[tilespmem:s0], [sflag:$0x2] =	stream.indirect.gather [hbm4b:s6+s31], $0x80, s17, s31, $0xb8;
	[tilespmem:$0x1EC00] =	vst v63  }
0x57: {  	_ =	swait.ge [sflag:s28], $0x4000  }
0x58: {  	[sflag:s28] =	ssyncset.done $0x0  }
0x59: {  	s18 =	simm.s32 $0x14500;
	[sflag:s28] =	ssyncadd.s32 $0xFFFFC000  }
0x5a: {  	[spmem:s3] =	stream.indirect.scatter.add.f32 [tilespmem:s25], [sflag:$0x5], $0x80, s18, s31, $0xb8;
	[tilespmem:$0x1EC00] =	vst v63  }
0x5b: {  	_ =	swait.ge [sflag:s26], $0x4000  }
0x5c: {  	s19 =	sxor.u32 $0x1, s12;
	[sflag:s26] =	ssyncset.done $0x0  }
0x5d: {  	s15 =	sadd.s32 $0x3, s19;
	[sflag:s26] =	ssyncadd.s32 $0xFFFFC000  }
0x5e: {  	_ =	swait.ge [sflag:s15], $0x200  }
0x5f: {  	s11 =	sshll.u32 s19, $0x9;
	[sflag:s15] =	ssyncset.done $0x0  }
0x60: {  	s16 =	sor.u32 $0x14000, s11;
	[sflag:s15] =	ssyncadd.s32 $0xFFFFFE00  }
0x61: {  	[tilespmem:s25], [sflag:$0x1] =	stream.indirect.gather [hbm4b:s6+s31], $0x80, s16, s31, $0xb8;
	[tilespmem:$0x1EC00] =	vst v63  }
0x62: {  	_ =	swait.ge [sflag:s1], $0x4000  }
0x63: {  	s16 =	simm.s32 $0x400;
	[sflag:s1] =	ssyncset.done $0x0  }
0x64: {  	s17 =	simm.s32 $0x14580;
	s18 =	sand.u32 $0x7C00, s16;
	[sflag:s1] =	ssyncadd.s32 $0xFFFFC000  }
0x65: {  	[spmem:s3] =	stream.indirect.scatter.add.f32 [tilespmem:s0], [sflag:$0x5], $0x80, s17, s31, $0xb8;
	[tilespmem:$0x1EC00] =	vst v63  }
0x66: {  	s19 =	sand.u32 $0x200, s10;
	s15 =	sadd.s32 s5, s18;
	_ =	swait.ge [sflag:s26], $0x4000  }
0x67: {  	s11 =	sor.u32 $0x14080, s11;
	s16 =	sor.u32 s19, s15;
	[sflag:s26] =	ssyncset.done $0x0  }
0x68: {  	s15 =	sor.u32 $0x14000, s14;
	s14 =	sadd.s32 $0x3, s12;
	[sflag:s26] =	ssyncadd.s32 $0xFFFFC000  }
0x69: {  	[tilespmem:s0], [sflag:$0x2] =	stream.indirect.gather [hbm4b:s6+s31], $0x80, s11, s31, $0xb8;
	[tilespmem:$0x1EC00] =	vst v63  }
0x6a: {  	s12 =	simm.s32 $0x0;
	s16 =	sshrl.u32 s16, $0x3;
	s11 =	simm.s32 $0x800  }
.LBB2_4:
0x6b: {  	s16 =	sadd.s32 s2, s16  }
0x6c: {  	s10 =	sadd.s32 $0x1, s10;
	s12 =	sadd.s32 $0x200, s12;
	s17 =	smov.u32 s11  }
0x6d: {  	[tilespmem:s15], [sflag:s14] =	stream.linear.gather [hbm4b:s16+s4], $0x200, $0x38;
	[tilespmem:$0x1EC00] =	vst v63  }
0x6e: {  	p0 =	sne.s32 s11, $0x8800;
	s11 =	sadd.s32 $0x800, s11;
	_ =	swait.ge [sflag:s28], $0x4000  }
0x6f: {  	s16 =	sshra.s32 s17, $0x2;
	[sflag:s28] =	ssyncset.done $0x0  }
0x70: {  	s14 =	sadd.s32 $0x14400, s16;
	[sflag:s28] =	ssyncadd.s32 $0xFFFFC000  }
0x71: {  	[spmem:s3] =	stream.indirect.scatter.add.f32 [tilespmem:s25], [sflag:$0x5], $0x80, s14, s31, $0xb8;
	[tilespmem:$0x1EC00] =	vst v63  }
0x72: {  	s14 =	sand.u32 $0x1, s10;
	_ =	swait.ge [sflag:s26], $0x4000  }
0x73: {  	s18 =	sxor.u32 $0x1, s14;
	s15 =	sshll.u32 s14, $0x9;
	[sflag:s26] =	ssyncset.done $0x0  }
0x74: {  	s19 =	sor.u32 $0x14100, s15;
	s17 =	sshll.u32 s18, $0x9;
	[sflag:s26] =	ssyncadd.s32 $0xFFFFC000  }
0x75: {  	[tilespmem:s25], [sflag:$0x1] =	stream.indirect.gather [hbm4b:s6+s31], $0x80, s19, s31, $0xb8;
	[tilespmem:$0x1EC00] =	vst v63  }
0x76: {  	_ =	swait.ge [sflag:s1], $0x4000  }
0x77: {  	[sflag:s1] =	ssyncset.done $0x0  }
0x78: {  	s19 =	sadd.s32 $0x14480, s16;
	[sflag:s1] =	ssyncadd.s32 $0xFFFFC000  }
0x79: {  	[spmem:s3] =	stream.indirect.scatter.add.f32 [tilespmem:s0], [sflag:$0x5], $0x80, s19, s31, $0xb8;
	[tilespmem:$0x1EC00] =	vst v63  }
0x7a: {  	_ =	swait.ge [sflag:s26], $0x4000  }
0x7b: {  	[sflag:s26] =	ssyncset.done $0x0  }
0x7c: {  	s19 =	sor.u32 $0x14180, s15;
	[sflag:s26] =	ssyncadd.s32 $0xFFFFC000  }
0x7d: {  	[tilespmem:s0], [sflag:$0x2] =	stream.indirect.gather [hbm4b:s6+s31], $0x80, s19, s31, $0xb8;
	[tilespmem:$0x1EC00] =	vst v63  }
0x7e: {  	_ =	swait.ge [sflag:s28], $0x4000  }
0x7f: {  	[sflag:s28] =	ssyncset.done $0x0  }
0x80: {  	s19 =	sadd.s32 $0x14500, s16;
	[sflag:s28] =	ssyncadd.s32 $0xFFFFC000  }
0x81: {  	[spmem:s3] =	stream.indirect.scatter.add.f32 [tilespmem:s25], [sflag:$0x5], $0x80, s19, s31, $0xb8;
	[tilespmem:$0x1EC00] =	vst v63  }
0x82: {  	_ =	swait.ge [sflag:s26], $0x4000  }
0x83: {  	[sflag:s26] =	ssyncset.done $0x0  }
0x84: {  	s18 =	sadd.s32 $0x3, s18;
	[sflag:s26] =	ssyncadd.s32 $0xFFFFC000  }
0x85: {  	_ =	swait.ge [sflag:s18], $0x200  }
0x86: {  	[sflag:s18] =	ssyncset.done $0x0  }
0x87: {  	[sflag:s18] =	ssyncadd.s32 $0xFFFFFE00;
	s18 =	sor.u32 $0x14000, s17  }
0x88: {  	[tilespmem:s25], [sflag:$0x1] =	stream.indirect.gather [hbm4b:s6+s31], $0x80, s18, s31, $0xb8;
	[tilespmem:$0x1EC00] =	vst v63  }
0x89: {  	_ =	swait.ge [sflag:s1], $0x4000  }
0x8a: {  	[sflag:s1] =	ssyncset.done $0x0  }
0x8b: {  	s16 =	sadd.s32 $0x14580, s16;
	s18 =	sadd.s32 $0x400, s12;
	[sflag:s1] =	ssyncadd.s32 $0xFFFFC000  }
0x8c: {  	[spmem:s3] =	stream.indirect.scatter.add.f32 [tilespmem:s0], [sflag:$0x5], $0x80, s16, s31, $0xb8;
	[tilespmem:$0x1EC00] =	vst v63  }
.Ltmp1:
0x8d: {  	s16 =	sand.u32 $0x7C00, s18;
	_ =	swait.ge [sflag:s26], $0x4000;
	(pc) =	sbr.rel @p0 .LBB2_4-.Ltmp1, $4  }
0x8e: {  	s18 =	sand.u32 $0x200, s12;
	s16 =	sadd.s32 s5, s16;
	[sflag:s26] =	ssyncset.done $0x0  }
0x8f: {  	s17 =	sor.u32 $0x14080, s17;
	s16 =	sor.u32 s18, s16;
	[sflag:s26] =	ssyncadd.s32 $0xFFFFC000  }
0x90: {  	[tilespmem:s0], [sflag:$0x2] =	stream.indirect.gather [hbm4b:s6+s31], $0x80, s17, s31, $0xb8;
	[tilespmem:$0x1EC00] =	vst v63  }
0x91: {  	s14 =	sadd.s32 $0x3, s14;
	s15 =	sor.u32 $0x14000, s15;
	s16 =	sshrl.u32 s16, $0x3  }
0x92: {  	s10 =	sadd.s32 s2, s16  }
0x93: {  	[tilespmem:s15], [sflag:s14] =	stream.linear.gather [hbm4b:s10+s4], $0x200, $0x38;
	[tilespmem:$0x1EC00] =	vst v63  }
0x94: {  	_ =	swait.ge [sflag:s28], $0x4000  }
0x95: {  	[sflag:s28] =	ssyncset.done $0x0  }
0x96: {  	s18 =	simm.s32 $0x16800;
	[sflag:s28] =	ssyncadd.s32 $0xFFFFC000  }
0x97: {  	[spmem:s3] =	stream.indirect.scatter.add.f32 [tilespmem:s25], [sflag:$0x5], $0x80, s18, s31, $0xb8;
	[tilespmem:$0x1EC00] =	vst v63  }
0x98: {  	_ =	swait.ge [sflag:s26], $0x4000  }
0x99: {  	[sflag:s26] =	ssyncset.done $0x0  }
0x9a: {  	s19 =	simm.s32 $0x14100;
	[sflag:s26] =	ssyncadd.s32 $0xFFFFC000  }
0x9b: {  	[tilespmem:s25], [sflag:$0x1] =	stream.indirect.gather [hbm4b:s6+s31], $0x80, s19, s31, $0xb8;
	[tilespmem:$0x1EC00] =	vst v63  }
0x9c: {  	_ =	swait.ge [sflag:s1], $0x4000  }
0x9d: {  	[sflag:s1] =	ssyncset.done $0x0  }
0x9e: {  	s11 =	simm.s32 $0x16880;
	[sflag:s1] =	ssyncadd.s32 $0xFFFFC000  }
0x9f: {  	[spmem:s3] =	stream.indirect.scatter.add.f32 [tilespmem:s0], [sflag:$0x5], $0x80, s11, s31, $0xb8;
	[tilespmem:$0x1EC00] =	vst v63  }
0xa0: {  	_ =	swait.ge [sflag:s26], $0x4000  }
0xa1: {  	[sflag:s26] =	ssyncset.done $0x0  }
0xa2: {  	s12 =	simm.s32 $0x14180;
	[sflag:s26] =	ssyncadd.s32 $0xFFFFC000  }
0xa3: {  	[tilespmem:s0], [sflag:$0x2] =	stream.indirect.gather [hbm4b:s6+s31], $0x80, s12, s31, $0xb8;
	[tilespmem:$0x1EC00] =	vst v63  }
0xa4: {  	_ =	swait.ge [sflag:s28], $0x4000  }
0xa5: {  	[sflag:s28] =	ssyncset.done $0x0  }
0xa6: {  	s14 =	simm.s32 $0x16900;
	[sflag:s28] =	ssyncadd.s32 $0xFFFFC000  }
0xa7: {  	[spmem:s3] =	stream.indirect.scatter.add.f32 [tilespmem:s25], [sflag:$0x5], $0x80, s14, s31, $0xb8;
	[tilespmem:$0x1EC00] =	vst v63  }
0xa8: {  	_ =	swait.ge [sflag:s26], $0x4000  }
0xa9: {  	[sflag:s26] =	ssyncset.done $0x0  }
0xaa: {  	[sflag:s26] =	ssyncadd.s32 $0xFFFFC000  }
0xab: {  	_ =	swait.ge [sflag:s8], $0x200  }
0xac: {  	[sflag:s8] =	ssyncset.done $0x0  }
0xad: {  	[sflag:s8] =	ssyncadd.s32 $0xFFFFFE00  }
0xae: {  	[tilespmem:s25], [sflag:$0x1] =	stream.indirect.gather [hbm4b:s6+s31], $0x80, s30, s31, $0xb8;
	[tilespmem:$0x1EC00] =	vst v63  }
0xaf: {  	_ =	swait.ge [sflag:s1], $0x4000  }
0xb0: {  	[sflag:s1] =	ssyncset.done $0x0  }
0xb1: {  	s15 =	simm.s32 $0x16980;
	[sflag:s1] =	ssyncadd.s32 $0xFFFFC000  }
0xb2: {  	[spmem:s3] =	stream.indirect.scatter.add.f32 [tilespmem:s0], [sflag:$0x5], $0x80, s15, s31, $0xb8;
	[tilespmem:$0x1EC00] =	vst v63  }
0xb3: {  	_ =	swait.ge [sflag:s26], $0x4000  }
0xb4: {  	[sflag:s26] =	ssyncset.done $0x0  }
0xb5: {  	s16 =	simm.s32 $0x14280;
	[sflag:s26] =	ssyncadd.s32 $0xFFFFC000  }
0xb6: {  	[tilespmem:s0], [sflag:$0x2] =	stream.indirect.gather [hbm4b:s6+s31], $0x80, s16, s31, $0xb8;
	[tilespmem:$0x1EC00] =	vst v63  }
0xb7: {  	_ =	swait.ge [sflag:s28], $0x4000  }
0xb8: {  	[sflag:s28] =	ssyncset.done $0x0  }
0xb9: {  	s17 =	simm.s32 $0x16A00;
	[sflag:s28] =	ssyncadd.s32 $0xFFFFC000  }
0xba: {  	[spmem:s3] =	stream.indirect.scatter.add.f32 [tilespmem:s25], [sflag:$0x5], $0x80, s17, s31, $0xb8;
	[tilespmem:$0x1EC00] =	vst v63  }
0xbb: {  	_ =	swait.ge [sflag:s26], $0x4000  }
0xbc: {  	[sflag:s26] =	ssyncset.done $0x0  }
0xbd: {  	s18 =	simm.s32 $0x14300;
	[sflag:s26] =	ssyncadd.s32 $0xFFFFC000  }
0xbe: {  	[tilespmem:s25], [sflag:$0x1] =	stream.indirect.gather [hbm4b:s6+s31], $0x80, s18, s31, $0xb8;
	[tilespmem:$0x1EC00] =	vst v63  }
0xbf: {  	_ =	swait.ge [sflag:s1], $0x4000  }
0xc0: {  	[sflag:s1] =	ssyncset.done $0x0  }
0xc1: {  	s19 =	simm.s32 $0x16A80;
	[sflag:s1] =	ssyncadd.s32 $0xFFFFC000  }
0xc2: {  	[spmem:s3] =	stream.indirect.scatter.add.f32 [tilespmem:s0], [sflag:$0x5], $0x80, s19, s31, $0xb8;
	[tilespmem:$0x1EC00] =	vst v63  }
0xc3: {  	_ =	swait.ge [sflag:s26], $0x4000  }
0xc4: {  	[sflag:s26] =	ssyncset.done $0x0  }
0xc5: {  	s11 =	simm.s32 $0x14380;
	[sflag:s26] =	ssyncadd.s32 $0xFFFFC000  }
0xc6: {  	[tilespmem:s0], [sflag:$0x2] =	stream.indirect.gather [hbm4b:s6+s31], $0x80, s11, s31, $0xb8;
	[tilespmem:$0x1EC00] =	vst v63  }
0xc7: {  	_ =	swait.ge [sflag:s28], $0x4000  }
0xc8: {  	[sflag:s28] =	ssyncset.done $0x0  }
0xc9: {  	s12 =	simm.s32 $0x16B00;
	[sflag:s28] =	ssyncadd.s32 $0xFFFFC000  }
0xca: {  	[spmem:s3] =	stream.indirect.scatter.add.f32 [tilespmem:s25], [sflag:$0x5], $0x80, s12, s31, $0xb8;
	[tilespmem:$0x1EC00] =	vst v63  }
0xcb: {  	_ =	swait.ge [sflag:s26], $0x4000  }
0xcc: {  	[sflag:s26] =	ssyncset.done $0x0  }
0xcd: {  	[sflag:s26] =	ssyncadd.s32 $0xFFFFC000  }
0xce: {  	_ =	swait.ge [sflag:s1], $0x4000  }
0xcf: {  	[sflag:s1] =	ssyncset.done $0x0  }
0xd0: {  	s14 =	simm.s32 $0x16B80;
	[sflag:s1] =	ssyncadd.s32 $0xFFFFC000  }
0xd1: {  	[spmem:s3] =	stream.indirect.scatter.add.f32 [tilespmem:s0], [sflag:$0x5], $0x80, s14, s31, $0xb8;
	[tilespmem:$0x1EC00] =	vst v63  }
0xd2: {  	_ =	swait.ge [sflag:s26], $0x4000  }
0xd3: {  	[sflag:s26] =	ssyncset.done $0x0  }
0xd4: {  	[sflag:s26] =	ssyncadd.s32 $0xFFFFC000  }
0xd5: {  	[bflag:$0x0] =	sbarrier.arrive $0xFFFF  }
0xd6: {  	[tilespmem:s25], [sflag:$0x5] =	stream.linear.gather [spmem:s7], $0x4000, $0x38;
	[tilespmem:$0x1EC00] =	vst v63  }
0xd7: {  	_ =	swait.ge [sflag:s26], $0x4000  }
0xd8: {  	[sflag:s26] =	ssyncset.done $0x0  }
0xd9: {  	s15 =	rddreg [dreg:$0xb];
	[sflag:s26] =	ssyncadd.s32 $0xFFFFC000  }
0xda: {  	[hbm4b:s15+s4] =	stream.linear.scatter [tilespmem:s25], [sflag:$0x5], $0x4000, $0x38;
	[tilespmem:$0x1EC00] =	vst v63  }
0xdb: {  	_ =	swait.ge [sflag:s26], $0x4000  }
0xdc: {  	[sflag:s26] =	ssyncset.done $0x0  }
0xdd: {  	s16 =	rddreg [dreg:$0xc];
	[sflag:s26] =	ssyncadd.s32 $0xFFFFC000  }
0xde: {  	[tilespmem:s25], [sflag:$0x5] =	stream.linear.gather [spmem:s16], $0x4000, $0x38;
	[tilespmem:$0x1EC00] =	vst v63  }
0xdf: {  	_ =	swait.ge [sflag:s26], $0x4000  }
0xe0: {  	[sflag:s26] =	ssyncset.done $0x0  }
0xe1: {  	s17 =	rddreg [dreg:$0xd];
	[sflag:s26] =	ssyncadd.s32 $0xFFFFC000  }
0xe2: {  	[hbm4b:s17+s4] =	stream.linear.scatter [tilespmem:s25], [sflag:$0x5], $0x4000, $0x38;
	[tilespmem:$0x1EC00] =	vst v63  }
0xe3: {  	_ =	swait.ge [sflag:s26], $0x4000  }
0xe4: {  	[sflag:s26] =	ssyncset.done $0x0  }
0xe5: {  	s18 =	rddreg [dreg:$0xe];
	[sflag:s26] =	ssyncadd.s32 $0xFFFFC000  }
0xe6: {  	[tilespmem:s25], [sflag:$0x5] =	stream.linear.gather [spmem:s18], $0x4000, $0x38;
	[tilespmem:$0x1EC00] =	vst v63  }
0xe7: {  	_ =	swait.ge [sflag:s26], $0x4000  }
0xe8: {  	[sflag:s26] =	ssyncset.done $0x0  }
0xe9: {  	[sflag:s26] =	ssyncadd.s32 $0xFFFFC000  }
0xea: {  	[hbm4b:s20+s4] =	stream.linear.scatter [tilespmem:s25], [sflag:$0x5], $0x4000, $0x38;
	[tilespmem:$0x1EC00] =	vst v63  }
0xeb: {  	_ =	swait.ge [sflag:s26], $0x4000  }
0xec: {  	[sflag:s26] =	ssyncset.done $0x0  }
0xed: {  	[sflag:s26] =	ssyncadd.s32 $0xFFFFC000  }
0xee: {  	[tilespmem:s25], [sflag:$0x5] =	stream.linear.gather [spmem:s21], $0x4000, $0x38;
	[tilespmem:$0x1EC00] =	vst v63  }
0xef: {  	_ =	swait.ge [sflag:s26], $0x4000  }
0xf0: {  	[sflag:s26] =	ssyncset.done $0x0  }
0xf1: {  	[sflag:s26] =	ssyncadd.s32 $0xFFFFC000  }
0xf2: {  	[hbm4b:s22+s4] =	stream.linear.scatter [tilespmem:s25], [sflag:$0x5], $0x4000, $0x38;
	[tilespmem:$0x1EC00] =	vst v63  }
0xf3: {  	_ =	swait.ge [sflag:s26], $0x4000  }
0xf4: {  	[sflag:s26] =	ssyncset.done $0x0  }
0xf5: {  	[sflag:s26] =	ssyncadd.s32 $0xFFFFC000  }
0xf6: {  	[tilespmem:s25], [sflag:$0x5] =	stream.linear.gather [spmem:s23], $0x4000, $0x38;
	[tilespmem:$0x1EC00] =	vst v63  }
0xf7: {  	_ =	swait.ge [sflag:s26], $0x4000  }
0xf8: {  	[sflag:s26] =	ssyncset.done $0x0  }
0xf9: {  	[sflag:s26] =	ssyncadd.s32 $0xFFFFC000  }
0xfa: {  	[hbm4b:s24+s4] =	stream.linear.scatter [tilespmem:s25], [sflag:$0x5], $0x4000, $0x38;
	[tilespmem:$0x1EC00] =	vst v63  }
0xfb: {  	_ =	swait.ge [sflag:s26], $0x4000  }
0xfc: {  	s9 =	sadd.s32 $0x1, s9;
	s19 =	rddreg [dreg:$0xa]  }
0xfd: {  	p0 =	sne.s32 s9, s19  }
.Ltmp2:
0xfe: {  	_ = 	snop;
	(pc) =	sbr.rel @p0 .LBB2_1-.Ltmp2, $3  }
0xff: {  	_ =	sdelay $0x1  }
0x100: {  	[sflag:s26] =	ssyncset.done $0x0  }
0x101: {  	[sflag:s26] =	ssyncadd.s32 $0xFFFFC000  }
0x102: {  	_ =	sfence.sel $0x180000  }
0x103: {  	[bflag:$0x0] =	sbarrier.arrive $0xFFFF  }
0x104: {  	_ =	strace $0x9000004A  }
0x105: {  	s0 =	stileid.u32;
	[bflag:$0x2] =	sbarrier.arrive $0xFFFF  }
0x106: {  	p0 =	sne.s32 s0, $0x0;
	s0 =	rddreg [dreg:$0x3]  }
0x107: {  	s0 =	sadd.s32 @!p0 $0x100000, s0  }
0x108: {  	[sflag:s0] =	ssyncadd.tile.s32 @!p0 $0x1;
	_ =	shalt  }
.Lfunc_end2:
_tile_overlayer_lowered:
.L_overlay_start_2:
0x109: {  	(tag) =	ssettag $0x2  }
0x10a: {  	s0 =	rddreg [dreg:$0x0];
	s2 =	stileid.u32  }
0x10b: {  	s1 =	rddreg [dreg:$0x1];
	p0 =	sne.s32 s2, $0x0  }
0x10c: {  	s3 =	rddreg [dreg:$0x2];
	[bflag:$0x3] =	sbarrier.arrive $0xFFFF;
	s2 =	simm.s32 @!p0 $0x1C05  }
0x10d: {  	[timem:s3], [sflag:s2] =	dma.local @!p0 [hbm:s0], s1  }
0x10e: {  	s0 =	simm.s32 @!p0 $0x5  }
0x10f: {  	_ =	swait.ge @!p0 [sflag:s0], s1  }
0x110: {  	s1 =	ssub.s32 @!p0 $0x0, s1;
	[sflag:s0] =	ssyncset.done @!p0 $0x0  }
0x111: {  	[sflag:s0] =	ssyncadd.s32 @!p0 s1  }
0x112: {  	[bflag:$0x3] =	sbarrier.arrive $0xFFFF  }
0x113: {  	_ =	shalt  }

// kernel: kernel.15.cloned.1.call-start
scs
__scs_entry_jumppad:
0x0: {  	(pc) =	sbr.rel $0x88, $3  }
0x1: {  	(tag) =	ssettag $0x0;
	lr =	simm.s32 $0x1  }
0x2: {  	[smem:$0x3F9B] =	sst lr;
	_ =	strace $0xD0000000  }
0x3: {  	_ = 	snop  }
0x4: {  	_ = 	snop  }
0x5: {  	_ = 	snop  }
0x6: {  	_ = 	snop  }
0x7: {  	_ = 	snop  }
__scs_overlays_trampoline_lowered:
0x8: {  	[smem:$0x3FAA] =	sst s0  }
0x9: {  	[smem:$0x3FAB] =	sst s1  }
0xa: {  	[smem:$0x3FAC] =	sst s2  }
0xb: {  	[smem:$0x3FAD] =	sst s3  }
0xc: {  	[smem:$0x3FAE] =	sst s4  }
0xd: {  	[smem:$0x3FAF] =	sst s5  }
0xe: {  	[smem:$0x3FB0] =	sst s6  }
0xf: {  	[smem:$0x3FB1] =	sst s7  }
0x10: {  	[smem:$0x3FB2] =	sst s8  }
0x11: {  	[smem:$0x3FB3] =	sst s9;
	s0 =	simm.s32 @!p0 $0x0  }
0x12: {  	s1 =	sld [smem:$0x3F99];
	s0 =	simm.s32 @p0 $0x1  }
0x13: {  	[smem:$0x3FB4] =	sst s0;
	s0 =	simm.s32 @!p1 $0x0  }
0x14: {  	s2 =	sld [smem:$0x3F98];
	s0 =	simm.s32 @p1 $0x1  }
0x15: {  	[smem:$0x3FB5] =	sst s0;
	s0 =	simm.s32 @!p2 $0x0  }
0x16: {  	s3 =	sld [smem:$0x3FDB];
	s0 =	simm.s32 @p2 $0x1  }
0x17: {  	s4 =	simm.s32 $0x1BF5;
	[smem:$0x3FB7] =	sst s0  }
0x18: {  	s0 =	sld [smem:$0x3F9A];
	_ =	swait.ge [sflag:s4], $0x0  }
0x19: {  	s7 =	sld [smem:$0x3F9B]  }
0x1a: {  	s8 =	sadd.s32 $0xFFFFE003, lr  }
0x1b: {  	s9 =	sadd.s32 $0xFFFFFEF7, lr;
	s5 =	simm.s32 $0xFFFFFFFF;
	p2 =	slt.u32 s8, $0xFFFFF086  }
0x1c: {  	p1 =	slt.u32 s9, $0xF7A;
	s5 =	simm.s32 @!p2 $0x0  }
0x1d: {  	s5 =	simm.s32 @p1 $0x1;
	p0 =	seq.s32 s7, s2  }
0x1e: {  	s7 =	smul.u32 @!p0 $0xF7A, s2;
	p2 =	seq.s32 @!p0 s5, $0x0  }
0x1f: {  	s9 =	smul.u32 $0xF7A, s1;
	s8 =	simm.s32 @!p0 $0x1BF5;
	p2 =	por !p2, p0  }
0x20: {  	[sflag:s8] =	ssyncset.s32 @!p0 $0xFFFFF086;
	s6 =	sadd.s32 @!p0 s3, s7;
	s7 =	simm.s32 @!p0 $0x108  }
0x21: {  	s3 =	sadd.s32 s3, s9;
	s6 =	sadd.s32 @!p0 $0x88, s6;
	s7 =	simm.s32 @p2 $0x1082  }
0x22: {  	[simem:s7], [sflag:s8] =	dma.local @!p0 [hbm:s6], $0xF7A  }
0x23: {  	s9 =	sor.u32 $0xD0000000, s2;
	s6 =	simm.s32 $0x108;
	_ =	swait.ge @!p0 [sflag:s8], $0x0  }
0x24: {  	s3 =	sadd.s32 $0x88, s3;
	s6 =	simm.s32 @!p1 $0x1082;
	[sflag:s4] =	ssyncset.s32 $0xFFFFF086  }
0x25: {  	[simem:s6], [sflag:s4] =	dma.local [hbm:s3], $0xF7A  }
0x26: {  	[smem:$0x3F9B] =	sst s1;
	(tag) =	ssettag s2;
	_ =	strace s9  }
0x27: {  	s1 =	sld [smem:$0x3FAB]  }
0x28: {  	s2 =	sld [smem:$0x3FAC]  }
0x29: {  	s4 =	sld [smem:$0x3FAE]  }
0x2a: {  	p0 =	seq.s32 s5, $0x0;
	s5 =	sld [smem:$0x3FAF]  }
0x2b: {  	s6 =	sld [smem:$0x3FB0]  }
0x2c: {  	s7 =	sld [smem:$0x3FB1]  }
0x2d: {  	s3 =	simm.s32 $0x108;
	s8 =	sld [smem:$0x3FB2]  }
0x2e: {  	s3 =	simm.s32 @!p0 $0x1082;
	s9 =	sld [smem:$0x3FB3]  }
0x2f: {  	lr =	sadd.s32 s0, s3;
	s0 =	sld [smem:$0x3FAA]  }
0x30: {  	s3 =	sld [smem:$0x3FAD]  }
0x31: {  	[smem:$0x3FB6] =	sst s10  }
0x32: {  	s10 =	sld [smem:$0x3FB4];
	_ =	sdelay $0x3  }
0x33: {  	p0 =	seq.s32 s10, $0x1;
	s10 =	sld [smem:$0x3FB6];
	_ =	sdelay $0x3  }
0x34: {  	[smem:$0x3FB6] =	sst s10  }
0x35: {  	s10 =	sld [smem:$0x3FB5];
	_ =	sdelay $0x3  }
0x36: {  	p1 =	seq.s32 s10, $0x1;
	s10 =	sld [smem:$0x3FB6];
	_ =	sdelay $0x3  }
0x37: {  	[smem:$0x3FB6] =	sst s10  }
0x38: {  	s10 =	sld [smem:$0x3FB7]  }
0x39: {  	_ = 	snop;
	(pc) =	sbr.ind lr, $3  }
0x3a: {  	_ = 	snop  }
0x3b: {  	_ = 	snop  }
0x3c: {  	p2 =	seq.s32 s10, $0x1;
	s10 =	sld [smem:$0x3FB6]  }
0x3d: {  	_ =	shalt  }
0x3e: {  	_ =	shalt  }
0x3f: {  	_ =	shalt  }
0x40: {  	_ =	shalt  }
0x41: {  	_ =	shalt  }
0x42: {  	_ =	shalt  }
0x43: {  	_ =	shalt  }
0x44: {  	_ =	shalt  }
0x45: {  	_ =	shalt  }
0x46: {  	_ =	shalt  }
0x47: {  	_ =	shalt  }
0x48: {  	_ =	shalt  }
0x49: {  	_ =	shalt  }
0x4a: {  	_ =	shalt  }
0x4b: {  	_ =	shalt  }
0x4c: {  	_ =	shalt  }
0x4d: {  	_ =	shalt  }
0x4e: {  	_ =	shalt  }
0x4f: {  	_ =	shalt  }
0x50: {  	_ =	shalt  }
0x51: {  	_ =	shalt  }
0x52: {  	_ =	shalt  }
0x53: {  	_ =	shalt  }
0x54: {  	_ =	shalt  }
0x55: {  	_ =	shalt  }
0x56: {  	_ =	shalt  }
0x57: {  	_ =	shalt  }
0x58: {  	_ =	shalt  }
0x59: {  	_ =	shalt  }
0x5a: {  	_ =	shalt  }
0x5b: {  	_ =	shalt  }
0x5c: {  	_ =	shalt  }
0x5d: {  	_ =	shalt  }
0x5e: {  	_ =	shalt  }
0x5f: {  	_ =	shalt  }
0x60: {  	_ =	shalt  }
0x61: {  	_ =	shalt  }
0x62: {  	_ =	shalt  }
0x63: {  	_ =	shalt  }
0x64: {  	_ =	shalt  }
0x65: {  	_ =	shalt  }
0x66: {  	_ =	shalt  }
0x67: {  	_ =	shalt  }
0x68: {  	_ =	shalt  }
0x69: {  	_ =	shalt  }
0x6a: {  	_ =	shalt  }
0x6b: {  	_ =	shalt  }
0x6c: {  	_ =	shalt  }
0x6d: {  	_ =	shalt  }
0x6e: {  	_ =	shalt  }
0x6f: {  	_ =	shalt  }
0x70: {  	_ =	shalt  }
0x71: {  	_ =	shalt  }
0x72: {  	_ =	shalt  }
0x73: {  	_ =	shalt  }
0x74: {  	_ =	shalt  }
0x75: {  	_ =	shalt  }
0x76: {  	_ =	shalt  }
0x77: {  	_ =	shalt  }
0x78: {  	_ =	shalt  }
0x79: {  	_ =	shalt  }
0x7a: {  	_ =	shalt  }
0x7b: {  	_ =	shalt  }
0x7c: {  	_ =	shalt  }
0x7d: {  	_ =	shalt  }
0x7e: {  	_ =	shalt  }
0x7f: {  	_ =	shalt  }
0x80: {  	_ =	shalt  }
0x81: {  	_ =	shalt  }
0x82: {  	_ =	shalt  }
0x83: {  	_ =	shalt  }
0x84: {  	_ =	shalt  }
0x85: {  	_ =	shalt  }
0x86: {  	_ =	shalt  }
0x87: {  	_ =	shalt  }
.Lfunc_end0:
.L_simem_size_0:
called_computation.2_lowered:
.L_overlay_start_0:
0x88: {  	s2 =	sld [smem:$0x3FD9]  }
0x89: {  	s3 =	sld [smem:$0x3FFE];
	_ =	sdelay $0x1  }
0x8a: {  	s1 =	srdreg.scid  }
0x8b: {  	s0 =	sand.u32 $0x1, s1  }
0x8c: {  	s17 =	sshll.u32 s0, $0xA;
	s2 =	sadd.s32 s3, s2  }
0x8d: {  	s2 =	sadd.s32 s2, s17  }
0x8e: {  	[smem:$0x3FC2] =	sst s2  }
0x8f: {  	_ = 	snop  }
0x90: {  	s2 =	sld [smem:$0x3FD0];
	(tm) =	ssettm $0x1  }
0x91: {  	s18 =	sld [smem:$0x3FFB];
	_ =	sdelay $0x3  }
0x92: {  	_ =	strace s18  }
0x93: {  	s3 =	sld [smem:$0x3FFC];
	_ =	sdelay $0x3  }
0x94: {  	_ =	strace s3  }
0x95: {  	s3 =	sld [smem:$0x3FFD];
	_ =	sdelay $0x3  }
0x96: {  	_ =	strace s3  }
0x97: {  	_ =	strace $0x8FFFFFFF  }
0x98: {  	s19 =	sld [smem:$0x3FDB];
	_ =	sdelay $0x1  }
0x99: {  	s4 =	simm.s32 $_scs_section_size  }
0x9a: {  	s5 =	simm.s32 $_size__tile_overlayer_lowered;
	s6 =	simm.s32 $_tile_overlayer_lowered  }
0x9b: {  	s22 =	simm.s32 $0x1BFF;
	s21 =	sshll.u32 s6, $0x1;
	s3 =	sadd.s32 s4, s19  }
0x9c: {  	s7 =	simm.s32 $0x0;
	s20 =	sshll.u32 s5, $0x1;
	s5 =	sadd.s32 s21, s3  }
0x9d: {  	[timem:s7], [sflag:s22] =	dma.local [hbm:s5], s20  }
0x9e: {  	_ =	swait.ge [sflag:s22], s20  }
0x9f: {  	s4 =	ssub.s32 $0x0, s20;
	[sflag:s22] =	ssyncset.done $0x0  }
0xa0: {  	[sflag:s22] =	ssyncadd.s32 s4;
	_ =	sdelay $0x1  }
0xa1: {  	s23 =	simm.s32 $0x1B8B  }
0xa2: {  	_ =	swait.ge [sflag:s23], $0x1  }
0xa3: {  	[sflag:s23] =	ssyncset.done $0x0  }
0xa4: {  	s25 =	simm.s32 $0x1B8E;
	s24 =	sld [smem:$0x3FFE];
	[sflag:s23] =	ssyncadd.s32 $0xFFFFFFFF  }
0xa5: {  	s26 =	simm.s32 $execute0_lowered;
	[smem:$0x3FD2] =	sst s25  }
0xa6: {  	s5 =	sshll.u32 s26, $0x1;
	_ =	strace $0x8000004C;
	[dreg:$0x1] =	wrdreg $0xFFFFFFFF  }
0xa7: {  	s28 =	simm.s32 $_size_execute0_lowered;
	s3 =	sadd.s32 s3, s5;
	[dreg:$0x0] =	wrdreg $0x0  }
0xa8: {  	s5 =	sshll.u32 s28, $0x1;
	[dreg:$0x2] =	wrdreg s3  }
0xa9: {  	[dreg:$0x3] =	wrdreg s5  }
0xaa: {  	[dreg:$0x4] =	wrdreg $0xC0  }
0xab: {  	_ =	task [dreg:s7], $0x5FFFF  }
0xac: {  	[dreg:$0x1] =	wrdreg $0xFFFFFFFF  }
0xad: {  	[dreg:$0x0] =	wrdreg $0x60  }
0xae: {  	[dreg:$0x2] =	wrdreg s24  }
0xaf: {  	[dreg:$0x3] =	wrdreg s2  }
0xb0: {  	[dreg:$0x4] =	wrdreg $0x0  }
0xb1: {  	[dreg:$0x5] =	wrdreg $0x9  }
0xb2: {  	_ =	task.clear_ibuf [dreg:s7], $0x6FFFF;
	_ =	strace $0x9000004C  }
0xb3: {  	s29 =	simm.s32 $0x9;
	_ =	strace $0x8000004E  }
0xb4: {  	_ =	swait.ge [sflag:s29], $0x1  }
0xb5: {  	[sflag:s29] =	ssyncadd.s32 $0xFFFFFFFF  }
0xb6: {  	_ =	strace $0x9000004E  }
0xb7: {  	_ =	sfence  }
0xb8: {  	s30 =	sld [smem:$0x0];
	_ =	sdelay $0x2  }
0xb9: {  	s31 =	sshll.u32 s1, $0xD;
	s1 =	sshrl.u32 s1, $0x2  }
0xba: {  	s3 =	sand.u32 $0x4000, s31;
	s1 =	sadd.s32 s1, s30  }
0xbb: {  	s0 =	sor.u32 s3, s0;
	s1 =	sshll.u32 s1, $0x11  }
0xbc: {  	s0 =	sor.u32 s1, s0  }
0xbd: {  	s0 =	sadd.s32 $0x8F2B, s0  }
0xbe: {  	[sflag:s0] =	ssyncadd.remote.s32 $0x1  }
0xbf: {  	_ =	sfence.sel $0xFFFF  }
0xc0: {  	[dreg:$0x0] =	wrdreg $0xFFFFFFFF;
	(pc) =	sbr.abs _section_cstart, $3  }
0xc1: {  	[dreg:$0x1] =	wrdreg $0xFFFFFFFF  }
0xc2: {  	_ =	task.clear_ibuf [dreg:s7], $0x2FFFF;
	_ =	strace $0x9FFFFFFF  }
0xc3: {  	(tm) =	ssettm $0x7FFFFFFF  }
tec
execute0_lowered:
.L_overlay_start_1:
0x0: {  	(tag) =	ssettag $0x1  }
0x1: {  	s0 =	rddreg [dreg:$0x0];
	s1 =	srdreg.scid  }
0x2: {  	s12 =	stileid.u32;
	s2 =	rddreg [dreg:$0x1]  }
0x3: {  	s3 =	rddreg [dreg:$0x2];
	s29 =	simm.s32 $0x14000;
	s30 =	simm.s32 $0x14200  }
0x4: {  	s31 =	simm.s32 $0x80;
	s28 =	simm.s32 $0x1;
	s7 =	smul.u32 $0x50000, s12  }
0x5: {  	s1 =	sand.u32 $0x1, s1;
	s4 =	sshll.u32 s12, $0x1;
	s14 =	smul.u32 $0x14000, s12  }
0x6: {  	s5 =	sor.u32 s1, s4;
	s10 =	ssub.s32 $0x2, s1;
	s1 =	smul.u32 $0x140000, s1  }
0x7: {  	s6 =	sadd.s32 $0xC400, s0;
	s4 =	simm.s32 $0x0;
	s5 =	smul.u32 $0x2800, s5  }
0x8: {  	[smem:$0x7FF] =	sst s4;
	s11 =	sshrl.u32 s10, $0x1;
	s7 =	sshrl.u32 s7, $0x2  }
0x9: {  	s18 =	sadd.s32 $0x4000, s14;
	s22 =	sadd.s32 $0x8000, s14;
	s24 =	sadd.s32 $0xC000, s14  }
0xa: {  	_ =	strace $0x8000004D;
	s10 =	ssub.s32 s10, s11;
	s7 =	sadd.s32 s7, s3  }
0xb: {  	s17 =	sadd.s32 s1, s14;
	s20 =	sadd.s32 s1, s18;
	s23 =	sadd.s32 s22, s3  }
0xc: {  	s25 =	sadd.s32 s1, s24;
	s26 =	sadd.s32 $0x4000, s7;
	[dreg:$0xe] =	wrdreg s23  }
0xd: {  	s11 =	sadd.s32 $0x10000, s14;
	s13 =	sadd.s32 $0x8000, s7;
	[dreg:$0x4] =	wrdreg s26  }
0xe: {  	s8 =	sshrl.u32 s5, $0x3;
	s15 =	sadd.s32 $0xC000, s7;
	[dreg:$0x5] =	wrdreg s13  }
0xf: {  	s16 =	sadd.s32 $0x10000, s7;
	s10 =	smax.u32 s10, $0x1;
	[dreg:$0x6] =	wrdreg s15  }
0x10: {  	s9 =	sadd.s32 s8, s0;
	s0 =	sadd.s32 $0x34400, s0;
	[dreg:$0x7] =	wrdreg s16  }
0x11: {  	s13 =	sadd.s32 s2, s8;
	[dreg:$0xa] =	wrdreg s10;
	s9 =	sadd.s32 $0x2400, s9  }
0x12: {  	s8 =	sshrl.u32 s17, $0x3;
	s19 =	sadd.s32 $0x40, s13;
	[dreg:$0x8] =	wrdreg s9  }
0x13: {  	s21 =	sshrl.u32 s20, $0x3;
	s8 =	sadd.s32 s0, s8;
	[dreg:$0x9] =	wrdreg s19  }
0x14: {  	s23 =	sadd.s32 s11, s3;
	[dreg:$0xb] =	wrdreg s8;
	s9 =	sadd.s32 s18, s3  }
0x15: {  	s26 =	sshrl.u32 s25, $0x3;
	s8 =	sadd.s32 s0, s21;
	[dreg:$0xc] =	wrdreg s9  }
0x16: {  	s25 =	simm.s32 $0x16C00;
	s21 =	sadd.s32 s24, s3;
	[dreg:$0xd] =	wrdreg s8  }
0x17: {  	s8 =	sadd.s32 s1, s22;
	s1 =	sadd.s32 s1, s11;
	s22 =	sadd.s32 s0, s26  }
0x18: {  	s26 =	simm.s32 $0x5;
	s8 =	sshrl.u32 s8, $0x3;
	s1 =	sshrl.u32 s1, $0x3  }
0x19: {  	s9 =	simm.s32 $0x0;
	s20 =	sadd.s32 s0, s8;
	s24 =	sadd.s32 s0, s1  }
0x1a: {  	v0 =	vimm.f32 $0.0e+00;
	s0 =	simm.s32 $0x1AC00;
	s1 =	simm.s32 $0x2;
	s8 =	simm.s32 $0x4  }
.LBB2_1:
0x1b: {  	s10 =	sand.u32 $0xFE00, s4  }
0x1c: {  	s11 =	sand.u32 $0x70, s4;
	s12 =	sshrl.u32 s10, $0x2  }
0x1d: {  	s10 =	simm.s32 $0x40;
	s12 =	sor.u32 s11, s12;
	s11 =	simm.s32 $0x0  }
.LBB2_2:
0x1e: {  	p0 =	sne.s32 s10, $0xFFC0  }
0x1f: {  	[tilespmem:s12+$0x16C00] =	vst v0;
	s11 =	sadd.s32 $0x10, s11;
	s12 =	smov.u32 s10;
	s10 =	sadd.s32 $0x40, s10  }
.Ltmp0:
0x20: {  	(pc) =	sbr.rel @p0 .LBB2_2-.Ltmp0, $4  }
0x21: {  	_ = 	snop  }
0x22: {  	s12 =	sand.u32 $0xFE00, s12  }
0x23: {  	s14 =	sand.u32 $0x70, s11;
	s12 =	sshrl.u32 s12, $0x2  }
0x24: {  	s12 =	sor.u32 s14, s12  }
0x25: {  	[tilespmem:s12+$0x16C00] =	vst v0  }
0x26: {  	[spmem:s7] =	stream.linear.scatter [tilespmem:s25], [sflag:$0x5], $0x4000, $0x38;
	[tilespmem:$0x1EC00] =	vst v63  }
0x27: {  	_ =	swait.ge [sflag:s26], $0x4000  }
0x28: {  	[sflag:s26] =	ssyncset.done $0x0  }
0x29: {  	s10 =	rddreg [dreg:$0x4];
	[sflag:s26] =	ssyncadd.s32 $0xFFFFC000  }
0x2a: {  	[spmem:s10] =	stream.linear.scatter [tilespmem:s25], [sflag:$0x5], $0x4000, $0x38;
	[tilespmem:$0x1EC00] =	vst v63  }
0x2b: {  	_ =	swait.ge [sflag:s26], $0x4000  }
0x2c: {  	[sflag:s26] =	ssyncset.done $0x0  }
0x2d: {  	s15 =	rddreg [dreg:$0x5];
	[sflag:s26] =	ssyncadd.s32 $0xFFFFC000  }
0x2e: {  	[spmem:s15] =	stream.linear.scatter [tilespmem:s25], [sflag:$0x5], $0x4000, $0x38;
	[tilespmem:$0x1EC00] =	vst v63  }
0x2f: {  	_ =	swait.ge [sflag:s26], $0x4000  }
0x30: {  	[sflag:s26] =	ssyncset.done $0x0  }
0x31: {  	s16 =	rddreg [dreg:$0x6];
	[sflag:s26] =	ssyncadd.s32 $0xFFFFC000  }
0x32: {  	[spmem:s16] =	stream.linear.scatter [tilespmem:s25], [sflag:$0x5], $0x4000, $0x38;
	[tilespmem:$0x1EC00] =	vst v63  }
0x33: {  	_ =	swait.ge [sflag:s26], $0x4000  }
0x34: {  	[sflag:s26] =	ssyncset.done $0x0  }
0x35: {  	s17 =	rddreg [dreg:$0x7];
	[sflag:s26] =	ssyncadd.s32 $0xFFFFC000  }
0x36: {  	[spmem:s17] =	stream.linear.scatter [tilespmem:s25], [sflag:$0x5], $0x4000, $0x38;
	[tilespmem:$0x1EC00] =	vst v63  }
0x37: {  	_ =	swait.ge [sflag:s26], $0x4000  }
0x38: {  	s18 =	simm.s32 $0x14400;
	[sflag:s26] =	ssyncset.done $0x0  }
0x39: {  	s10 =	simm.s32 $0x0;
	s11 =	rddreg [dreg:$0x8];
	[sflag:s26] =	ssyncadd.s32 $0xFFFFC000  }
0x3a: {  	[tilespmem:s18], [sflag:$0x5] =	stream.linear.gather [hbm4b:s11+s10], $0x2800, $0x38;
	[tilespmem:$0x1EC00] =	vst v63  }
0x3b: {  	_ =	swait.ge [sflag:s26], $0x2800  }
0x3c: {  	[sflag:s26] =	ssyncset.done $0x0  }
0x3d: {  	[sflag:s26] =	ssyncadd.s32 $0xFFFFD800  }
0x3e: {  	[tilespmem:s29], [sflag:$0x5] =	stream.linear.gather [hbm4b:s13+s10], $0x200, $0x38;
	[tilespmem:$0x1EC00] =	vst v63  }
0x3f: {  	_ =	swait.ge [sflag:s26], $0x200  }
0x40: {  	[sflag:s26] =	ssyncset.done $0x0  }
0x41: {  	s19 =	rddreg [dreg:$0x9];
	[sflag:s26] =	ssyncadd.s32 $0xFFFFFE00  }
0x42: {  	[tilespmem:s30], [sflag:$0x4] =	stream.linear.gather [hbm4b:s19+s10], $0x200, $0x38;
	[tilespmem:$0x1EC00] =	vst v63  }
0x43: {  	[bflag:$0x0] =	sbarrier.arrive $0xFFFF  }
0x44: {  	[tilespmem:s25], [sflag:$0x1] =	stream.indirect.gather [hbm4b:s6+s31], $0x80, s29, s31, $0xb8;
	[tilespmem:$0x1EC00] =	vst v63  }
0x45: {  	s12 =	simm.s32 $0x14080  }
0x46: {  	[tilespmem:s0], [sflag:$0x2] =	stream.indirect.gather [hbm4b:s6+s31], $0x80, s12, s31, $0xb8;
	[tilespmem:$0x1EC00] =	vst v63  }
0x47: {  	_ =	swait.ge [sflag:s28], $0x4000  }
0x48: {  	[sflag:s28] =	ssyncset.done $0x0  }
0x49: {  	s14 =	simm.s32 $0x14400;
	[sflag:s28] =	ssyncadd.s32 $0xFFFFC000  }
0x4a: {  	[spmem:s3] =	stream.indirect.scatter.add.f32 [tilespmem:s25], [sflag:$0x5], $0x80, s14, s31, $0xb8;
	[tilespmem:$0x1EC00] =	vst v63  }
0x4b: {  	s12 =	sand.u32 $0x1, s10;
	_ =	swait.ge [sflag:s26], $0x4000  }
0x4c: {  	s14 =	sshll.u32 s12, $0x9;
	[sflag:s26] =	ssyncset.done $0x0  }
0x4d: {  	s15 =	sor.u32 $0x14100, s14;
	[sflag:s26] =	ssyncadd.s32 $0xFFFFC000  }
0x4e: {  	[tilespmem:s25], [sflag:$0x1] =	stream.indirect.gather [hbm4b:s6+s31], $0x80, s15, s31, $0xb8;
	[tilespmem:$0x1EC00] =	vst v63  }
0x4f: {  	_ =	swait.ge [sflag:s1], $0x4000  }
0x50: {  	[sflag:s1] =	ssyncset.done $0x0  }
0x51: {  	s16 =	simm.s32 $0x14480;
	[sflag:s1] =	ssyncadd.s32 $0xFFFFC000  }
0x52: {  	[spmem:s3] =	stream.indirect.scatter.add.f32 [tilespmem:s0], [sflag:$0x5], $0x80, s16, s31, $0xb8;
	[tilespmem:$0x1EC00] =	vst v63  }
0x53: {  	_ =	swait.ge [sflag:s26], $0x4000  }
0x54: {  	[sflag:s26] =	ssyncset.done $0x0  }
0x55: {  	s17 =	sor.u32 $0x14180, s14;
	[sflag:s26] =	ssyncadd.s32 $0xFFFFC000  }
0x56: {  	[tilespmem:s0], [sflag:$0x2] =	stream.indirect.gather [hbm4b:s6+s31], $0x80, s17, s31, $0xb8;
	[tilespmem:$0x1EC00] =	vst v63  }
0x57: {  	_ =	swait.ge [sflag:s28], $0x4000  }
0x58: {  	[sflag:s28] =	ssyncset.done $0x0  }
0x59: {  	s18 =	simm.s32 $0x14500;
	[sflag:s28] =	ssyncadd.s32 $0xFFFFC000  }
0x5a: {  	[spmem:s3] =	stream.indirect.scatter.add.f32 [tilespmem:s25], [sflag:$0x5], $0x80, s18, s31, $0xb8;
	[tilespmem:$0x1EC00] =	vst v63  }
0x5b: {  	_ =	swait.ge [sflag:s26], $0x4000  }
0x5c: {  	s19 =	sxor.u32 $0x1, s12;
	[sflag:s26] =	ssyncset.done $0x0  }
0x5d: {  	s15 =	sadd.s32 $0x3, s19;
	[sflag:s26] =	ssyncadd.s32 $0xFFFFC000  }
0x5e: {  	_ =	swait.ge [sflag:s15], $0x200  }
0x5f: {  	s11 =	sshll.u32 s19, $0x9;
	[sflag:s15] =	ssyncset.done $0x0  }
0x60: {  	s16 =	sor.u32 $0x14000, s11;
	[sflag:s15] =	ssyncadd.s32 $0xFFFFFE00  }
0x61: {  	[tilespmem:s25], [sflag:$0x1] =	stream.indirect.gather [hbm4b:s6+s31], $0x80, s16, s31, $0xb8;
	[tilespmem:$0x1EC00] =	vst v63  }
0x62: {  	_ =	swait.ge [sflag:s1], $0x4000  }
0x63: {  	s16 =	simm.s32 $0x400;
	[sflag:s1] =	ssyncset.done $0x0  }
0x64: {  	s17 =	simm.s32 $0x14580;
	s18 =	sand.u32 $0x7C00, s16;
	[sflag:s1] =	ssyncadd.s32 $0xFFFFC000  }
0x65: {  	[spmem:s3] =	stream.indirect.scatter.add.f32 [tilespmem:s0], [sflag:$0x5], $0x80, s17, s31, $0xb8;
	[tilespmem:$0x1EC00] =	vst v63  }
0x66: {  	s19 =	sand.u32 $0x200, s10;
	s15 =	sadd.s32 s5, s18;
	_ =	swait.ge [sflag:s26], $0x4000  }
0x67: {  	s11 =	sor.u32 $0x14080, s11;
	s16 =	sor.u32 s19, s15;
	[sflag:s26] =	ssyncset.done $0x0  }
0x68: {  	s15 =	sor.u32 $0x14000, s14;
	s14 =	sadd.s32 $0x3, s12;
	[sflag:s26] =	ssyncadd.s32 $0xFFFFC000  }
0x69: {  	[tilespmem:s0], [sflag:$0x2] =	stream.indirect.gather [hbm4b:s6+s31], $0x80, s11, s31, $0xb8;
	[tilespmem:$0x1EC00] =	vst v63  }
0x6a: {  	s12 =	simm.s32 $0x0;
	s16 =	sshrl.u32 s16, $0x3;
	s11 =	simm.s32 $0x800  }
.LBB2_4:
0x6b: {  	s16 =	sadd.s32 s2, s16  }
0x6c: {  	s10 =	sadd.s32 $0x1, s10;
	s12 =	sadd.s32 $0x200, s12;
	s17 =	smov.u32 s11  }
0x6d: {  	[tilespmem:s15], [sflag:s14] =	stream.linear.gather [hbm4b:s16+s4], $0x200, $0x38;
	[tilespmem:$0x1EC00] =	vst v63  }
0x6e: {  	p0 =	sne.s32 s11, $0x8800;
	s11 =	sadd.s32 $0x800, s11;
	_ =	swait.ge [sflag:s28], $0x4000  }
0x6f: {  	s16 =	sshra.s32 s17, $0x2;
	[sflag:s28] =	ssyncset.done $0x0  }
0x70: {  	s14 =	sadd.s32 $0x14400, s16;
	[sflag:s28] =	ssyncadd.s32 $0xFFFFC000  }
0x71: {  	[spmem:s3] =	stream.indirect.scatter.add.f32 [tilespmem:s25], [sflag:$0x5], $0x80, s14, s31, $0xb8;
	[tilespmem:$0x1EC00] =	vst v63  }
0x72: {  	s14 =	sand.u32 $0x1, s10;
	_ =	swait.ge [sflag:s26], $0x4000  }
0x73: {  	s18 =	sxor.u32 $0x1, s14;
	s15 =	sshll.u32 s14, $0x9;
	[sflag:s26] =	ssyncset.done $0x0  }
0x74: {  	s19 =	sor.u32 $0x14100, s15;
	s17 =	sshll.u32 s18, $0x9;
	[sflag:s26] =	ssyncadd.s32 $0xFFFFC000  }
0x75: {  	[tilespmem:s25], [sflag:$0x1] =	stream.indirect.gather [hbm4b:s6+s31], $0x80, s19, s31, $0xb8;
	[tilespmem:$0x1EC00] =	vst v63  }
0x76: {  	_ =	swait.ge [sflag:s1], $0x4000  }
0x77: {  	[sflag:s1] =	ssyncset.done $0x0  }
0x78: {  	s19 =	sadd.s32 $0x14480, s16;
	[sflag:s1] =	ssyncadd.s32 $0xFFFFC000  }
0x79: {  	[spmem:s3] =	stream.indirect.scatter.add.f32 [tilespmem:s0], [sflag:$0x5], $0x80, s19, s31, $0xb8;
	[tilespmem:$0x1EC00] =	vst v63  }
0x7a: {  	_ =	swait.ge [sflag:s26], $0x4000  }
0x7b: {  	[sflag:s26] =	ssyncset.done $0x0  }
0x7c: {  	s19 =	sor.u32 $0x14180, s15;
	[sflag:s26] =	ssyncadd.s32 $0xFFFFC000  }
0x7d: {  	[tilespmem:s0], [sflag:$0x2] =	stream.indirect.gather [hbm4b:s6+s31], $0x80, s19, s31, $0xb8;
	[tilespmem:$0x1EC00] =	vst v63  }
0x7e: {  	_ =	swait.ge [sflag:s28], $0x4000  }
0x7f: {  	[sflag:s28] =	ssyncset.done $0x0  }
0x80: {  	s19 =	sadd.s32 $0x14500, s16;
	[sflag:s28] =	ssyncadd.s32 $0xFFFFC000  }
0x81: {  	[spmem:s3] =	stream.indirect.scatter.add.f32 [tilespmem:s25], [sflag:$0x5], $0x80, s19, s31, $0xb8;
	[tilespmem:$0x1EC00] =	vst v63  }
0x82: {  	_ =	swait.ge [sflag:s26], $0x4000  }
0x83: {  	[sflag:s26] =	ssyncset.done $0x0  }
0x84: {  	s18 =	sadd.s32 $0x3, s18;
	[sflag:s26] =	ssyncadd.s32 $0xFFFFC000  }
0x85: {  	_ =	swait.ge [sflag:s18], $0x200  }
0x86: {  	[sflag:s18] =	ssyncset.done $0x0  }
0x87: {  	[sflag:s18] =	ssyncadd.s32 $0xFFFFFE00;
	s18 =	sor.u32 $0x14000, s17  }
0x88: {  	[tilespmem:s25], [sflag:$0x1] =	stream.indirect.gather [hbm4b:s6+s31], $0x80, s18, s31, $0xb8;
	[tilespmem:$0x1EC00] =	vst v63  }
0x89: {  	_ =	swait.ge [sflag:s1], $0x4000  }
0x8a: {  	[sflag:s1] =	ssyncset.done $0x0  }
0x8b: {  	s16 =	sadd.s32 $0x14580, s16;
	s18 =	sadd.s32 $0x400, s12;
	[sflag:s1] =	ssyncadd.s32 $0xFFFFC000  }
0x8c: {  	[spmem:s3] =	stream.indirect.scatter.add.f32 [tilespmem:s0], [sflag:$0x5], $0x80, s16, s31, $0xb8;
	[tilespmem:$0x1EC00] =	vst v63  }
.Ltmp1:
0x8d: {  	s16 =	sand.u32 $0x7C00, s18;
	_ =	swait.ge [sflag:s26], $0x4000;
	(pc) =	sbr.rel @p0 .LBB2_4-.Ltmp1, $4  }
0x8e: {  	s18 =	sand.u32 $0x200, s12;
	s16 =	sadd.s32 s5, s16;
	[sflag:s26] =	ssyncset.done $0x0  }
0x8f: {  	s17 =	sor.u32 $0x14080, s17;
	s16 =	sor.u32 s18, s16;
	[sflag:s26] =	ssyncadd.s32 $0xFFFFC000  }
0x90: {  	[tilespmem:s0], [sflag:$0x2] =	stream.indirect.gather [hbm4b:s6+s31], $0x80, s17, s31, $0xb8;
	[tilespmem:$0x1EC00] =	vst v63  }
0x91: {  	s14 =	sadd.s32 $0x3, s14;
	s15 =	sor.u32 $0x14000, s15;
	s16 =	sshrl.u32 s16, $0x3  }
0x92: {  	s10 =	sadd.s32 s2, s16  }
0x93: {  	[tilespmem:s15], [sflag:s14] =	stream.linear.gather [hbm4b:s10+s4], $0x200, $0x38;
	[tilespmem:$0x1EC00] =	vst v63  }
0x94: {  	_ =	swait.ge [sflag:s28], $0x4000  }
0x95: {  	[sflag:s28] =	ssyncset.done $0x0  }
0x96: {  	s18 =	simm.s32 $0x16800;
	[sflag:s28] =	ssyncadd.s32 $0xFFFFC000  }
0x97: {  	[spmem:s3] =	stream.indirect.scatter.add.f32 [tilespmem:s25], [sflag:$0x5], $0x80, s18, s31, $0xb8;
	[tilespmem:$0x1EC00] =	vst v63  }
0x98: {  	_ =	swait.ge [sflag:s26], $0x4000  }
0x99: {  	[sflag:s26] =	ssyncset.done $0x0  }
0x9a: {  	s19 =	simm.s32 $0x14100;
	[sflag:s26] =	ssyncadd.s32 $0xFFFFC000  }
0x9b: {  	[tilespmem:s25], [sflag:$0x1] =	stream.indirect.gather [hbm4b:s6+s31], $0x80, s19, s31, $0xb8;
	[tilespmem:$0x1EC00] =	vst v63  }
0x9c: {  	_ =	swait.ge [sflag:s1], $0x4000  }
0x9d: {  	[sflag:s1] =	ssyncset.done $0x0  }
0x9e: {  	s11 =	simm.s32 $0x16880;
	[sflag:s1] =	ssyncadd.s32 $0xFFFFC000  }
0x9f: {  	[spmem:s3] =	stream.indirect.scatter.add.f32 [tilespmem:s0], [sflag:$0x5], $0x80, s11, s31, $0xb8;
	[tilespmem:$0x1EC00] =	vst v63  }
0xa0: {  	_ =	swait.ge [sflag:s26], $0x4000  }
0xa1: {  	[sflag:s26] =	ssyncset.done $0x0  }
0xa2: {  	s12 =	simm.s32 $0x14180;
	[sflag:s26] =	ssyncadd.s32 $0xFFFFC000  }
0xa3: {  	[tilespmem:s0], [sflag:$0x2] =	stream.indirect.gather [hbm4b:s6+s31], $0x80, s12, s31, $0xb8;
	[tilespmem:$0x1EC00] =	vst v63  }
0xa4: {  	_ =	swait.ge [sflag:s28], $0x4000  }
0xa5: {  	[sflag:s28] =	ssyncset.done $0x0  }
0xa6: {  	s14 =	simm.s32 $0x16900;
	[sflag:s28] =	ssyncadd.s32 $0xFFFFC000  }
0xa7: {  	[spmem:s3] =	stream.indirect.scatter.add.f32 [tilespmem:s25], [sflag:$0x5], $0x80, s14, s31, $0xb8;
	[tilespmem:$0x1EC00] =	vst v63  }
0xa8: {  	_ =	swait.ge [sflag:s26], $0x4000  }
0xa9: {  	[sflag:s26] =	ssyncset.done $0x0  }
0xaa: {  	[sflag:s26] =	ssyncadd.s32 $0xFFFFC000  }
0xab: {  	_ =	swait.ge [sflag:s8], $0x200  }
0xac: {  	[sflag:s8] =	ssyncset.done $0x0  }
0xad: {  	[sflag:s8] =	ssyncadd.s32 $0xFFFFFE00  }
0xae: {  	[tilespmem:s25], [sflag:$0x1] =	stream.indirect.gather [hbm4b:s6+s31], $0x80, s30, s31, $0xb8;
	[tilespmem:$0x1EC00] =	vst v63  }
0xaf: {  	_ =	swait.ge [sflag:s1], $0x4000  }
0xb0: {  	[sflag:s1] =	ssyncset.done $0x0  }
0xb1: {  	s15 =	simm.s32 $0x16980;
	[sflag:s1] =	ssyncadd.s32 $0xFFFFC000  }
0xb2: {  	[spmem:s3] =	stream.indirect.scatter.add.f32 [tilespmem:s0], [sflag:$0x5], $0x80, s15, s31, $0xb8;
	[tilespmem:$0x1EC00] =	vst v63  }
0xb3: {  	_ =	swait.ge [sflag:s26], $0x4000  }
0xb4: {  	[sflag:s26] =	ssyncset.done $0x0  }
0xb5: {  	s16 =	simm.s32 $0x14280;
	[sflag:s26] =	ssyncadd.s32 $0xFFFFC000  }
0xb6: {  	[tilespmem:s0], [sflag:$0x2] =	stream.indirect.gather [hbm4b:s6+s31], $0x80, s16, s31, $0xb8;
	[tilespmem:$0x1EC00] =	vst v63  }
0xb7: {  	_ =	swait.ge [sflag:s28], $0x4000  }
0xb8: {  	[sflag:s28] =	ssyncset.done $0x0  }
0xb9: {  	s17 =	simm.s32 $0x16A00;
	[sflag:s28] =	ssyncadd.s32 $0xFFFFC000  }
0xba: {  	[spmem:s3] =	stream.indirect.scatter.add.f32 [tilespmem:s25], [sflag:$0x5], $0x80, s17, s31, $0xb8;
	[tilespmem:$0x1EC00] =	vst v63  }
0xbb: {  	_ =	swait.ge [sflag:s26], $0x4000  }
0xbc: {  	[sflag:s26] =	ssyncset.done $0x0  }
0xbd: {  	s18 =	simm.s32 $0x14300;
	[sflag:s26] =	ssyncadd.s32 $0xFFFFC000  }
0xbe: {  	[tilespmem:s25], [sflag:$0x1] =	stream.indirect.gather [hbm4b:s6+s31], $0x80, s18, s31, $0xb8;
	[tilespmem:$0x1EC00] =	vst v63  }
0xbf: {  	_ =	swait.ge [sflag:s1], $0x4000  }
0xc0: {  	[sflag:s1] =	ssyncset.done $0x0  }
0xc1: {  	s19 =	simm.s32 $0x16A80;
	[sflag:s1] =	ssyncadd.s32 $0xFFFFC000  }
0xc2: {  	[spmem:s3] =	stream.indirect.scatter.add.f32 [tilespmem:s0], [sflag:$0x5], $0x80, s19, s31, $0xb8;
	[tilespmem:$0x1EC00] =	vst v63  }
0xc3: {  	_ =	swait.ge [sflag:s26], $0x4000  }
0xc4: {  	[sflag:s26] =	ssyncset.done $0x0  }
0xc5: {  	s11 =	simm.s32 $0x14380;
	[sflag:s26] =	ssyncadd.s32 $0xFFFFC000  }
0xc6: {  	[tilespmem:s0], [sflag:$0x2] =	stream.indirect.gather [hbm4b:s6+s31], $0x80, s11, s31, $0xb8;
	[tilespmem:$0x1EC00] =	vst v63  }
0xc7: {  	_ =	swait.ge [sflag:s28], $0x4000  }
0xc8: {  	[sflag:s28] =	ssyncset.done $0x0  }
0xc9: {  	s12 =	simm.s32 $0x16B00;
	[sflag:s28] =	ssyncadd.s32 $0xFFFFC000  }
0xca: {  	[spmem:s3] =	stream.indirect.scatter.add.f32 [tilespmem:s25], [sflag:$0x5], $0x80, s12, s31, $0xb8;
	[tilespmem:$0x1EC00] =	vst v63  }
0xcb: {  	_ =	swait.ge [sflag:s26], $0x4000  }
0xcc: {  	[sflag:s26] =	ssyncset.done $0x0  }
0xcd: {  	[sflag:s26] =	ssyncadd.s32 $0xFFFFC000  }
0xce: {  	_ =	swait.ge [sflag:s1], $0x4000  }
0xcf: {  	[sflag:s1] =	ssyncset.done $0x0  }
0xd0: {  	s14 =	simm.s32 $0x16B80;
	[sflag:s1] =	ssyncadd.s32 $0xFFFFC000  }
0xd1: {  	[spmem:s3] =	stream.indirect.scatter.add.f32 [tilespmem:s0], [sflag:$0x5], $0x80, s14, s31, $0xb8;
	[tilespmem:$0x1EC00] =	vst v63  }
0xd2: {  	_ =	swait.ge [sflag:s26], $0x4000  }
0xd3: {  	[sflag:s26] =	ssyncset.done $0x0  }
0xd4: {  	[sflag:s26] =	ssyncadd.s32 $0xFFFFC000  }
0xd5: {  	[bflag:$0x0] =	sbarrier.arrive $0xFFFF  }
0xd6: {  	[tilespmem:s25], [sflag:$0x5] =	stream.linear.gather [spmem:s7], $0x4000, $0x38;
	[tilespmem:$0x1EC00] =	vst v63  }
0xd7: {  	_ =	swait.ge [sflag:s26], $0x4000  }
0xd8: {  	[sflag:s26] =	ssyncset.done $0x0  }
0xd9: {  	s15 =	rddreg [dreg:$0xb];
	[sflag:s26] =	ssyncadd.s32 $0xFFFFC000  }
0xda: {  	[hbm4b:s15+s4] =	stream.linear.scatter [tilespmem:s25], [sflag:$0x5], $0x4000, $0x38;
	[tilespmem:$0x1EC00] =	vst v63  }
0xdb: {  	_ =	swait.ge [sflag:s26], $0x4000  }
0xdc: {  	[sflag:s26] =	ssyncset.done $0x0  }
0xdd: {  	s16 =	rddreg [dreg:$0xc];
	[sflag:s26] =	ssyncadd.s32 $0xFFFFC000  }
0xde: {  	[tilespmem:s25], [sflag:$0x5] =	stream.linear.gather [spmem:s16], $0x4000, $0x38;
	[tilespmem:$0x1EC00] =	vst v63  }
0xdf: {  	_ =	swait.ge [sflag:s26], $0x4000  }
0xe0: {  	[sflag:s26] =	ssyncset.done $0x0  }
0xe1: {  	s17 =	rddreg [dreg:$0xd];
	[sflag:s26] =	ssyncadd.s32 $0xFFFFC000  }
0xe2: {  	[hbm4b:s17+s4] =	stream.linear.scatter [tilespmem:s25], [sflag:$0x5], $0x4000, $0x38;
	[tilespmem:$0x1EC00] =	vst v63  }
0xe3: {  	_ =	swait.ge [sflag:s26], $0x4000  }
0xe4: {  	[sflag:s26] =	ssyncset.done $0x0  }
0xe5: {  	s18 =	rddreg [dreg:$0xe];
	[sflag:s26] =	ssyncadd.s32 $0xFFFFC000  }
0xe6: {  	[tilespmem:s25], [sflag:$0x5] =	stream.linear.gather [spmem:s18], $0x4000, $0x38;
	[tilespmem:$0x1EC00] =	vst v63  }
0xe7: {  	_ =	swait.ge [sflag:s26], $0x4000  }
0xe8: {  	[sflag:s26] =	ssyncset.done $0x0  }
0xe9: {  	[sflag:s26] =	ssyncadd.s32 $0xFFFFC000  }
0xea: {  	[hbm4b:s20+s4] =	stream.linear.scatter [tilespmem:s25], [sflag:$0x5], $0x4000, $0x38;
	[tilespmem:$0x1EC00] =	vst v63  }
0xeb: {  	_ =	swait.ge [sflag:s26], $0x4000  }
0xec: {  	[sflag:s26] =	ssyncset.done $0x0  }
0xed: {  	[sflag:s26] =	ssyncadd.s32 $0xFFFFC000  }
0xee: {  	[tilespmem:s25], [sflag:$0x5] =	stream.linear.gather [spmem:s21], $0x4000, $0x38;
	[tilespmem:$0x1EC00] =	vst v63  }
0xef: {  	_ =	swait.ge [sflag:s26], $0x4000  }
0xf0: {  	[sflag:s26] =	ssyncset.done $0x0  }
0xf1: {  	[sflag:s26] =	ssyncadd.s32 $0xFFFFC000  }
0xf2: {  	[hbm4b:s22+s4] =	stream.linear.scatter [tilespmem:s25], [sflag:$0x5], $0x4000, $0x38;
	[tilespmem:$0x1EC00] =	vst v63  }
0xf3: {  	_ =	swait.ge [sflag:s26], $0x4000  }
0xf4: {  	[sflag:s26] =	ssyncset.done $0x0  }
0xf5: {  	[sflag:s26] =	ssyncadd.s32 $0xFFFFC000  }
0xf6: {  	[tilespmem:s25], [sflag:$0x5] =	stream.linear.gather [spmem:s23], $0x4000, $0x38;
	[tilespmem:$0x1EC00] =	vst v63  }
0xf7: {  	_ =	swait.ge [sflag:s26], $0x4000  }
0xf8: {  	[sflag:s26] =	ssyncset.done $0x0  }
0xf9: {  	[sflag:s26] =	ssyncadd.s32 $0xFFFFC000  }
0xfa: {  	[hbm4b:s24+s4] =	stream.linear.scatter [tilespmem:s25], [sflag:$0x5], $0x4000, $0x38;
	[tilespmem:$0x1EC00] =	vst v63  }
0xfb: {  	_ =	swait.ge [sflag:s26], $0x4000  }
0xfc: {  	s9 =	sadd.s32 $0x1, s9;
	s19 =	rddreg [dreg:$0xa]  }
0xfd: {  	p0 =	sne.s32 s9, s19  }
.Ltmp2:
0xfe: {  	_ = 	snop;
	(pc) =	sbr.rel @p0 .LBB2_1-.Ltmp2, $3  }
0xff: {  	_ =	sdelay $0x1  }
0x100: {  	[sflag:s26] =	ssyncset.done $0x0  }
0x101: {  	[sflag:s26] =	ssyncadd.s32 $0xFFFFC000  }
0x102: {  	_ =	sfence.sel $0x180000  }
0x103: {  	[bflag:$0x0] =	sbarrier.arrive $0xFFFF  }
0x104: {  	_ =	strace $0x9000004D  }
0x105: {  	s0 =	stileid.u32;
	[bflag:$0x2] =	sbarrier.arrive $0xFFFF  }
0x106: {  	p0 =	sne.s32 s0, $0x0;
	s0 =	rddreg [dreg:$0x3]  }
0x107: {  	s0 =	sadd.s32 @!p0 $0x100000, s0  }
0x108: {  	[sflag:s0] =	ssyncadd.tile.s32 @!p0 $0x1;
	_ =	shalt  }
.Lfunc_end2:
_tile_overlayer_lowered:
.L_overlay_start_2:
0x109: {  	(tag) =	ssettag $0x2  }
0x10a: {  	s0 =	rddreg [dreg:$0x0];
	s2 =	stileid.u32  }
0x10b: {  	s1 =	rddreg [dreg:$0x1];
	p0 =	sne.s32 s2, $0x0  }
0x10c: {  	s3 =	rddreg [dreg:$0x2];
	[bflag:$0x3] =	sbarrier.arrive $0xFFFF;
	s2 =	simm.s32 @!p0 $0x1C05  }
0x10d: {  	[timem:s3], [sflag:s2] =	dma.local @!p0 [hbm:s0], s1  }
0x10e: {  	s0 =	simm.s32 @!p0 $0x5  }
0x10f: {  	_ =	swait.ge @!p0 [sflag:s0], s1  }
0x110: {  	s1 =	ssub.s32 @!p0 $0x0, s1;
	[sflag:s0] =	ssyncset.done @!p0 $0x0  }
0x111: {  	[sflag:s0] =	ssyncadd.s32 @!p0 s1  }
0x112: {  	[bflag:$0x3] =	sbarrier.arrive $0xFFFF  }
0x113: {  	_ =	shalt  }

// kernel: kernel.9.cloned.1.call-start
scs
__scs_entry_jumppad:
0x0: {  	(pc) =	sbr.rel $0x88, $3  }
0x1: {  	(tag) =	ssettag $0x0;
	lr =	simm.s32 $0x1  }
0x2: {  	[smem:$0x3F9B] =	sst lr;
	_ =	strace $0xD0000000  }
0x3: {  	_ = 	snop  }
0x4: {  	_ = 	snop  }
0x5: {  	_ = 	snop  }
0x6: {  	_ = 	snop  }
0x7: {  	_ = 	snop  }
__scs_overlays_trampoline_lowered:
0x8: {  	[smem:$0x3FAA] =	sst s0  }
0x9: {  	[smem:$0x3FAB] =	sst s1  }
0xa: {  	[smem:$0x3FAC] =	sst s2  }
0xb: {  	[smem:$0x3FAD] =	sst s3  }
0xc: {  	[smem:$0x3FAE] =	sst s4  }
0xd: {  	[smem:$0x3FAF] =	sst s5  }
0xe: {  	[smem:$0x3FB0] =	sst s6  }
0xf: {  	[smem:$0x3FB1] =	sst s7  }
0x10: {  	[smem:$0x3FB2] =	sst s8  }
0x11: {  	[smem:$0x3FB3] =	sst s9;
	s0 =	simm.s32 @!p0 $0x0  }
0x12: {  	s1 =	sld [smem:$0x3F99];
	s0 =	simm.s32 @p0 $0x1  }
0x13: {  	[smem:$0x3FB4] =	sst s0;
	s0 =	simm.s32 @!p1 $0x0  }
0x14: {  	s2 =	sld [smem:$0x3F98];
	s0 =	simm.s32 @p1 $0x1  }
0x15: {  	[smem:$0x3FB5] =	sst s0;
	s0 =	simm.s32 @!p2 $0x0  }
0x16: {  	s3 =	sld [smem:$0x3FDB];
	s0 =	simm.s32 @p2 $0x1  }
0x17: {  	s4 =	simm.s32 $0x1BF5;
	[smem:$0x3FB7] =	sst s0  }
0x18: {  	s0 =	sld [smem:$0x3F9A];
	_ =	swait.ge [sflag:s4], $0x0  }
0x19: {  	s7 =	sld [smem:$0x3F9B]  }
0x1a: {  	s8 =	sadd.s32 $0xFFFFE003, lr  }
0x1b: {  	s9 =	sadd.s32 $0xFFFFFEF7, lr;
	s5 =	simm.s32 $0xFFFFFFFF;
	p2 =	slt.u32 s8, $0xFFFFF086  }
0x1c: {  	p1 =	slt.u32 s9, $0xF7A;
	s5 =	simm.s32 @!p2 $0x0  }
0x1d: {  	s5 =	simm.s32 @p1 $0x1;
	p0 =	seq.s32 s7, s2  }
0x1e: {  	s7 =	smul.u32 @!p0 $0xF7A, s2;
	p2 =	seq.s32 @!p0 s5, $0x0  }
0x1f: {  	s9 =	smul.u32 $0xF7A, s1;
	s8 =	simm.s32 @!p0 $0x1BF5;
	p2 =	por !p2, p0  }
0x20: {  	[sflag:s8] =	ssyncset.s32 @!p0 $0xFFFFF086;
	s6 =	sadd.s32 @!p0 s3, s7;
	s7 =	simm.s32 @!p0 $0x108  }
0x21: {  	s3 =	sadd.s32 s3, s9;
	s6 =	sadd.s32 @!p0 $0x88, s6;
	s7 =	simm.s32 @p2 $0x1082  }
0x22: {  	[simem:s7], [sflag:s8] =	dma.local @!p0 [hbm:s6], $0xF7A  }
0x23: {  	s9 =	sor.u32 $0xD0000000, s2;
	s6 =	simm.s32 $0x108;
	_ =	swait.ge @!p0 [sflag:s8], $0x0  }
0x24: {  	s3 =	sadd.s32 $0x88, s3;
	s6 =	simm.s32 @!p1 $0x1082;
	[sflag:s4] =	ssyncset.s32 $0xFFFFF086  }
0x25: {  	[simem:s6], [sflag:s4] =	dma.local [hbm:s3], $0xF7A  }
0x26: {  	[smem:$0x3F9B] =	sst s1;
	(tag) =	ssettag s2;
	_ =	strace s9  }
0x27: {  	s1 =	sld [smem:$0x3FAB]  }
0x28: {  	s2 =	sld [smem:$0x3FAC]  }
0x29: {  	s4 =	sld [smem:$0x3FAE]  }
0x2a: {  	p0 =	seq.s32 s5, $0x0;
	s5 =	sld [smem:$0x3FAF]  }
0x2b: {  	s6 =	sld [smem:$0x3FB0]  }
0x2c: {  	s7 =	sld [smem:$0x3FB1]  }
0x2d: {  	s3 =	simm.s32 $0x108;
	s8 =	sld [smem:$0x3FB2]  }
0x2e: {  	s3 =	simm.s32 @!p0 $0x1082;
	s9 =	sld [smem:$0x3FB3]  }
0x2f: {  	lr =	sadd.s32 s0, s3;
	s0 =	sld [smem:$0x3FAA]  }
0x30: {  	s3 =	sld [smem:$0x3FAD]  }
0x31: {  	[smem:$0x3FB6] =	sst s10  }
0x32: {  	s10 =	sld [smem:$0x3FB4];
	_ =	sdelay $0x3  }
0x33: {  	p0 =	seq.s32 s10, $0x1;
	s10 =	sld [smem:$0x3FB6];
	_ =	sdelay $0x3  }
0x34: {  	[smem:$0x3FB6] =	sst s10  }
0x35: {  	s10 =	sld [smem:$0x3FB5];
	_ =	sdelay $0x3  }
0x36: {  	p1 =	seq.s32 s10, $0x1;
	s10 =	sld [smem:$0x3FB6];
	_ =	sdelay $0x3  }
0x37: {  	[smem:$0x3FB6] =	sst s10  }
0x38: {  	s10 =	sld [smem:$0x3FB7]  }
0x39: {  	_ = 	snop;
	(pc) =	sbr.ind lr, $3  }
0x3a: {  	_ = 	snop  }
0x3b: {  	_ = 	snop  }
0x3c: {  	p2 =	seq.s32 s10, $0x1;
	s10 =	sld [smem:$0x3FB6]  }
0x3d: {  	_ =	shalt  }
0x3e: {  	_ =	shalt  }
0x3f: {  	_ =	shalt  }
0x40: {  	_ =	shalt  }
0x41: {  	_ =	shalt  }
0x42: {  	_ =	shalt  }
0x43: {  	_ =	shalt  }
0x44: {  	_ =	shalt  }
0x45: {  	_ =	shalt  }
0x46: {  	_ =	shalt  }
0x47: {  	_ =	shalt  }
0x48: {  	_ =	shalt  }
0x49: {  	_ =	shalt  }
0x4a: {  	_ =	shalt  }
0x4b: {  	_ =	shalt  }
0x4c: {  	_ =	shalt  }
0x4d: {  	_ =	shalt  }
0x4e: {  	_ =	shalt  }
0x4f: {  	_ =	shalt  }
0x50: {  	_ =	shalt  }
0x51: {  	_ =	shalt  }
0x52: {  	_ =	shalt  }
0x53: {  	_ =	shalt  }
0x54: {  	_ =	shalt  }
0x55: {  	_ =	shalt  }
0x56: {  	_ =	shalt  }
0x57: {  	_ =	shalt  }
0x58: {  	_ =	shalt  }
0x59: {  	_ =	shalt  }
0x5a: {  	_ =	shalt  }
0x5b: {  	_ =	shalt  }
0x5c: {  	_ =	shalt  }
0x5d: {  	_ =	shalt  }
0x5e: {  	_ =	shalt  }
0x5f: {  	_ =	shalt  }
0x60: {  	_ =	shalt  }
0x61: {  	_ =	shalt  }
0x62: {  	_ =	shalt  }
0x63: {  	_ =	shalt  }
0x64: {  	_ =	shalt  }
0x65: {  	_ =	shalt  }
0x66: {  	_ =	shalt  }
0x67: {  	_ =	shalt  }
0x68: {  	_ =	shalt  }
0x69: {  	_ =	shalt  }
0x6a: {  	_ =	shalt  }
0x6b: {  	_ =	shalt  }
0x6c: {  	_ =	shalt  }
0x6d: {  	_ =	shalt  }
0x6e: {  	_ =	shalt  }
0x6f: {  	_ =	shalt  }
0x70: {  	_ =	shalt  }
0x71: {  	_ =	shalt  }
0x72: {  	_ =	shalt  }
0x73: {  	_ =	shalt  }
0x74: {  	_ =	shalt  }
0x75: {  	_ =	shalt  }
0x76: {  	_ =	shalt  }
0x77: {  	_ =	shalt  }
0x78: {  	_ =	shalt  }
0x79: {  	_ =	shalt  }
0x7a: {  	_ =	shalt  }
0x7b: {  	_ =	shalt  }
0x7c: {  	_ =	shalt  }
0x7d: {  	_ =	shalt  }
0x7e: {  	_ =	shalt  }
0x7f: {  	_ =	shalt  }
0x80: {  	_ =	shalt  }
0x81: {  	_ =	shalt  }
0x82: {  	_ =	shalt  }
0x83: {  	_ =	shalt  }
0x84: {  	_ =	shalt  }
0x85: {  	_ =	shalt  }
0x86: {  	_ =	shalt  }
0x87: {  	_ =	shalt  }
.Lfunc_end0:
.L_simem_size_0:
called_computation_lowered:
.L_overlay_start_0:
0x88: {  	s2 =	sld [smem:$0x3FD9]  }
0x89: {  	s3 =	sld [smem:$0x3FFE];
	_ =	sdelay $0x1  }
0x8a: {  	s1 =	srdreg.scid  }
0x8b: {  	s0 =	sand.u32 $0x1, s1  }
0x8c: {  	s17 =	sshll.u32 s0, $0xA;
	s2 =	sadd.s32 s3, s2  }
0x8d: {  	s2 =	sadd.s32 s2, s17  }
0x8e: {  	[smem:$0x3FC2] =	sst s2  }
0x8f: {  	_ = 	snop  }
0x90: {  	s2 =	sld [smem:$0x3FD0];
	(tm) =	ssettm $0x1  }
0x91: {  	s18 =	sld [smem:$0x3FFB];
	_ =	sdelay $0x3  }
0x92: {  	_ =	strace s18  }
0x93: {  	s3 =	sld [smem:$0x3FFC];
	_ =	sdelay $0x3  }
0x94: {  	_ =	strace s3  }
0x95: {  	s3 =	sld [smem:$0x3FFD];
	_ =	sdelay $0x3  }
0x96: {  	_ =	strace s3  }
0x97: {  	_ =	strace $0x8FFFFFFF  }
0x98: {  	s19 =	sld [smem:$0x3FDB];
	_ =	sdelay $0x1  }
0x99: {  	s4 =	simm.s32 $_scs_section_size  }
0x9a: {  	s5 =	simm.s32 $_size__tile_overlayer_lowered;
	s6 =	simm.s32 $_tile_overlayer_lowered  }
0x9b: {  	s22 =	simm.s32 $0x1BFF;
	s21 =	sshll.u32 s6, $0x1;
	s3 =	sadd.s32 s4, s19  }
0x9c: {  	s7 =	simm.s32 $0x0;
	s20 =	sshll.u32 s5, $0x1;
	s5 =	sadd.s32 s21, s3  }
0x9d: {  	[timem:s7], [sflag:s22] =	dma.local [hbm:s5], s20  }
0x9e: {  	_ =	swait.ge [sflag:s22], s20  }
0x9f: {  	s4 =	ssub.s32 $0x0, s20;
	[sflag:s22] =	ssyncset.done $0x0  }
0xa0: {  	[sflag:s22] =	ssyncadd.s32 s4;
	_ =	sdelay $0x1  }
0xa1: {  	s23 =	simm.s32 $0x1B8B  }
0xa2: {  	_ =	swait.ge [sflag:s23], $0x1  }
0xa3: {  	[sflag:s23] =	ssyncset.done $0x0  }
0xa4: {  	s25 =	simm.s32 $0x1B8E;
	s24 =	sld [smem:$0x3FFE];
	[sflag:s23] =	ssyncadd.s32 $0xFFFFFFFF  }
0xa5: {  	s26 =	simm.s32 $execute0_lowered;
	[smem:$0x3FD2] =	sst s25  }
0xa6: {  	s5 =	sshll.u32 s26, $0x1;
	_ =	strace $0x80000046;
	[dreg:$0x1] =	wrdreg $0xFFFFFFFF  }
0xa7: {  	s28 =	simm.s32 $_size_execute0_lowered;
	s3 =	sadd.s32 s3, s5;
	[dreg:$0x0] =	wrdreg $0x0  }
0xa8: {  	s5 =	sshll.u32 s28, $0x1;
	[dreg:$0x2] =	wrdreg s3  }
0xa9: {  	[dreg:$0x3] =	wrdreg s5  }
0xaa: {  	[dreg:$0x4] =	wrdreg $0xC0  }
0xab: {  	_ =	task [dreg:s7], $0x5FFFF  }
0xac: {  	[dreg:$0x1] =	wrdreg $0xFFFFFFFF  }
0xad: {  	[dreg:$0x0] =	wrdreg $0x60  }
0xae: {  	[dreg:$0x2] =	wrdreg s2  }
0xaf: {  	[dreg:$0x3] =	wrdreg s24  }
0xb0: {  	[dreg:$0x4] =	wrdreg $0x0  }
0xb1: {  	[dreg:$0x5] =	wrdreg $0x2800  }
0xb2: {  	[dreg:$0x6] =	wrdreg $0x9  }
0xb3: {  	_ =	task.clear_ibuf [dreg:s7], $0x7FFFF;
	_ =	strace $0x90000046  }
0xb4: {  	s29 =	simm.s32 $0x9;
	_ =	strace $0x80000048  }
0xb5: {  	_ =	swait.ge [sflag:s29], $0x1  }
0xb6: {  	[sflag:s29] =	ssyncadd.s32 $0xFFFFFFFF  }
0xb7: {  	_ =	strace $0x90000048  }
0xb8: {  	_ =	sfence  }
0xb9: {  	s30 =	sld [smem:$0x0];
	_ =	sdelay $0x2  }
0xba: {  	s31 =	sshll.u32 s1, $0xD;
	s1 =	sshrl.u32 s1, $0x2  }
0xbb: {  	s3 =	sand.u32 $0x4000, s31;
	s1 =	sadd.s32 s1, s30  }
0xbc: {  	s0 =	sor.u32 s3, s0;
	s1 =	sshll.u32 s1, $0x11  }
0xbd: {  	s0 =	sor.u32 s1, s0  }
0xbe: {  	s0 =	sadd.s32 $0x8F2B, s0  }
0xbf: {  	[sflag:s0] =	ssyncadd.remote.s32 $0x1  }
0xc0: {  	_ =	sfence.sel $0xFFFF  }
0xc1: {  	[dreg:$0x0] =	wrdreg $0xFFFFFFFF;
	(pc) =	sbr.abs _section_cstart, $3  }
0xc2: {  	[dreg:$0x1] =	wrdreg $0xFFFFFFFF  }
0xc3: {  	_ =	task.clear_ibuf [dreg:s7], $0x2FFFF;
	_ =	strace $0x9FFFFFFF  }
0xc4: {  	(tm) =	ssettm $0x7FFFFFFF  }
0xc5: {  	_ =	shalt  }
tec
execute0_lowered:
.L_overlay_start_1:
0x0: {  	(tag) =	ssettag $0x1  }
0x1: {  	s7 =	rddreg [dreg:$0x0]  }
0x2: {  	s5 =	rddreg [dreg:$0x1]  }
0x3: {  	s2 =	rddreg [dreg:$0x2]  }
0x4: {  	s3 =	rddreg [dreg:$0x3];
	s4 =	srdreg.scid  }
0x5: {  	s0 =	rddreg [dreg:$0x4];
	s1 =	stileid.u32  }
0x6: {  	s14 =	simm.s32 $0x500;
	s15 =	simm.s32 $0x2D00;
	s16 =	simm.s32 $0x80  }
0x7: {  	s17 =	simm.s32 $0x5500;
	s18 =	simm.s32 $0x1;
	s19 =	simm.s32 $0x100  }
0x8: {  	s20 =	simm.s32 $0x0;
	s6 =	sand.u32 $0x1, s4;
	s10 =	smul.u32 $0x500, s1  }
0x9: {  	s4 =	simm.s32 $0x0;
	s8 =	sshll.u32 s1, $0x1;
	s31 =	smul.u32 $0x280, s1  }
0xa: {  	s9 =	smul.u32 $0x5000, s6;
	s8 =	sor.u32 s6, s8;
	s6 =	ssub.s32 $0x2, s6  }
0xb: {  	[smem:$0x7FF] =	sst s4;
	s8 =	smul.u32 $0x500, s8;
	s12 =	sshrl.u32 s6, $0x1  }
0xc: {  	_ =	strace $0x80000047;
	s9 =	sadd.s32 s10, s9;
	s12 =	ssub.s32 s6, s12  }
0xd: {  	s6 =	sadd.s32 s31, s3;
	s11 =	sadd.s32 s8, s5;
	s9 =	sshrl.u32 s9, $0x3  }
0xe: {  	s7 =	sadd.s32 s7, s8;
	s13 =	sadd.s32 s9, s5;
	s5 =	sadd.s32 s31, s2  }
0xf: {  	s8 =	sadd.s32 $0x2400, s11;
	s11 =	smax.u32 s12, $0x1;
	s12 =	simm.s32 $0x5580  }
0x10: {  	v0 =	vimm.f32 $1.000000000e+00;
	v1 =	vimm.f32 $0.0e+00;
	s9 =	sadd.s32 $0xC400, s13;
	s10 =	sadd.s32 $0xC410, s13;
	s13 =	simm.s32 $0x2  }
.LBB2_1:
0x11: {  	[tilespmem:$0x5500] =	vst v0  }
0x12: {  	[tilespmem:$0x5510] =	vst v0  }
0x13: {  	[tilespmem:$0x5520] =	vst v0  }
0x14: {  	[tilespmem:$0x5530] =	vst v0  }
0x15: {  	[tilespmem:$0x5540] =	vst v0  }
0x16: {  	[tilespmem:$0x5550] =	vst v0  }
0x17: {  	[tilespmem:$0x5560] =	vst v0  }
0x18: {  	[tilespmem:$0x5570] =	vst v0  }
0x19: {  	[tilespmem:$0x5580] =	vst v1  }
0x1a: {  	[tilespmem:$0x5590] =	vst v1  }
0x1b: {  	[tilespmem:$0x55A0] =	vst v1  }
0x1c: {  	[tilespmem:$0x55B0] =	vst v1  }
0x1d: {  	[tilespmem:$0x55C0] =	vst v1  }
0x1e: {  	[tilespmem:$0x55D0] =	vst v1  }
0x1f: {  	[tilespmem:$0x55E0] =	vst v1  }
0x20: {  	[tilespmem:$0x55F0] =	vst v1  }
0x21: {  	[tilespmem:$0x5600] =	vst v1  }
0x22: {  	[tilespmem:$0x5610] =	vst v1  }
0x23: {  	[tilespmem:$0x5620] =	vst v1  }
0x24: {  	[tilespmem:$0x5630] =	vst v1  }
0x25: {  	[tilespmem:$0x5640] =	vst v1  }
0x26: {  	[tilespmem:$0x5650] =	vst v1  }
0x27: {  	[tilespmem:$0x5660] =	vst v1  }
0x28: {  	[tilespmem:$0x5670] =	vst v1  }
0x29: {  	[tilespmem:$0x5680] =	vst v1  }
0x2a: {  	[tilespmem:$0x5690] =	vst v1  }
0x2b: {  	[tilespmem:$0x56A0] =	vst v1  }
0x2c: {  	[tilespmem:$0x56B0] =	vst v1  }
0x2d: {  	[tilespmem:$0x56C0] =	vst v1  }
0x2e: {  	[tilespmem:$0x56D0] =	vst v1  }
0x2f: {  	[tilespmem:$0x56E0] =	vst v1  }
0x30: {  	[tilespmem:$0x56F0] =	vst v1  }
0x31: {  	[tilespmem:$0x5700] =	vst v1  }
0x32: {  	[tilespmem:$0x5710] =	vst v1  }
0x33: {  	[tilespmem:$0x5720] =	vst v1  }
0x34: {  	[tilespmem:$0x5730] =	vst v1  }
0x35: {  	[tilespmem:$0x5740] =	vst v1  }
0x36: {  	[tilespmem:$0x5750] =	vst v1  }
0x37: {  	[tilespmem:$0x5760] =	vst v1  }
0x38: {  	[tilespmem:$0x5770] =	vst v1  }
0x39: {  	[tilespmem:$0x5780] =	vst v1  }
0x3a: {  	[tilespmem:$0x5790] =	vst v1  }
0x3b: {  	[tilespmem:$0x57A0] =	vst v1  }
0x3c: {  	[tilespmem:$0x57B0] =	vst v1  }
0x3d: {  	[tilespmem:$0x57C0] =	vst v1  }
0x3e: {  	[tilespmem:$0x57D0] =	vst v1  }
0x3f: {  	[tilespmem:$0x57E0] =	vst v1  }
0x40: {  	[tilespmem:$0x57F0] =	vst v1  }
0x41: {  	[spmem:s5] =	stream.linear.scatter [tilespmem:s12], [sflag:$0x2], $0x280, $0x38;
	[tilespmem:$0x5800] =	vst v63  }
0x42: {  	_ =	swait.ge [sflag:s13], $0x280  }
0x43: {  	[sflag:s13] =	ssyncset.done $0x0  }
0x44: {  	[sflag:s13] =	ssyncadd.s32 $0xFFFFFD80  }
0x45: {  	[spmem:s6] =	stream.linear.scatter [tilespmem:s12], [sflag:$0x2], $0x280, $0x38;
	[tilespmem:$0x5800] =	vst v63  }
0x46: {  	_ =	swait.ge [sflag:s13], $0x280  }
0x47: {  	[sflag:s13] =	ssyncset.done $0x0  }
0x48: {  	[sflag:s13] =	ssyncadd.s32 $0xFFFFFD80  }
0x49: {  	[tilespmem:s14], [sflag:$0x2] =	stream.linear.gather [hbm4b:s7+s4], $0x2800, $0x38;
	[tilespmem:$0x5800] =	vst v63  }
0x4a: {  	_ =	swait.ge [sflag:s13], $0x2800  }
0x4b: {  	[sflag:s13] =	ssyncset.done $0x0  }
0x4c: {  	[sflag:s13] =	ssyncadd.s32 $0xFFFFD800  }
0x4d: {  	[tilespmem:s15], [sflag:$0x2] =	stream.linear.gather [hbm4b:s8+s4], $0x2800, $0x38;
	[tilespmem:$0x5800] =	vst v63  }
0x4e: {  	_ =	swait.ge [sflag:s13], $0x2800  }
0x4f: {  	[sflag:s13] =	ssyncset.done $0x0  }
0x50: {  	[sflag:s13] =	ssyncadd.s32 $0xFFFFD800  }
0x51: {  	s21 =	simm.s32 $0x500;
	[bflag:$0x0] =	sbarrier.arrive $0xFFFF  }
0x52: {  	[spmem:s2] =	stream.indirect.scatter.add.f32 [tilespmem:s17], [sflag:$0x1], $0x1, s21, s16, $0xb8;
	[tilespmem:$0x5800] =	vst v63  }
0x53: {  	s22 =	simm.s32 $0x2D00;
	s21 =	simm.s32 $0x200  }
.LBB2_2:
0x54: {  	[spmem:s3] =	stream.indirect.scatter.add.f32 [tilespmem:s17], [sflag:$0x1], $0x1, s22, s16, $0xb8;
	[tilespmem:$0x5800] =	vst v63  }
0x55: {  	s22 =	smov.u32 s21;
	p0 =	sne.s32 s21, $0x9E00  }
.Ltmp0:
0x56: {  	s21 =	sadd.s32 $0x200, s21;
	(pc) =	sbr.rel @p0 .LBB2_2-.Ltmp0, $4  }
0x57: {  	s22 =	sshra.s32 s22, $0x2  }
0x58: {  	s23 =	sadd.s32 $0x500, s22  }
0x59: {  	[spmem:s2] =	stream.indirect.scatter.add.f32 [tilespmem:s17], [sflag:$0x1], $0x1, s23, s16, $0xb8;
	[tilespmem:$0x5800] =	vst v63  }
0x5a: {  	s22 =	sadd.s32 $0x2D00, s22  }
0x5b: {  	[spmem:s3] =	stream.indirect.scatter.add.f32 [tilespmem:s17], [sflag:$0x1], $0x1, s22, s16, $0xb8;
	[tilespmem:$0x5800] =	vst v63  }
0x5c: {  	_ =	swait.ge [sflag:s18], $0x80  }
0x5d: {  	[sflag:s18] =	ssyncset.done $0x0  }
0x5e: {  	[sflag:s18] =	ssyncadd.s32 $0xFFFFFF80  }
0x5f: {  	_ =	swait.ge [sflag:s18], $0x80  }
0x60: {  	s21 =	simm.s32 $0x4F;
	[sflag:s18] =	ssyncset.done $0x0  }
.LBB2_4:
0x61: {  	p0 =	sne.s32 s21, $0x1;
	s21 =	sadd.s32 $0xFFFFFFFF, s21;
	[sflag:s18] =	ssyncadd.s32 $0xFFFFFF80  }
.Ltmp1:
0x62: {  	_ =	swait.ge [sflag:s18], $0x80;
	(pc) =	sbr.rel @p0 .LBB2_4-.Ltmp1, $4  }
0x63: {  	[sflag:s18] =	ssyncset.done $0x0  }
0x64: {  	[sflag:s18] =	ssyncadd.s32 $0xFFFFFF80  }
0x65: {  	_ =	swait.ge [sflag:s18], $0x80  }
0x66: {  	[sflag:s18] =	ssyncset.done $0x0  }
0x67: {  	[sflag:s18] =	ssyncadd.s32 $0xFFFFFF80  }
0x68: {  	[bflag:$0x0] =	sbarrier.arrive $0xFFFF  }
0x69: {  	[tilespmem:s12], [sflag:$0x2] =	stream.linear.gather [spmem:s5], $0x280, $0x38;
	[tilespmem:$0x5800] =	vst v63  }
0x6a: {  	_ =	swait.ge [sflag:s13], $0x280  }
0x6b: {  	[sflag:s13] =	ssyncset.done $0x0  }
0x6c: {  	[sflag:s13] =	ssyncadd.s32 $0xFFFFFD80  }
0x6d: {  	[hbm4b:s9+s16] =	stream.strided.scatter [tilespmem:s12], [sflag:$0x2], $0x280, s19, s16, $0x38;
	[tilespmem:$0x5800] =	vst v63  }
0x6e: {  	_ =	swait.ge [sflag:s13], $0x280  }
0x6f: {  	[sflag:s13] =	ssyncset.done $0x0  }
0x70: {  	[sflag:s13] =	ssyncadd.s32 $0xFFFFFD80  }
0x71: {  	[tilespmem:s12], [sflag:$0x2] =	stream.linear.gather [spmem:s6], $0x280, $0x38;
	[tilespmem:$0x5800] =	vst v63  }
0x72: {  	s20 =	sadd.s32 $0x1, s20;
	_ =	swait.ge [sflag:s13], $0x280  }
0x73: {  	p0 =	sne.s32 s20, s11;
	[sflag:s13] =	ssyncset.done $0x0  }
.Ltmp2:
0x74: {  	[sflag:s13] =	ssyncadd.s32 $0xFFFFFD80;
	(pc) =	sbr.rel @p0 .LBB2_1-.Ltmp2, $4  }
0x75: {  	[hbm4b:s10+s16] =	stream.strided.scatter [tilespmem:s12], [sflag:$0x2], $0x280, s19, s16, $0x38;
	[tilespmem:$0x5800] =	vst v63  }
0x76: {  	_ =	swait.ge [sflag:s13], $0x280  }
0x77: {  	[sflag:s13] =	ssyncset.done $0x0  }
0x78: {  	[sflag:s13] =	ssyncadd.s32 $0xFFFFFD80  }
0x79: {  	_ =	sfence.sel $0x180000  }
0x7a: {  	[bflag:$0x0] =	sbarrier.arrive $0xFFFF  }
0x7b: {  	p0 =	sne.s32 s1, $0x0;
	_ =	strace $0x90000047  }
0x7c: {  	s0 =	sadd.s32 @!p0 $0x100000, s0;
	[bflag:$0x2] =	sbarrier.arrive $0xFFFF  }
0x7d: {  	[sflag:s0] =	ssyncadd.tile.s32 @!p0 $0x1;
	_ =	shalt  }
.Lfunc_end2:
_tile_overlayer_lowered:
.L_overlay_start_2:
0x7e: {  	(tag) =	ssettag $0x2  }
0x7f: {  	s0 =	rddreg [dreg:$0x0];
	s2 =	stileid.u32  }
0x80: {  	s1 =	rddreg [dreg:$0x1];
	p0 =	sne.s32 s2, $0x0  }
0x81: {  	s3 =	rddreg [dreg:$0x2];
	[bflag:$0x3] =	sbarrier.arrive $0xFFFF;
	s2 =	simm.s32 @!p0 $0x1C02  }
0x82: {  	[timem:s3], [sflag:s2] =	dma.local @!p0 [hbm:s0], s1  }
0x83: {  	s0 =	simm.s32 @!p0 $0x2  }
0x84: {  	_ =	swait.ge @!p0 [sflag:s0], s1  }
0x85: {  	s1 =	ssub.s32 @!p0 $0x0, s1;
	[sflag:s0] =	ssyncset.done @!p0 $0x0  }
0x86: {  	[sflag:s0] =	ssyncadd.s32 @!p0 s1  }
0x87: {  	[bflag:$0x3] =	sbarrier.arrive $0xFFFF  }
0x88: {  	_ =	shalt  }

</sc_bundles>
